<compile_context>
chip_gen: v7x
topology: tpu7x:2x2x1
jax: 0.10.2.dev20260603
libtpu: 0.0.44.dev20260713+nightly
codegen_flags: <defaults>
</compile_context>

<pallas_src>
import functools

import jax
import jax.numpy as jnp
from jax import lax
from jax.experimental import pallas as pl
from jax.experimental.pallas import tpu as pltpu
from jax.experimental.pallas import tpu_sc as plsc

D_MODEL = 1024
L_SEQ = 4096
NUM_EMB = 5
TEXT_ID = 0
VISUAL_ID = 3

NUM_CORES = 2
NUM_SUBCORES = 16
LANES = 16
NUM_WORKERS = NUM_CORES * NUM_SUBCORES
ROWS_PER_WORKER = L_SEQ // NUM_WORKERS
CHUNK = 16
NCHUNK = ROWS_PER_WORKER // CHUNK
SLICES = D_MODEL // LANES

_MESH = plsc.VectorSubcoreMesh(core_axis_name="c", subcore_axis_name="s")


@functools.partial(
    pl.kernel,
    out_type=jax.ShapeDtypeStruct((L_SEQ, 1, D_MODEL), jnp.float32),
    mesh=_MESH,
    scratch_types=[
        pltpu.VMEM((NUM_EMB, D_MODEL), jnp.float32),
        pltpu.VMEM((LANES,), jnp.int32),
        pltpu.VMEM((CHUNK, 1, D_MODEL), jnp.float32),
        pltpu.VMEM((CHUNK, 1, D_MODEL), jnp.float32),
        pltpu.SemaphoreType.DMA,
        pltpu.SemaphoreType.DMA,
        pltpu.SemaphoreType.DMA,
    ],
)
def _emb_lookup(table_hbm, ntxt_hbm, out_hbm, tab_v, ntxt_v, buf0, buf1,
                sem0, sem1, sem_in):
    wid = lax.axis_index("s") * NUM_CORES + lax.axis_index("c")
    base = wid * ROWS_PER_WORKER
    tab_dma = pltpu.async_copy(table_hbm, tab_v, sem_in)
    pltpu.sync_copy(ntxt_hbm, ntxt_v)
    ntxt = ntxt_v[...]
    tab_dma.wait()

    def fill(buf, c):
        cbase = base + c * CHUNK
        conds = [jnp.full((LANES,), cbase + r, jnp.int32) < ntxt
                 for r in range(CHUNK)]

        def body(s, carry):
            off = s * LANES
            e0 = tab_v[TEXT_ID, pl.ds(off, LANES)]
            e3 = tab_v[VISUAL_ID, pl.ds(off, LANES)]
            for r in range(CHUNK):
                buf[r, 0, pl.ds(off, LANES)] = jnp.where(conds[r], e0, e3)
            return carry
        lax.fori_loop(0, SLICES, body, 0)

    bufs = (buf0, buf1)
    sems = (sem0, sem1)
    handles = [None, None]
    for c in range(NCHUNK):
        b = c % 2
        if handles[b] is not None:
            handles[b].wait()
        fill(bufs[b], c)
        handles[b] = pltpu.async_copy(
            bufs[b], out_hbm.at[pl.ds(base + c * CHUNK, CHUNK)], sems[b])
    for h in handles:
        if h is not None:
            h.wait()


def kernel(x, num_frame, embedding):
    L, N, D = x.shape
    num_txt = jnp.full((LANES,), L - num_frame, dtype=jnp.int32)
    return _emb_lookup(embedding, num_txt)

# --- scband reference (transcript-rebuilt; emitter-appended) ---
"""Pipeline reference for scband-modality-embeddings-33079838114719 (READ-ONLY COPY).

The authoritative reference and input builder live on the scoring server;
editing this copy changes nothing except your own understanding.
"""

import jax, jax.numpy as jnp
import numpy as np

D_MODEL = 1024
NUM_EMBEDDINGS = 5  # len(ModalityEmbeddingsID)
TEXT_QUESTION = 0
VISUAL_EMBEDDING = 3


def setup_inputs(seed: int = 0) -> dict:
    key = jax.random.key(seed)
    k1, k2 = jax.random.split(key)
    x = jax.random.normal(k1, (4096, 4, D_MODEL), dtype=jnp.float32)
    embedding = jax.random.normal(k2, (NUM_EMBEDDINGS, D_MODEL), dtype=jnp.float32) * 0.02
    return {"x": x, "num_frame": 2048, "embedding": embedding}


def reference(x, num_frame, embedding):
    # x: (L, N, D). use_text_query=True so class_ids covers all L positions:
    # first (L - num_frame) positions -> TEXT_QUESTION, last num_frame -> VISUAL_EMBEDDING.
    L, N, D = x.shape
    num_txt = L - num_frame
    class_ids = jnp.where(
        jnp.arange(L) < num_txt,
        jnp.int32(TEXT_QUESTION),
        jnp.int32(VISUAL_EMBEDDING),
    )[:, None]  # (L, 1)
    # nn.Embedding lookup -> gather rows from the table
    return jnp.take(embedding, class_ids, axis=0)  # (L, 1, D)

if __name__ == "__main__":
    import jax
    _d = setup_inputs()
    print(jax.jit(kernel)(*tuple(_d.values())))

</pallas_src>

<mosaic_0001>
#map = affine_map<(d0, d1) -> (0, 0)>
#map1 = affine_map<(d0, d1) -> (0)>
#map2 = affine_map<(d0, d1) -> (0, 0, 0)>
module attributes {stable_mosaic.version = 14 : i64} {
  func.func @_emb_lookup(%arg0: i32, %arg1: i32, %arg2: memref<5x1024xf32, #tpu.memory_space<hbm>>, %arg3: memref<16xi32, #tpu.memory_space<hbm>>, %arg4: memref<4096x1x1024xf32, #tpu.memory_space<hbm>>, %arg5: memref<5x1024xf32, #tpu.memory_space<vmem>>, %arg6: memref<16xi32, #tpu.memory_space<vmem>>, %arg7: memref<16x1x1024xf32, #tpu.memory_space<vmem>>, %arg8: memref<16x1x1024xf32, #tpu.memory_space<vmem>>, %arg9: memref<!tpu.dma_semaphore, #tpu.memory_space<semaphore_mem>>, %arg10: memref<!tpu.dma_semaphore, #tpu.memory_space<semaphore_mem>>, %arg11: memref<!tpu.dma_semaphore, #tpu.memory_space<semaphore_mem>>) attributes {dimension_semantics = [#tpu.dimension_semantics<core_parallel>, #tpu.dimension_semantics<subcore_parallel>], iteration_bounds = array<i64: 2, 16>, scalar_prefetch = 0 : i64, scratch_operands = 7 : i64, tpu.core_type = #tpu.core_type<sc_vector_subcore>, window_params = [{transform_indices = #map}, {transform_indices = #map1}, {transform_indices = #map2}]} {
    %mul3A = arith.constant 2 : i32
    %mul3A_0 = arith.muli %arg1, %mul3A : i32
    %add3A = arith.addi %mul3A_0, %arg0 : i32
    %mul3A_1 = arith.constant 128 : i32
    %mul3A_2 = arith.muli %add3A, %mul3A_1 : i32
    tpu.enqueue_dma source(%arg2 : memref<5x1024xf32, #tpu.memory_space<hbm>>) target(%arg5 : memref<5x1024xf32, #tpu.memory_space<vmem>>) target_semaphore(%arg11 : memref<!tpu.dma_semaphore, #tpu.memory_space<semaphore_mem>>)
    "tpu.region"() ({
      %run_scoped3A = tpu.sem_alloc : memref<!tpu.dma_semaphore, #tpu.memory_space<semaphore_mem>>
      tpu.enqueue_dma source(%arg3 : memref<16xi32, #tpu.memory_space<hbm>>) target(%arg6 : memref<16xi32, #tpu.memory_space<vmem>>) target_semaphore(%run_scoped3A : memref<!tpu.dma_semaphore, #tpu.memory_space<semaphore_mem>>)
      tpu.wait_dma2 semaphore(%run_scoped3A : memref<!tpu.dma_semaphore, #tpu.memory_space<semaphore_mem>>) src(%arg3 : memref<16xi32, #tpu.memory_space<hbm>>) dst(%arg6 : memref<16xi32, #tpu.memory_space<vmem>>)
      tpu.yield
    }) : () -> ()
    %get3A = arith.constant 0 : index
    %get3A_3 = tpu.vector_load %arg6[%get3A] {strides = array<i32>} : memref<16xi32, #tpu.memory_space<vmem>>, vector<16xi32>,
    %get3A_4 = vector.shape_cast %get3A_3 : vector<16xi32> to vector<16xi32>
    tpu.wait_dma2 semaphore(%arg11 : memref<!tpu.dma_semaphore, #tpu.memory_space<semaphore_mem>>) src(%arg2 : memref<5x1024xf32, #tpu.memory_space<hbm>>) dst(%arg5 : memref<5x1024xf32, #tpu.memory_space<vmem>>)
    %add3A_5 = arith.constant 0 : i32
    %add3A_6 = arith.addi %mul3A_2, %add3A_5 : i32
    %add3A_7 = arith.constant 0 : i32
    %add3A_8 = arith.addi %add3A_6, %add3A_7 : i32
    %broadcast_in_dim3A = vector.broadcast %add3A_8 : i32 to vector<16xi32>
    %lt3A = arith.cmpi slt, %broadcast_in_dim3A, %get3A_4 : vector<16xi32>
    %add3A_9 = arith.constant 1 : i32
    %add3A_10 = arith.addi %add3A_6, %add3A_9 : i32
    %broadcast_in_dim3A_11 = vector.broadcast %add3A_10 : i32 to vector<16xi32>
    %lt3A_12 = arith.cmpi slt, %broadcast_in_dim3A_11, %get3A_4 : vector<16xi32>
    %add3A_13 = arith.constant 2 : i32
    %add3A_14 = arith.addi %add3A_6, %add3A_13 : i32
    %broadcast_in_dim3A_15 = vector.broadcast %add3A_14 : i32 to vector<16xi32>
    %lt3A_16 = arith.cmpi slt, %broadcast_in_dim3A_15, %get3A_4 : vector<16xi32>
    %add3A_17 = arith.constant 3 : i32
    %add3A_18 = arith.addi %add3A_6, %add3A_17 : i32
    %broadcast_in_dim3A_19 = vector.broadcast %add3A_18 : i32 to vector<16xi32>
    %lt3A_20 = arith.cmpi slt, %broadcast_in_dim3A_19, %get3A_4 : vector<16xi32>
    %add3A_21 = arith.constant 4 : i32
    %add3A_22 = arith.addi %add3A_6, %add3A_21 : i32
    %broadcast_in_dim3A_23 = vector.broadcast %add3A_22 : i32 to vector<16xi32>
    %lt3A_24 = arith.cmpi slt, %broadcast_in_dim3A_23, %get3A_4 : vector<16xi32>
    %add3A_25 = arith.constant 5 : i32
    %add3A_26 = arith.addi %add3A_6, %add3A_25 : i32
    %broadcast_in_dim3A_27 = vector.broadcast %add3A_26 : i32 to vector<16xi32>
    %lt3A_28 = arith.cmpi slt, %broadcast_in_dim3A_27, %get3A_4 : vector<16xi32>
    %add3A_29 = arith.constant 6 : i32
    %add3A_30 = arith.addi %add3A_6, %add3A_29 : i32
    %broadcast_in_dim3A_31 = vector.broadcast %add3A_30 : i32 to vector<16xi32>
    %lt3A_32 = arith.cmpi slt, %broadcast_in_dim3A_31, %get3A_4 : vector<16xi32>
    %add3A_33 = arith.constant 7 : i32
    %add3A_34 = arith.addi %add3A_6, %add3A_33 : i32
    %broadcast_in_dim3A_35 = vector.broadcast %add3A_34 : i32 to vector<16xi32>
    %lt3A_36 = arith.cmpi slt, %broadcast_in_dim3A_35, %get3A_4 : vector<16xi32>
    %add3A_37 = arith.constant 8 : i32
    %add3A_38 = arith.addi %add3A_6, %add3A_37 : i32
    %broadcast_in_dim3A_39 = vector.broadcast %add3A_38 : i32 to vector<16xi32>
    %lt3A_40 = arith.cmpi slt, %broadcast_in_dim3A_39, %get3A_4 : vector<16xi32>
    %add3A_41 = arith.constant 9 : i32
    %add3A_42 = arith.addi %add3A_6, %add3A_41 : i32
    %broadcast_in_dim3A_43 = vector.broadcast %add3A_42 : i32 to vector<16xi32>
    %lt3A_44 = arith.cmpi slt, %broadcast_in_dim3A_43, %get3A_4 : vector<16xi32>
    %add3A_45 = arith.constant 10 : i32
    %add3A_46 = arith.addi %add3A_6, %add3A_45 : i32
    %broadcast_in_dim3A_47 = vector.broadcast %add3A_46 : i32 to vector<16xi32>
    %lt3A_48 = arith.cmpi slt, %broadcast_in_dim3A_47, %get3A_4 : vector<16xi32>
    %add3A_49 = arith.constant 11 : i32
    %add3A_50 = arith.addi %add3A_6, %add3A_49 : i32
    %broadcast_in_dim3A_51 = vector.broadcast %add3A_50 : i32 to vector<16xi32>
    %lt3A_52 = arith.cmpi slt, %broadcast_in_dim3A_51, %get3A_4 : vector<16xi32>
    %add3A_53 = arith.constant 12 : i32
    %add3A_54 = arith.addi %add3A_6, %add3A_53 : i32
    %broadcast_in_dim3A_55 = vector.broadcast %add3A_54 : i32 to vector<16xi32>
    %lt3A_56 = arith.cmpi slt, %broadcast_in_dim3A_55, %get3A_4 : vector<16xi32>
    %add3A_57 = arith.constant 13 : i32
    %add3A_58 = arith.addi %add3A_6, %add3A_57 : i32
    %broadcast_in_dim3A_59 = vector.broadcast %add3A_58 : i32 to vector<16xi32>
    %lt3A_60 = arith.cmpi slt, %broadcast_in_dim3A_59, %get3A_4 : vector<16xi32>
    %add3A_61 = arith.constant 14 : i32
    %add3A_62 = arith.addi %add3A_6, %add3A_61 : i32
    %broadcast_in_dim3A_63 = vector.broadcast %add3A_62 : i32 to vector<16xi32>
    %lt3A_64 = arith.cmpi slt, %broadcast_in_dim3A_63, %get3A_4 : vector<16xi32>
    %add3A_65 = arith.constant 15 : i32
    %add3A_66 = arith.addi %add3A_6, %add3A_65 : i32
    %broadcast_in_dim3A_67 = vector.broadcast %add3A_66 : i32 to vector<16xi32>
    %lt3A_68 = arith.cmpi slt, %broadcast_in_dim3A_67, %get3A_4 : vector<16xi32>
    %scan3A = arith.constant 0 : i32
    %scan3A_69 = arith.constant 0 : i32
    %scan3A_70 = arith.constant 64 : i32
    %scan3A_71 = arith.addi %scan3A_69, %scan3A_70 : i32
    %scan3A_72 = arith.constant 1 : i32
    scf.for %scan3A_688 = %scan3A_69 to %scan3A_71 step %scan3A_72  : i32 {
      %mul3A_689 = arith.constant 16 : i32
      %mul3A_690 = arith.muli %scan3A_688, %mul3A_689 : i32
      %get3A_691 = arith.constant 0 : i32
      %get3A_692 = arith.index_cast %get3A_691 : i32 to index
      %get3A_693 = arith.index_cast %mul3A_690 : i32 to index
      %get3A_694 = tpu.vector_load %arg5[%get3A_692, %get3A_693] {strides = array<i32>} : memref<5x1024xf32, #tpu.memory_space<vmem>>, vector<1x16xf32>,
      %get3A_695 = vector.shape_cast %get3A_694 : vector<1x16xf32> to vector<16xf32>
      %get3A_696 = arith.constant 3 : i32
      %get3A_697 = arith.index_cast %get3A_696 : i32 to index
      %get3A_698 = arith.index_cast %mul3A_690 : i32 to index
      %get3A_699 = tpu.vector_load %arg5[%get3A_697, %get3A_698] {strides = array<i32>} : memref<5x1024xf32, #tpu.memory_space<vmem>>, vector<1x16xf32>,
      %get3A_700 = vector.shape_cast %get3A_699 : vector<1x16xf32> to vector<16xf32>
      %select_n3A = arith.select %lt3A, %get3A_695, %get3A_700 : vector<16xi1>, vector<16xf32>
      %swap3A = arith.constant 0 : i32
      %swap3A_701 = arith.constant 0 : i32
      %swap3A_702 = arith.index_cast %swap3A : i32 to index
      %swap3A_703 = arith.index_cast %swap3A_701 : i32 to index
      %swap3A_704 = arith.index_cast %mul3A_690 : i32 to index
      %swap3A_705 = tpu.vector_load %arg7[%swap3A_702, %swap3A_703, %swap3A_704] {strides = array<i32>} : memref<16x1x1024xf32, #tpu.memory_space<vmem>>, vector<1x1x16xf32>,
      %swap3A_706 = vector.shape_cast %swap3A_705 : vector<1x1x16xf32> to vector<16xf32>
      %swap3A_707 = vector.shape_cast %select_n3A : vector<16xf32> to vector<1x1x16xf32>
      tpu.vector_store %arg7[%swap3A_702, %swap3A_703, %swap3A_704], %swap3A_707 {strides = array<i32>} : memref<16x1x1024xf32, #tpu.memory_space<vmem>>, vector<1x1x16xf32>,
      %select_n3A_708 = arith.select %lt3A_12, %get3A_695, %get3A_700 : vector<16xi1>, vector<16xf32>
      %swap3A_709 = arith.constant 1 : i32
      %swap3A_710 = arith.constant 0 : i32
      %swap3A_711 = arith.index_cast %swap3A_709 : i32 to index
      %swap3A_712 = arith.index_cast %swap3A_710 : i32 to index
      %swap3A_713 = arith.index_cast %mul3A_690 : i32 to index
      %swap3A_714 = tpu.vector_load %arg7[%swap3A_711, %swap3A_712, %swap3A_713] {strides = array<i32>} : memref<16x1x1024xf32, #tpu.memory_space<vmem>>, vector<1x1x16xf32>,
      %swap3A_715 = vector.shape_cast %swap3A_714 : vector<1x1x16xf32> to vector<16xf32>
      %swap3A_716 = vector.shape_cast %select_n3A_708 : vector<16xf32> to vector<1x1x16xf32>
      tpu.vector_store %arg7[%swap3A_711, %swap3A_712, %swap3A_713], %swap3A_716 {strides = array<i32>} : memref<16x1x1024xf32, #tpu.memory_space<vmem>>, vector<1x1x16xf32>,
      %select_n3A_717 = arith.select %lt3A_16, %get3A_695, %get3A_700 : vector<16xi1>, vector<16xf32>
      %swap3A_718 = arith.constant 2 : i32
      %swap3A_719 = arith.constant 0 : i32
      %swap3A_720 = arith.index_cast %swap3A_718 : i32 to index
      %swap3A_721 = arith.index_cast %swap3A_719 : i32 to index
      %swap3A_722 = arith.index_cast %mul3A_690 : i32 to index
      %swap3A_723 = tpu.vector_load %arg7[%swap3A_720, %swap3A_721, %swap3A_722] {strides = array<i32>} : memref<16x1x1024xf32, #tpu.memory_space<vmem>>, vector<1x1x16xf32>,
      %swap3A_724 = vector.shape_cast %swap3A_723 : vector<1x1x16xf32> to vector<16xf32>
      %swap3A_725 = vector.shape_cast %select_n3A_717 : vector<16xf32> to vector<1x1x16xf32>
      tpu.vector_store %arg7[%swap3A_720, %swap3A_721, %swap3A_722], %swap3A_725 {strides = array<i32>} : memref<16x1x1024xf32, #tpu.memory_space<vmem>>, vector<1x1x16xf32>,
      %select_n3A_726 = arith.select %lt3A_20, %get3A_695, %get3A_700 : vector<16xi1>, vector<16xf32>
      %swap3A_727 = arith.constant 3 : i32
      %swap3A_728 = arith.constant 0 : i32
      %swap3A_729 = arith.index_cast %swap3A_727 : i32 to index
      %swap3A_730 = arith.index_cast %swap3A_728 : i32 to index
      %swap3A_731 = arith.index_cast %mul3A_690 : i32 to index
      %swap3A_732 = tpu.vector_load %arg7[%swap3A_729, %swap3A_730, %swap3A_731] {strides = array<i32>} : memref<16x1x1024xf32, #tpu.memory_space<vmem>>, vector<1x1x16xf32>,
      %swap3A_733 = vector.shape_cast %swap3A_732 : vector<1x1x16xf32> to vector<16xf32>
      %swap3A_734 = vector.shape_cast %select_n3A_726 : vector<16xf32> to vector<1x1x16xf32>
      tpu.vector_store %arg7[%swap3A_729, %swap3A_730, %swap3A_731], %swap3A_734 {strides = array<i32>} : memref<16x1x1024xf32, #tpu.memory_space<vmem>>, vector<1x1x16xf32>,
      %select_n3A_735 = arith.select %lt3A_24, %get3A_695, %get3A_700 : vector<16xi1>, vector<16xf32>
      %swap3A_736 = arith.constant 4 : i32
      %swap3A_737 = arith.constant 0 : i32
      %swap3A_738 = arith.index_cast %swap3A_736 : i32 to index
      %swap3A_739 = arith.index_cast %swap3A_737 : i32 to index
      %swap3A_740 = arith.index_cast %mul3A_690 : i32 to index
      %swap3A_741 = tpu.vector_load %arg7[%swap3A_738, %swap3A_739, %swap3A_740] {strides = array<i32>} : memref<16x1x1024xf32, #tpu.memory_space<vmem>>, vector<1x1x16xf32>,
      %swap3A_742 = vector.shape_cast %swap3A_741 : vector<1x1x16xf32> to vector<16xf32>
      %swap3A_743 = vector.shape_cast %select_n3A_735 : vector<16xf32> to vector<1x1x16xf32>
      tpu.vector_store %arg7[%swap3A_738, %swap3A_739, %swap3A_740], %swap3A_743 {strides = array<i32>} : memref<16x1x1024xf32, #tpu.memory_space<vmem>>, vector<1x1x16xf32>,
      %select_n3A_744 = arith.select %lt3A_28, %get3A_695, %get3A_700 : vector<16xi1>, vector<16xf32>
      %swap3A_745 = arith.constant 5 : i32
      %swap3A_746 = arith.constant 0 : i32
      %swap3A_747 = arith.index_cast %swap3A_745 : i32 to index
      %swap3A_748 = arith.index_cast %swap3A_746 : i32 to index
      %swap3A_749 = arith.index_cast %mul3A_690 : i32 to index
      %swap3A_750 = tpu.vector_load %arg7[%swap3A_747, %swap3A_748, %swap3A_749] {strides = array<i32>} : memref<16x1x1024xf32, #tpu.memory_space<vmem>>, vector<1x1x16xf32>,
      %swap3A_751 = vector.shape_cast %swap3A_750 : vector<1x1x16xf32> to vector<16xf32>
      %swap3A_752 = vector.shape_cast %select_n3A_744 : vector<16xf32> to vector<1x1x16xf32>
      tpu.vector_store %arg7[%swap3A_747, %swap3A_748, %swap3A_749], %swap3A_752 {strides = array<i32>} : memref<16x1x1024xf32, #tpu.memory_space<vmem>>, vector<1x1x16xf32>,
      %select_n3A_753 = arith.select %lt3A_32, %get3A_695, %get3A_700 : vector<16xi1>, vector<16xf32>
      %swap3A_754 = arith.constant 6 : i32
      %swap3A_755 = arith.constant 0 : i32
      %swap3A_756 = arith.index_cast %swap3A_754 : i32 to index
      %swap3A_757 = arith.index_cast %swap3A_755 : i32 to index
      %swap3A_758 = arith.index_cast %mul3A_690 : i32 to index
      %swap3A_759 = tpu.vector_load %arg7[%swap3A_756, %swap3A_757, %swap3A_758] {strides = array<i32>} : memref<16x1x1024xf32, #tpu.memory_space<vmem>>, vector<1x1x16xf32>,
      %swap3A_760 = vector.shape_cast %swap3A_759 : vector<1x1x16xf32> to vector<16xf32>
      %swap3A_761 = vector.shape_cast %select_n3A_753 : vector<16xf32> to vector<1x1x16xf32>
      tpu.vector_store %arg7[%swap3A_756, %swap3A_757, %swap3A_758], %swap3A_761 {strides = array<i32>} : memref<16x1x1024xf32, #tpu.memory_space<vmem>>, vector<1x1x16xf32>,
      %select_n3A_762 = arith.select %lt3A_36, %get3A_695, %get3A_700 : vector<16xi1>, vector<16xf32>
      %swap3A_763 = arith.constant 7 : i32
      %swap3A_764 = arith.constant 0 : i32
      %swap3A_765 = arith.index_cast %swap3A_763 : i32 to index
      %swap3A_766 = arith.index_cast %swap3A_764 : i32 to index
      %swap3A_767 = arith.index_cast %mul3A_690 : i32 to index
      %swap3A_768 = tpu.vector_load %arg7[%swap3A_765, %swap3A_766, %swap3A_767] {strides = array<i32>} : memref<16x1x1024xf32, #tpu.memory_space<vmem>>, vector<1x1x16xf32>,
      %swap3A_769 = vector.shape_cast %swap3A_768 : vector<1x1x16xf32> to vector<16xf32>
      %swap3A_770 = vector.shape_cast %select_n3A_762 : vector<16xf32> to vector<1x1x16xf32>
      tpu.vector_store %arg7[%swap3A_765, %swap3A_766, %swap3A_767], %swap3A_770 {strides = array<i32>} : memref<16x1x1024xf32, #tpu.memory_space<vmem>>, vector<1x1x16xf32>,
      %select_n3A_771 = arith.select %lt3A_40, %get3A_695, %get3A_700 : vector<16xi1>, vector<16xf32>
      %swap3A_772 = arith.constant 8 : i32
      %swap3A_773 = arith.constant 0 : i32
      %swap3A_774 = arith.index_cast %swap3A_772 : i32 to index
      %swap3A_775 = arith.index_cast %swap3A_773 : i32 to index
      %swap3A_776 = arith.index_cast %mul3A_690 : i32 to index
      %swap3A_777 = tpu.vector_load %arg7[%swap3A_774, %swap3A_775, %swap3A_776] {strides = array<i32>} : memref<16x1x1024xf32, #tpu.memory_space<vmem>>, vector<1x1x16xf32>,
      %swap3A_778 = vector.shape_cast %swap3A_777 : vector<1x1x16xf32> to vector<16xf32>
      %swap3A_779 = vector.shape_cast %select_n3A_771 : vector<16xf32> to vector<1x1x16xf32>
      tpu.vector_store %arg7[%swap3A_774, %swap3A_775, %swap3A_776], %swap3A_779 {strides = array<i32>} : memref<16x1x1024xf32, #tpu.memory_space<vmem>>, vector<1x1x16xf32>,
      %select_n3A_780 = arith.select %lt3A_44, %get3A_695, %get3A_700 : vector<16xi1>, vector<16xf32>
      %swap3A_781 = arith.constant 9 : i32
      %swap3A_782 = arith.constant 0 : i32
      %swap3A_783 = arith.index_cast %swap3A_781 : i32 to index
      %swap3A_784 = arith.index_cast %swap3A_782 : i32 to index
      %swap3A_785 = arith.index_cast %mul3A_690 : i32 to index
      %swap3A_786 = tpu.vector_load %arg7[%swap3A_783, %swap3A_784, %swap3A_785] {strides = array<i32>} : memref<16x1x1024xf32, #tpu.memory_space<vmem>>, vector<1x1x16xf32>,
      %swap3A_787 = vector.shape_cast %swap3A_786 : vector<1x1x16xf32> to vector<16xf32>
      %swap3A_788 = vector.shape_cast %select_n3A_780 : vector<16xf32> to vector<1x1x16xf32>
      tpu.vector_store %arg7[%swap3A_783, %swap3A_784, %swap3A_785], %swap3A_788 {strides = array<i32>} : memref<16x1x1024xf32, #tpu.memory_space<vmem>>, vector<1x1x16xf32>,
      %select_n3A_789 = arith.select %lt3A_48, %get3A_695, %get3A_700 : vector<16xi1>, vector<16xf32>
      %swap3A_790 = arith.constant 10 : i32
      %swap3A_791 = arith.constant 0 : i32
      %swap3A_792 = arith.index_cast %swap3A_790 : i32 to index
      %swap3A_793 = arith.index_cast %swap3A_791 : i32 to index
      %swap3A_794 = arith.index_cast %mul3A_690 : i32 to index
      %swap3A_795 = tpu.vector_load %arg7[%swap3A_792, %swap3A_793, %swap3A_794] {strides = array<i32>} : memref<16x1x1024xf32, #tpu.memory_space<vmem>>, vector<1x1x16xf32>,
      %swap3A_796 = vector.shape_cast %swap3A_795 : vector<1x1x16xf32> to vector<16xf32>
      %swap3A_797 = vector.shape_cast %select_n3A_789 : vector<16xf32> to vector<1x1x16xf32>
      tpu.vector_store %arg7[%swap3A_792, %swap3A_793, %swap3A_794], %swap3A_797 {strides = array<i32>} : memref<16x1x1024xf32, #tpu.memory_space<vmem>>, vector<1x1x16xf32>,
      %select_n3A_798 = arith.select %lt3A_52, %get3A_695, %get3A_700 : vector<16xi1>, vector<16xf32>
      %swap3A_799 = arith.constant 11 : i32
      %swap3A_800 = arith.constant 0 : i32
      %swap3A_801 = arith.index_cast %swap3A_799 : i32 to index
      %swap3A_802 = arith.index_cast %swap3A_800 : i32 to index
      %swap3A_803 = arith.index_cast %mul3A_690 : i32 to index
      %swap3A_804 = tpu.vector_load %arg7[%swap3A_801, %swap3A_802, %swap3A_803] {strides = array<i32>} : memref<16x1x1024xf32, #tpu.memory_space<vmem>>, vector<1x1x16xf32>,
      %swap3A_805 = vector.shape_cast %swap3A_804 : vector<1x1x16xf32> to vector<16xf32>
      %swap3A_806 = vector.shape_cast %select_n3A_798 : vector<16xf32> to vector<1x1x16xf32>
      tpu.vector_store %arg7[%swap3A_801, %swap3A_802, %swap3A_803], %swap3A_806 {strides = array<i32>} : memref<16x1x1024xf32, #tpu.memory_space<vmem>>, vector<1x1x16xf32>,
      %select_n3A_807 = arith.select %lt3A_56, %get3A_695, %get3A_700 : vector<16xi1>, vector<16xf32>
      %swap3A_808 = arith.constant 12 : i32
      %swap3A_809 = arith.constant 0 : i32
      %swap3A_810 = arith.index_cast %swap3A_808 : i32 to index
      %swap3A_811 = arith.index_cast %swap3A_809 : i32 to index
      %swap3A_812 = arith.index_cast %mul3A_690 : i32 to index
      %swap3A_813 = tpu.vector_load %arg7[%swap3A_810, %swap3A_811, %swap3A_812] {strides = array<i32>} : memref<16x1x1024xf32, #tpu.memory_space<vmem>>, vector<1x1x16xf32>,
      %swap3A_814 = vector.shape_cast %swap3A_813 : vector<1x1x16xf32> to vector<16xf32>
      %swap3A_815 = vector.shape_cast %select_n3A_807 : vector<16xf32> to vector<1x1x16xf32>
      tpu.vector_store %arg7[%swap3A_810, %swap3A_811, %swap3A_812], %swap3A_815 {strides = array<i32>} : memref<16x1x1024xf32, #tpu.memory_space<vmem>>, vector<1x1x16xf32>,
      %select_n3A_816 = arith.select %lt3A_60, %get3A_695, %get3A_700 : vector<16xi1>, vector<16xf32>
      %swap3A_817 = arith.constant 13 : i32
      %swap3A_818 = arith.constant 0 : i32
      %swap3A_819 = arith.index_cast %swap3A_817 : i32 to index
      %swap3A_820 = arith.index_cast %swap3A_818 : i32 to index
      %swap3A_821 = arith.index_cast %mul3A_690 : i32 to index
      %swap3A_822 = tpu.vector_load %arg7[%swap3A_819, %swap3A_820, %swap3A_821] {strides = array<i32>} : memref<16x1x1024xf32, #tpu.memory_space<vmem>>, vector<1x1x16xf32>,
      %swap3A_823 = vector.shape_cast %swap3A_822 : vector<1x1x16xf32> to vector<16xf32>
      %swap3A_824 = vector.shape_cast %select_n3A_816 : vector<16xf32> to vector<1x1x16xf32>
      tpu.vector_store %arg7[%swap3A_819, %swap3A_820, %swap3A_821], %swap3A_824 {strides = array<i32>} : memref<16x1x1024xf32, #tpu.memory_space<vmem>>, vector<1x1x16xf32>,
      %select_n3A_825 = arith.select %lt3A_64, %get3A_695, %get3A_700 : vector<16xi1>, vector<16xf32>
      %swap3A_826 = arith.constant 14 : i32
      %swap3A_827 = arith.constant 0 : i32
      %swap3A_828 = arith.index_cast %swap3A_826 : i32 to index
      %swap3A_829 = arith.index_cast %swap3A_827 : i32 to index
      %swap3A_830 = arith.index_cast %mul3A_690 : i32 to index
      %swap3A_831 = tpu.vector_load %arg7[%swap3A_828, %swap3A_829, %swap3A_830] {strides = array<i32>} : memref<16x1x1024xf32, #tpu.memory_space<vmem>>, vector<1x1x16xf32>,
      %swap3A_832 = vector.shape_cast %swap3A_831 : vector<1x1x16xf32> to vector<16xf32>
      %swap3A_833 = vector.shape_cast %select_n3A_825 : vector<16xf32> to vector<1x1x16xf32>
      tpu.vector_store %arg7[%swap3A_828, %swap3A_829, %swap3A_830], %swap3A_833 {strides = array<i32>} : memref<16x1x1024xf32, #tpu.memory_space<vmem>>, vector<1x1x16xf32>,
      %select_n3A_834 = arith.select %lt3A_68, %get3A_695, %get3A_700 : vector<16xi1>, vector<16xf32>
      %swap3A_835 = arith.constant 15 : i32
      %swap3A_836 = arith.constant 0 : i32
      %swap3A_837 = arith.index_cast %swap3A_835 : i32 to index
      %swap3A_838 = arith.index_cast %swap3A_836 : i32 to index
      %swap3A_839 = arith.index_cast %mul3A_690 : i32 to index
      %swap3A_840 = tpu.vector_load %arg7[%swap3A_837, %swap3A_838, %swap3A_839] {strides = array<i32>} : memref<16x1x1024xf32, #tpu.memory_space<vmem>>, vector<1x1x16xf32>,
      %swap3A_841 = vector.shape_cast %swap3A_840 : vector<1x1x16xf32> to vector<16xf32>
      %swap3A_842 = vector.shape_cast %select_n3A_834 : vector<16xf32> to vector<1x1x16xf32>
      tpu.vector_store %arg7[%swap3A_837, %swap3A_838, %swap3A_839], %swap3A_842 {strides = array<i32>} : memref<16x1x1024xf32, #tpu.memory_space<vmem>>, vector<1x1x16xf32>,
    }
    %scan3A_73 = arith.constant 64 : i32
    %add3A_74 = arith.constant 0 : i32
    %add3A_75 = arith.addi %mul3A_2, %add3A_74 : i32
    %dma_start3A = arith.constant 0 : i32
    %dma_start3A_76 = arith.constant 0 : i32
    %dma_start3A_77 = tpu.memref_slice %arg4[%add3A_75, %dma_start3A, %dma_start3A_76] : memref<4096x1x1024xf32, #tpu.memory_space<hbm>> -> memref<16x1x1024xf32, #tpu.memory_space<hbm>>
    %dma_start3A_78 = arith.constant 0 : i32
    %dma_start3A_79 = arith.constant 0 : i32
    %dma_start3A_80 = tpu.memref_slice %arg4[%add3A_75, %dma_start3A_78, %dma_start3A_79] : memref<4096x1x1024xf32, #tpu.memory_space<hbm>> -> memref<16x1x1024xf32, #tpu.memory_space<hbm>>
    tpu.enqueue_dma source(%arg7 : memref<16x1x1024xf32, #tpu.memory_space<vmem>>) target(%dma_start3A_80 : memref<16x1x1024xf32, #tpu.memory_space<hbm>>) target_semaphore(%arg9 : memref<!tpu.dma_semaphore, #tpu.memory_space<semaphore_mem>>)
    %add3A_81 = arith.constant 16 : i32
    %add3A_82 = arith.addi %mul3A_2, %add3A_81 : i32
    %add3A_83 = arith.constant 0 : i32
    %add3A_84 = arith.addi %add3A_82, %add3A_83 : i32
    %broadcast_in_dim3A_85 = vector.broadcast %add3A_84 : i32 to vector<16xi32>
    %lt3A_86 = arith.cmpi slt, %broadcast_in_dim3A_85, %get3A_4 : vector<16xi32>
    %add3A_87 = arith.constant 1 : i32
    %add3A_88 = arith.addi %add3A_82, %add3A_87 : i32
    %broadcast_in_dim3A_89 = vector.broadcast %add3A_88 : i32 to vector<16xi32>
    %lt3A_90 = arith.cmpi slt, %broadcast_in_dim3A_89, %get3A_4 : vector<16xi32>
    %add3A_91 = arith.constant 2 : i32
    %add3A_92 = arith.addi %add3A_82, %add3A_91 : i32
    %broadcast_in_dim3A_93 = vector.broadcast %add3A_92 : i32 to vector<16xi32>
    %lt3A_94 = arith.cmpi slt, %broadcast_in_dim3A_93, %get3A_4 : vector<16xi32>
    %add3A_95 = arith.constant 3 : i32
    %add3A_96 = arith.addi %add3A_82, %add3A_95 : i32
    %broadcast_in_dim3A_97 = vector.broadcast %add3A_96 : i32 to vector<16xi32>
    %lt3A_98 = arith.cmpi slt, %broadcast_in_dim3A_97, %get3A_4 : vector<16xi32>
    %add3A_99 = arith.constant 4 : i32
    %add3A_100 = arith.addi %add3A_82, %add3A_99 : i32
    %broadcast_in_dim3A_101 = vector.broadcast %add3A_100 : i32 to vector<16xi32>
    %lt3A_102 = arith.cmpi slt, %broadcast_in_dim3A_101, %get3A_4 : vector<16xi32>
    %add3A_103 = arith.constant 5 : i32
    %add3A_104 = arith.addi %add3A_82, %add3A_103 : i32
    %broadcast_in_dim3A_105 = vector.broadcast %add3A_104 : i32 to vector<16xi32>
    %lt3A_106 = arith.cmpi slt, %broadcast_in_dim3A_105, %get3A_4 : vector<16xi32>
    %add3A_107 = arith.constant 6 : i32
    %add3A_108 = arith.addi %add3A_82, %add3A_107 : i32
    %broadcast_in_dim3A_109 = vector.broadcast %add3A_108 : i32 to vector<16xi32>
    %lt3A_110 = arith.cmpi slt, %broadcast_in_dim3A_109, %get3A_4 : vector<16xi32>
    %add3A_111 = arith.constant 7 : i32
    %add3A_112 = arith.addi %add3A_82, %add3A_111 : i32
    %broadcast_in_dim3A_113 = vector.broadcast %add3A_112 : i32 to vector<16xi32>
    %lt3A_114 = arith.cmpi slt, %broadcast_in_dim3A_113, %get3A_4 : vector<16xi32>
    %add3A_115 = arith.constant 8 : i32
    %add3A_116 = arith.addi %add3A_82, %add3A_115 : i32
    %broadcast_in_dim3A_117 = vector.broadcast %add3A_116 : i32 to vector<16xi32>
    %lt3A_118 = arith.cmpi slt, %broadcast_in_dim3A_117, %get3A_4 : vector<16xi32>
    %add3A_119 = arith.constant 9 : i32
    %add3A_120 = arith.addi %add3A_82, %add3A_119 : i32
    %broadcast_in_dim3A_121 = vector.broadcast %add3A_120 : i32 to vector<16xi32>
    %lt3A_122 = arith.cmpi slt, %broadcast_in_dim3A_121, %get3A_4 : vector<16xi32>
    %add3A_123 = arith.constant 10 : i32
    %add3A_124 = arith.addi %add3A_82, %add3A_123 : i32
    %broadcast_in_dim3A_125 = vector.broadcast %add3A_124 : i32 to vector<16xi32>
    %lt3A_126 = arith.cmpi slt, %broadcast_in_dim3A_125, %get3A_4 : vector<16xi32>
    %add3A_127 = arith.constant 11 : i32
    %add3A_128 = arith.addi %add3A_82, %add3A_127 : i32
    %broadcast_in_dim3A_129 = vector.broadcast %add3A_128 : i32 to vector<16xi32>
    %lt3A_130 = arith.cmpi slt, %broadcast_in_dim3A_129, %get3A_4 : vector<16xi32>
    %add3A_131 = arith.constant 12 : i32
    %add3A_132 = arith.addi %add3A_82, %add3A_131 : i32
    %broadcast_in_dim3A_133 = vector.broadcast %add3A_132 : i32 to vector<16xi32>
    %lt3A_134 = arith.cmpi slt, %broadcast_in_dim3A_133, %get3A_4 : vector<16xi32>
    %add3A_135 = arith.constant 13 : i32
    %add3A_136 = arith.addi %add3A_82, %add3A_135 : i32
    %broadcast_in_dim3A_137 = vector.broadcast %add3A_136 : i32 to vector<16xi32>
    %lt3A_138 = arith.cmpi slt, %broadcast_in_dim3A_137, %get3A_4 : vector<16xi32>
    %add3A_139 = arith.constant 14 : i32
    %add3A_140 = arith.addi %add3A_82, %add3A_139 : i32
    %broadcast_in_dim3A_141 = vector.broadcast %add3A_140 : i32 to vector<16xi32>
    %lt3A_142 = arith.cmpi slt, %broadcast_in_dim3A_141, %get3A_4 : vector<16xi32>
    %add3A_143 = arith.constant 15 : i32
    %add3A_144 = arith.addi %add3A_82, %add3A_143 : i32
    %broadcast_in_dim3A_145 = vector.broadcast %add3A_144 : i32 to vector<16xi32>
    %lt3A_146 = arith.cmpi slt, %broadcast_in_dim3A_145, %get3A_4 : vector<16xi32>
    %scan3A_147 = arith.constant 0 : i32
    %scan3A_148 = arith.constant 0 : i32
    %scan3A_149 = arith.constant 64 : i32
    %scan3A_150 = arith.addi %scan3A_148, %scan3A_149 : i32
    %scan3A_151 = arith.constant 1 : i32
    scf.for %scan3A_688 = %scan3A_148 to %scan3A_150 step %scan3A_151  : i32 {
      %mul3A_689 = arith.constant 16 : i32
      %mul3A_690 = arith.muli %scan3A_688, %mul3A_689 : i32
      %get3A_691 = arith.constant 0 : i32
      %get3A_692 = arith.index_cast %get3A_691 : i32 to index
      %get3A_693 = arith.index_cast %mul3A_690 : i32 to index
      %get3A_694 = tpu.vector_load %arg5[%get3A_692, %get3A_693] {strides = array<i32>} : memref<5x1024xf32, #tpu.memory_space<vmem>>, vector<1x16xf32>,
      %get3A_695 = vector.shape_cast %get3A_694 : vector<1x16xf32> to vector<16xf32>
      %get3A_696 = arith.constant 3 : i32
      %get3A_697 = arith.index_cast %get3A_696 : i32 to index
      %get3A_698 = arith.index_cast %mul3A_690 : i32 to index
      %get3A_699 = tpu.vector_load %arg5[%get3A_697, %get3A_698] {strides = array<i32>} : memref<5x1024xf32, #tpu.memory_space<vmem>>, vector<1x16xf32>,
      %get3A_700 = vector.shape_cast %get3A_699 : vector<1x16xf32> to vector<16xf32>
      %select_n3A = arith.select %lt3A_86, %get3A_695, %get3A_700 : vector<16xi1>, vector<16xf32>
      %swap3A = arith.constant 0 : i32
      %swap3A_701 = arith.constant 0 : i32
      %swap3A_702 = arith.index_cast %swap3A : i32 to index
      %swap3A_703 = arith.index_cast %swap3A_701 : i32 to index
      %swap3A_704 = arith.index_cast %mul3A_690 : i32 to index
      %swap3A_705 = tpu.vector_load %arg8[%swap3A_702, %swap3A_703, %swap3A_704] {strides = array<i32>} : memref<16x1x1024xf32, #tpu.memory_space<vmem>>, vector<1x1x16xf32>,
      %swap3A_706 = vector.shape_cast %swap3A_705 : vector<1x1x16xf32> to vector<16xf32>
      %swap3A_707 = vector.shape_cast %select_n3A : vector<16xf32> to vector<1x1x16xf32>
      tpu.vector_store %arg8[%swap3A_702, %swap3A_703, %swap3A_704], %swap3A_707 {strides = array<i32>} : memref<16x1x1024xf32, #tpu.memory_space<vmem>>, vector<1x1x16xf32>,
      %select_n3A_708 = arith.select %lt3A_90, %get3A_695, %get3A_700 : vector<16xi1>, vector<16xf32>
      %swap3A_709 = arith.constant 1 : i32
      %swap3A_710 = arith.constant 0 : i32
      %swap3A_711 = arith.index_cast %swap3A_709 : i32 to index
      %swap3A_712 = arith.index_cast %swap3A_710 : i32 to index
      %swap3A_713 = arith.index_cast %mul3A_690 : i32 to index
      %swap3A_714 = tpu.vector_load %arg8[%swap3A_711, %swap3A_712, %swap3A_713] {strides = array<i32>} : memref<16x1x1024xf32, #tpu.memory_space<vmem>>, vector<1x1x16xf32>,
      %swap3A_715 = vector.shape_cast %swap3A_714 : vector<1x1x16xf32> to vector<16xf32>
      %swap3A_716 = vector.shape_cast %select_n3A_708 : vector<16xf32> to vector<1x1x16xf32>
      tpu.vector_store %arg8[%swap3A_711, %swap3A_712, %swap3A_713], %swap3A_716 {strides = array<i32>} : memref<16x1x1024xf32, #tpu.memory_space<vmem>>, vector<1x1x16xf32>,
      %select_n3A_717 = arith.select %lt3A_94, %get3A_695, %get3A_700 : vector<16xi1>, vector<16xf32>
      %swap3A_718 = arith.constant 2 : i32
      %swap3A_719 = arith.constant 0 : i32
      %swap3A_720 = arith.index_cast %swap3A_718 : i32 to index
      %swap3A_721 = arith.index_cast %swap3A_719 : i32 to index
      %swap3A_722 = arith.index_cast %mul3A_690 : i32 to index
      %swap3A_723 = tpu.vector_load %arg8[%swap3A_720, %swap3A_721, %swap3A_722] {strides = array<i32>} : memref<16x1x1024xf32, #tpu.memory_space<vmem>>, vector<1x1x16xf32>,
      %swap3A_724 = vector.shape_cast %swap3A_723 : vector<1x1x16xf32> to vector<16xf32>
      %swap3A_725 = vector.shape_cast %select_n3A_717 : vector<16xf32> to vector<1x1x16xf32>
      tpu.vector_store %arg8[%swap3A_720, %swap3A_721, %swap3A_722], %swap3A_725 {strides = array<i32>} : memref<16x1x1024xf32, #tpu.memory_space<vmem>>, vector<1x1x16xf32>,
      %select_n3A_726 = arith.select %lt3A_98, %get3A_695, %get3A_700 : vector<16xi1>, vector<16xf32>
      %swap3A_727 = arith.constant 3 : i32
      %swap3A_728 = arith.constant 0 : i32
      %swap3A_729 = arith.index_cast %swap3A_727 : i32 to index
      %swap3A_730 = arith.index_cast %swap3A_728 : i32 to index
      %swap3A_731 = arith.index_cast %mul3A_690 : i32 to index
      %swap3A_732 = tpu.vector_load %arg8[%swap3A_729, %swap3A_730, %swap3A_731] {strides = array<i32>} : memref<16x1x1024xf32, #tpu.memory_space<vmem>>, vector<1x1x16xf32>,
      %swap3A_733 = vector.shape_cast %swap3A_732 : vector<1x1x16xf32> to vector<16xf32>
      %swap3A_734 = vector.shape_cast %select_n3A_726 : vector<16xf32> to vector<1x1x16xf32>
      tpu.vector_store %arg8[%swap3A_729, %swap3A_730, %swap3A_731], %swap3A_734 {strides = array<i32>} : memref<16x1x1024xf32, #tpu.memory_space<vmem>>, vector<1x1x16xf32>,
      %select_n3A_735 = arith.select %lt3A_102, %get3A_695, %get3A_700 : vector<16xi1>, vector<16xf32>
      %swap3A_736 = arith.constant 4 : i32
      %swap3A_737 = arith.constant 0 : i32
      %swap3A_738 = arith.index_cast %swap3A_736 : i32 to index
      %swap3A_739 = arith.index_cast %swap3A_737 : i32 to index
      %swap3A_740 = arith.index_cast %mul3A_690 : i32 to index
      %swap3A_741 = tpu.vector_load %arg8[%swap3A_738, %swap3A_739, %swap3A_740] {strides = array<i32>} : memref<16x1x1024xf32, #tpu.memory_space<vmem>>, vector<1x1x16xf32>,
      %swap3A_742 = vector.shape_cast %swap3A_741 : vector<1x1x16xf32> to vector<16xf32>
      %swap3A_743 = vector.shape_cast %select_n3A_735 : vector<16xf32> to vector<1x1x16xf32>
      tpu.vector_store %arg8[%swap3A_738, %swap3A_739, %swap3A_740], %swap3A_743 {strides = array<i32>} : memref<16x1x1024xf32, #tpu.memory_space<vmem>>, vector<1x1x16xf32>,
      %select_n3A_744 = arith.select %lt3A_106, %get3A_695, %get3A_700 : vector<16xi1>, vector<16xf32>
      %swap3A_745 = arith.constant 5 : i32
      %swap3A_746 = arith.constant 0 : i32
      %swap3A_747 = arith.index_cast %swap3A_745 : i32 to index
      %swap3A_748 = arith.index_cast %swap3A_746 : i32 to index
      %swap3A_749 = arith.index_cast %mul3A_690 : i32 to index
      %swap3A_750 = tpu.vector_load %arg8[%swap3A_747, %swap3A_748, %swap3A_749] {strides = array<i32>} : memref<16x1x1024xf32, #tpu.memory_space<vmem>>, vector<1x1x16xf32>,
      %swap3A_751 = vector.shape_cast %swap3A_750 : vector<1x1x16xf32> to vector<16xf32>
      %swap3A_752 = vector.shape_cast %select_n3A_744 : vector<16xf32> to vector<1x1x16xf32>
      tpu.vector_store %arg8[%swap3A_747, %swap3A_748, %swap3A_749], %swap3A_752 {strides = array<i32>} : memref<16x1x1024xf32, #tpu.memory_space<vmem>>, vector<1x1x16xf32>,
      %select_n3A_753 = arith.select %lt3A_110, %get3A_695, %get3A_700 : vector<16xi1>, vector<16xf32>
      %swap3A_754 = arith.constant 6 : i32
      %swap3A_755 = arith.constant 0 : i32
      %swap3A_756 = arith.index_cast %swap3A_754 : i32 to index
      %swap3A_757 = arith.index_cast %swap3A_755 : i32 to index
      %swap3A_758 = arith.index_cast %mul3A_690 : i32 to index
      %swap3A_759 = tpu.vector_load %arg8[%swap3A_756, %swap3A_757, %swap3A_758] {strides = array<i32>} : memref<16x1x1024xf32, #tpu.memory_space<vmem>>, vector<1x1x16xf32>,
      %swap3A_760 = vector.shape_cast %swap3A_759 : vector<1x1x16xf32> to vector<16xf32>
      %swap3A_761 = vector.shape_cast %select_n3A_753 : vector<16xf32> to vector<1x1x16xf32>
      tpu.vector_store %arg8[%swap3A_756, %swap3A_757, %swap3A_758], %swap3A_761 {strides = array<i32>} : memref<16x1x1024xf32, #tpu.memory_space<vmem>>, vector<1x1x16xf32>,
      %select_n3A_762 = arith.select %lt3A_114, %get3A_695, %get3A_700 : vector<16xi1>, vector<16xf32>
      %swap3A_763 = arith.constant 7 : i32
      %swap3A_764 = arith.constant 0 : i32
      %swap3A_765 = arith.index_cast %swap3A_763 : i32 to index
      %swap3A_766 = arith.index_cast %swap3A_764 : i32 to index
      %swap3A_767 = arith.index_cast %mul3A_690 : i32 to index
      %swap3A_768 = tpu.vector_load %arg8[%swap3A_765, %swap3A_766, %swap3A_767] {strides = array<i32>} : memref<16x1x1024xf32, #tpu.memory_space<vmem>>, vector<1x1x16xf32>,
      %swap3A_769 = vector.shape_cast %swap3A_768 : vector<1x1x16xf32> to vector<16xf32>
      %swap3A_770 = vector.shape_cast %select_n3A_762 : vector<16xf32> to vector<1x1x16xf32>
      tpu.vector_store %arg8[%swap3A_765, %swap3A_766, %swap3A_767], %swap3A_770 {strides = array<i32>} : memref<16x1x1024xf32, #tpu.memory_space<vmem>>, vector<1x1x16xf32>,
      %select_n3A_771 = arith.select %lt3A_118, %get3A_695, %get3A_700 : vector<16xi1>, vector<16xf32>
      %swap3A_772 = arith.constant 8 : i32
      %swap3A_773 = arith.constant 0 : i32
      %swap3A_774 = arith.index_cast %swap3A_772 : i32 to index
      %swap3A_775 = arith.index_cast %swap3A_773 : i32 to index
      %swap3A_776 = arith.index_cast %mul3A_690 : i32 to index
      %swap3A_777 = tpu.vector_load %arg8[%swap3A_774, %swap3A_775, %swap3A_776] {strides = array<i32>} : memref<16x1x1024xf32, #tpu.memory_space<vmem>>, vector<1x1x16xf32>,
      %swap3A_778 = vector.shape_cast %swap3A_777 : vector<1x1x16xf32> to vector<16xf32>
      %swap3A_779 = vector.shape_cast %select_n3A_771 : vector<16xf32> to vector<1x1x16xf32>
      tpu.vector_store %arg8[%swap3A_774, %swap3A_775, %swap3A_776], %swap3A_779 {strides = array<i32>} : memref<16x1x1024xf32, #tpu.memory_space<vmem>>, vector<1x1x16xf32>,
      %select_n3A_780 = arith.select %lt3A_122, %get3A_695, %get3A_700 : vector<16xi1>, vector<16xf32>
      %swap3A_781 = arith.constant 9 : i32
      %swap3A_782 = arith.constant 0 : i32
      %swap3A_783 = arith.index_cast %swap3A_781 : i32 to index
      %swap3A_784 = arith.index_cast %swap3A_782 : i32 to index
      %swap3A_785 = arith.index_cast %mul3A_690 : i32 to index
      %swap3A_786 = tpu.vector_load %arg8[%swap3A_783, %swap3A_784, %swap3A_785] {strides = array<i32>} : memref<16x1x1024xf32, #tpu.memory_space<vmem>>, vector<1x1x16xf32>,
      %swap3A_787 = vector.shape_cast %swap3A_786 : vector<1x1x16xf32> to vector<16xf32>
      %swap3A_788 = vector.shape_cast %select_n3A_780 : vector<16xf32> to vector<1x1x16xf32>
      tpu.vector_store %arg8[%swap3A_783, %swap3A_784, %swap3A_785], %swap3A_788 {strides = array<i32>} : memref<16x1x1024xf32, #tpu.memory_space<vmem>>, vector<1x1x16xf32>,
      %select_n3A_789 = arith.select %lt3A_126, %get3A_695, %get3A_700 : vector<16xi1>, vector<16xf32>
      %swap3A_790 = arith.constant 10 : i32
      %swap3A_791 = arith.constant 0 : i32
      %swap3A_792 = arith.index_cast %swap3A_790 : i32 to index
      %swap3A_793 = arith.index_cast %swap3A_791 : i32 to index
      %swap3A_794 = arith.index_cast %mul3A_690 : i32 to index
      %swap3A_795 = tpu.vector_load %arg8[%swap3A_792, %swap3A_793, %swap3A_794] {strides = array<i32>} : memref<16x1x1024xf32, #tpu.memory_space<vmem>>, vector<1x1x16xf32>,
      %swap3A_796 = vector.shape_cast %swap3A_795 : vector<1x1x16xf32> to vector<16xf32>
      %swap3A_797 = vector.shape_cast %select_n3A_789 : vector<16xf32> to vector<1x1x16xf32>
      tpu.vector_store %arg8[%swap3A_792, %swap3A_793, %swap3A_794], %swap3A_797 {strides = array<i32>} : memref<16x1x1024xf32, #tpu.memory_space<vmem>>, vector<1x1x16xf32>,
      %select_n3A_798 = arith.select %lt3A_130, %get3A_695, %get3A_700 : vector<16xi1>, vector<16xf32>
      %swap3A_799 = arith.constant 11 : i32
      %swap3A_800 = arith.constant 0 : i32
      %swap3A_801 = arith.index_cast %swap3A_799 : i32 to index
      %swap3A_802 = arith.index_cast %swap3A_800 : i32 to index
      %swap3A_803 = arith.index_cast %mul3A_690 : i32 to index
      %swap3A_804 = tpu.vector_load %arg8[%swap3A_801, %swap3A_802, %swap3A_803] {strides = array<i32>} : memref<16x1x1024xf32, #tpu.memory_space<vmem>>, vector<1x1x16xf32>,
      %swap3A_805 = vector.shape_cast %swap3A_804 : vector<1x1x16xf32> to vector<16xf32>
      %swap3A_806 = vector.shape_cast %select_n3A_798 : vector<16xf32> to vector<1x1x16xf32>
      tpu.vector_store %arg8[%swap3A_801, %swap3A_802, %swap3A_803], %swap3A_806 {strides = array<i32>} : memref<16x1x1024xf32, #tpu.memory_space<vmem>>, vector<1x1x16xf32>,
      %select_n3A_807 = arith.select %lt3A_134, %get3A_695, %get3A_700 : vector<16xi1>, vector<16xf32>
      %swap3A_808 = arith.constant 12 : i32
      %swap3A_809 = arith.constant 0 : i32
      %swap3A_810 = arith.index_cast %swap3A_808 : i32 to index
      %swap3A_811 = arith.index_cast %swap3A_809 : i32 to index
      %swap3A_812 = arith.index_cast %mul3A_690 : i32 to index
      %swap3A_813 = tpu.vector_load %arg8[%swap3A_810, %swap3A_811, %swap3A_812] {strides = array<i32>} : memref<16x1x1024xf32, #tpu.memory_space<vmem>>, vector<1x1x16xf32>,
      %swap3A_814 = vector.shape_cast %swap3A_813 : vector<1x1x16xf32> to vector<16xf32>
      %swap3A_815 = vector.shape_cast %select_n3A_807 : vector<16xf32> to vector<1x1x16xf32>
      tpu.vector_store %arg8[%swap3A_810, %swap3A_811, %swap3A_812], %swap3A_815 {strides = array<i32>} : memref<16x1x1024xf32, #tpu.memory_space<vmem>>, vector<1x1x16xf32>,
      %select_n3A_816 = arith.select %lt3A_138, %get3A_695, %get3A_700 : vector<16xi1>, vector<16xf32>
      %swap3A_817 = arith.constant 13 : i32
      %swap3A_818 = arith.constant 0 : i32
      %swap3A_819 = arith.index_cast %swap3A_817 : i32 to index
      %swap3A_820 = arith.index_cast %swap3A_818 : i32 to index
      %swap3A_821 = arith.index_cast %mul3A_690 : i32 to index
      %swap3A_822 = tpu.vector_load %arg8[%swap3A_819, %swap3A_820, %swap3A_821] {strides = array<i32>} : memref<16x1x1024xf32, #tpu.memory_space<vmem>>, vector<1x1x16xf32>,
      %swap3A_823 = vector.shape_cast %swap3A_822 : vector<1x1x16xf32> to vector<16xf32>
      %swap3A_824 = vector.shape_cast %select_n3A_816 : vector<16xf32> to vector<1x1x16xf32>
      tpu.vector_store %arg8[%swap3A_819, %swap3A_820, %swap3A_821], %swap3A_824 {strides = array<i32>} : memref<16x1x1024xf32, #tpu.memory_space<vmem>>, vector<1x1x16xf32>,
      %select_n3A_825 = arith.select %lt3A_142, %get3A_695, %get3A_700 : vector<16xi1>, vector<16xf32>
      %swap3A_826 = arith.constant 14 : i32
      %swap3A_827 = arith.constant 0 : i32
      %swap3A_828 = arith.index_cast %swap3A_826 : i32 to index
      %swap3A_829 = arith.index_cast %swap3A_827 : i32 to index
      %swap3A_830 = arith.index_cast %mul3A_690 : i32 to index
      %swap3A_831 = tpu.vector_load %arg8[%swap3A_828, %swap3A_829, %swap3A_830] {strides = array<i32>} : memref<16x1x1024xf32, #tpu.memory_space<vmem>>, vector<1x1x16xf32>,
      %swap3A_832 = vector.shape_cast %swap3A_831 : vector<1x1x16xf32> to vector<16xf32>
      %swap3A_833 = vector.shape_cast %select_n3A_825 : vector<16xf32> to vector<1x1x16xf32>
      tpu.vector_store %arg8[%swap3A_828, %swap3A_829, %swap3A_830], %swap3A_833 {strides = array<i32>} : memref<16x1x1024xf32, #tpu.memory_space<vmem>>, vector<1x1x16xf32>,
      %select_n3A_834 = arith.select %lt3A_146, %get3A_695, %get3A_700 : vector<16xi1>, vector<16xf32>
      %swap3A_835 = arith.constant 15 : i32
      %swap3A_836 = arith.constant 0 : i32
      %swap3A_837 = arith.index_cast %swap3A_835 : i32 to index
      %swap3A_838 = arith.index_cast %swap3A_836 : i32 to index
      %swap3A_839 = arith.index_cast %mul3A_690 : i32 to index
      %swap3A_840 = tpu.vector_load %arg8[%swap3A_837, %swap3A_838, %swap3A_839] {strides = array<i32>} : memref<16x1x1024xf32, #tpu.memory_space<vmem>>, vector<1x1x16xf32>,
      %swap3A_841 = vector.shape_cast %swap3A_840 : vector<1x1x16xf32> to vector<16xf32>
      %swap3A_842 = vector.shape_cast %select_n3A_834 : vector<16xf32> to vector<1x1x16xf32>
      tpu.vector_store %arg8[%swap3A_837, %swap3A_838, %swap3A_839], %swap3A_842 {strides = array<i32>} : memref<16x1x1024xf32, #tpu.memory_space<vmem>>, vector<1x1x16xf32>,
    }
    %scan3A_152 = arith.constant 64 : i32
    %add3A_153 = arith.constant 16 : i32
    %add3A_154 = arith.addi %mul3A_2, %add3A_153 : i32
    %dma_start3A_155 = arith.constant 0 : i32
    %dma_start3A_156 = arith.constant 0 : i32
    %dma_start3A_157 = tpu.memref_slice %arg4[%add3A_154, %dma_start3A_155, %dma_start3A_156] : memref<4096x1x1024xf32, #tpu.memory_space<hbm>> -> memref<16x1x1024xf32, #tpu.memory_space<hbm>>
    %dma_start3A_158 = arith.constant 0 : i32
    %dma_start3A_159 = arith.constant 0 : i32
    %dma_start3A_160 = tpu.memref_slice %arg4[%add3A_154, %dma_start3A_158, %dma_start3A_159] : memref<4096x1x1024xf32, #tpu.memory_space<hbm>> -> memref<16x1x1024xf32, #tpu.memory_space<hbm>>
    tpu.enqueue_dma source(%arg8 : memref<16x1x1024xf32, #tpu.memory_space<vmem>>) target(%dma_start3A_160 : memref<16x1x1024xf32, #tpu.memory_space<hbm>>) target_semaphore(%arg10 : memref<!tpu.dma_semaphore, #tpu.memory_space<semaphore_mem>>)
    %dma_wait3A = arith.constant 0 : i32
    %dma_wait3A_161 = arith.constant 0 : i32
    %dma_wait3A_162 = tpu.memref_slice %arg4[%add3A_75, %dma_wait3A, %dma_wait3A_161] : memref<4096x1x1024xf32, #tpu.memory_space<hbm>> -> memref<16x1x1024xf32, #tpu.memory_space<hbm>>
    %dma_wait3A_163 = arith.constant 0 : i32
    %dma_wait3A_164 = arith.constant 0 : i32
    %dma_wait3A_165 = tpu.memref_slice %arg4[%add3A_75, %dma_wait3A_163, %dma_wait3A_164] : memref<4096x1x1024xf32, #tpu.memory_space<hbm>> -> memref<16x1x1024xf32, #tpu.memory_space<hbm>>
    tpu.wait_dma2 semaphore(%arg9 : memref<!tpu.dma_semaphore, #tpu.memory_space<semaphore_mem>>) src(%arg7 : memref<16x1x1024xf32, #tpu.memory_space<vmem>>) dst(%dma_wait3A_165 : memref<16x1x1024xf32, #tpu.memory_space<hbm>>)
    %add3A_166 = arith.constant 32 : i32
    %add3A_167 = arith.addi %mul3A_2, %add3A_166 : i32
    %add3A_168 = arith.constant 0 : i32
    %add3A_169 = arith.addi %add3A_167, %add3A_168 : i32
    %broadcast_in_dim3A_170 = vector.broadcast %add3A_169 : i32 to vector<16xi32>
    %lt3A_171 = arith.cmpi slt, %broadcast_in_dim3A_170, %get3A_4 : vector<16xi32>
    %add3A_172 = arith.constant 1 : i32
    %add3A_173 = arith.addi %add3A_167, %add3A_172 : i32
    %broadcast_in_dim3A_174 = vector.broadcast %add3A_173 : i32 to vector<16xi32>
    %lt3A_175 = arith.cmpi slt, %broadcast_in_dim3A_174, %get3A_4 : vector<16xi32>
    %add3A_176 = arith.constant 2 : i32
    %add3A_177 = arith.addi %add3A_167, %add3A_176 : i32
    %broadcast_in_dim3A_178 = vector.broadcast %add3A_177 : i32 to vector<16xi32>
    %lt3A_179 = arith.cmpi slt, %broadcast_in_dim3A_178, %get3A_4 : vector<16xi32>
    %add3A_180 = arith.constant 3 : i32
    %add3A_181 = arith.addi %add3A_167, %add3A_180 : i32
    %broadcast_in_dim3A_182 = vector.broadcast %add3A_181 : i32 to vector<16xi32>
    %lt3A_183 = arith.cmpi slt, %broadcast_in_dim3A_182, %get3A_4 : vector<16xi32>
    %add3A_184 = arith.constant 4 : i32
    %add3A_185 = arith.addi %add3A_167, %add3A_184 : i32
    %broadcast_in_dim3A_186 = vector.broadcast %add3A_185 : i32 to vector<16xi32>
    %lt3A_187 = arith.cmpi slt, %broadcast_in_dim3A_186, %get3A_4 : vector<16xi32>
    %add3A_188 = arith.constant 5 : i32
    %add3A_189 = arith.addi %add3A_167, %add3A_188 : i32
    %broadcast_in_dim3A_190 = vector.broadcast %add3A_189 : i32 to vector<16xi32>
    %lt3A_191 = arith.cmpi slt, %broadcast_in_dim3A_190, %get3A_4 : vector<16xi32>
    %add3A_192 = arith.constant 6 : i32
    %add3A_193 = arith.addi %add3A_167, %add3A_192 : i32
    %broadcast_in_dim3A_194 = vector.broadcast %add3A_193 : i32 to vector<16xi32>
    %lt3A_195 = arith.cmpi slt, %broadcast_in_dim3A_194, %get3A_4 : vector<16xi32>
    %add3A_196 = arith.constant 7 : i32
    %add3A_197 = arith.addi %add3A_167, %add3A_196 : i32
    %broadcast_in_dim3A_198 = vector.broadcast %add3A_197 : i32 to vector<16xi32>
    %lt3A_199 = arith.cmpi slt, %broadcast_in_dim3A_198, %get3A_4 : vector<16xi32>
    %add3A_200 = arith.constant 8 : i32
    %add3A_201 = arith.addi %add3A_167, %add3A_200 : i32
    %broadcast_in_dim3A_202 = vector.broadcast %add3A_201 : i32 to vector<16xi32>
    %lt3A_203 = arith.cmpi slt, %broadcast_in_dim3A_202, %get3A_4 : vector<16xi32>
    %add3A_204 = arith.constant 9 : i32
    %add3A_205 = arith.addi %add3A_167, %add3A_204 : i32
    %broadcast_in_dim3A_206 = vector.broadcast %add3A_205 : i32 to vector<16xi32>
    %lt3A_207 = arith.cmpi slt, %broadcast_in_dim3A_206, %get3A_4 : vector<16xi32>
    %add3A_208 = arith.constant 10 : i32
    %add3A_209 = arith.addi %add3A_167, %add3A_208 : i32
    %broadcast_in_dim3A_210 = vector.broadcast %add3A_209 : i32 to vector<16xi32>
    %lt3A_211 = arith.cmpi slt, %broadcast_in_dim3A_210, %get3A_4 : vector<16xi32>
    %add3A_212 = arith.constant 11 : i32
    %add3A_213 = arith.addi %add3A_167, %add3A_212 : i32
    %broadcast_in_dim3A_214 = vector.broadcast %add3A_213 : i32 to vector<16xi32>
    %lt3A_215 = arith.cmpi slt, %broadcast_in_dim3A_214, %get3A_4 : vector<16xi32>
    %add3A_216 = arith.constant 12 : i32
    %add3A_217 = arith.addi %add3A_167, %add3A_216 : i32
    %broadcast_in_dim3A_218 = vector.broadcast %add3A_217 : i32 to vector<16xi32>
    %lt3A_219 = arith.cmpi slt, %broadcast_in_dim3A_218, %get3A_4 : vector<16xi32>
    %add3A_220 = arith.constant 13 : i32
    %add3A_221 = arith.addi %add3A_167, %add3A_220 : i32
    %broadcast_in_dim3A_222 = vector.broadcast %add3A_221 : i32 to vector<16xi32>
    %lt3A_223 = arith.cmpi slt, %broadcast_in_dim3A_222, %get3A_4 : vector<16xi32>
    %add3A_224 = arith.constant 14 : i32
    %add3A_225 = arith.addi %add3A_167, %add3A_224 : i32
    %broadcast_in_dim3A_226 = vector.broadcast %add3A_225 : i32 to vector<16xi32>
    %lt3A_227 = arith.cmpi slt, %broadcast_in_dim3A_226, %get3A_4 : vector<16xi32>
    %add3A_228 = arith.constant 15 : i32
    %add3A_229 = arith.addi %add3A_167, %add3A_228 : i32
    %broadcast_in_dim3A_230 = vector.broadcast %add3A_229 : i32 to vector<16xi32>
    %lt3A_231 = arith.cmpi slt, %broadcast_in_dim3A_230, %get3A_4 : vector<16xi32>
    %scan3A_232 = arith.constant 0 : i32
    %scan3A_233 = arith.constant 0 : i32
    %scan3A_234 = arith.constant 64 : i32
    %scan3A_235 = arith.addi %scan3A_233, %scan3A_234 : i32
    %scan3A_236 = arith.constant 1 : i32
    scf.for %scan3A_688 = %scan3A_233 to %scan3A_235 step %scan3A_236  : i32 {
      %mul3A_689 = arith.constant 16 : i32
      %mul3A_690 = arith.muli %scan3A_688, %mul3A_689 : i32
      %get3A_691 = arith.constant 0 : i32
      %get3A_692 = arith.index_cast %get3A_691 : i32 to index
      %get3A_693 = arith.index_cast %mul3A_690 : i32 to index
      %get3A_694 = tpu.vector_load %arg5[%get3A_692, %get3A_693] {strides = array<i32>} : memref<5x1024xf32, #tpu.memory_space<vmem>>, vector<1x16xf32>,
      %get3A_695 = vector.shape_cast %get3A_694 : vector<1x16xf32> to vector<16xf32>
      %get3A_696 = arith.constant 3 : i32
      %get3A_697 = arith.index_cast %get3A_696 : i32 to index
      %get3A_698 = arith.index_cast %mul3A_690 : i32 to index
      %get3A_699 = tpu.vector_load %arg5[%get3A_697, %get3A_698] {strides = array<i32>} : memref<5x1024xf32, #tpu.memory_space<vmem>>, vector<1x16xf32>,
      %get3A_700 = vector.shape_cast %get3A_699 : vector<1x16xf32> to vector<16xf32>
      %select_n3A = arith.select %lt3A_171, %get3A_695, %get3A_700 : vector<16xi1>, vector<16xf32>
      %swap3A = arith.constant 0 : i32
      %swap3A_701 = arith.constant 0 : i32
      %swap3A_702 = arith.index_cast %swap3A : i32 to index
      %swap3A_703 = arith.index_cast %swap3A_701 : i32 to index
      %swap3A_704 = arith.index_cast %mul3A_690 : i32 to index
      %swap3A_705 = tpu.vector_load %arg7[%swap3A_702, %swap3A_703, %swap3A_704] {strides = array<i32>} : memref<16x1x1024xf32, #tpu.memory_space<vmem>>, vector<1x1x16xf32>,
      %swap3A_706 = vector.shape_cast %swap3A_705 : vector<1x1x16xf32> to vector<16xf32>
      %swap3A_707 = vector.shape_cast %select_n3A : vector<16xf32> to vector<1x1x16xf32>
      tpu.vector_store %arg7[%swap3A_702, %swap3A_703, %swap3A_704], %swap3A_707 {strides = array<i32>} : memref<16x1x1024xf32, #tpu.memory_space<vmem>>, vector<1x1x16xf32>,
      %select_n3A_708 = arith.select %lt3A_175, %get3A_695, %get3A_700 : vector<16xi1>, vector<16xf32>
      %swap3A_709 = arith.constant 1 : i32
      %swap3A_710 = arith.constant 0 : i32
      %swap3A_711 = arith.index_cast %swap3A_709 : i32 to index
      %swap3A_712 = arith.index_cast %swap3A_710 : i32 to index
      %swap3A_713 = arith.index_cast %mul3A_690 : i32 to index
      %swap3A_714 = tpu.vector_load %arg7[%swap3A_711, %swap3A_712, %swap3A_713] {strides = array<i32>} : memref<16x1x1024xf32, #tpu.memory_space<vmem>>, vector<1x1x16xf32>,
      %swap3A_715 = vector.shape_cast %swap3A_714 : vector<1x1x16xf32> to vector<16xf32>
      %swap3A_716 = vector.shape_cast %select_n3A_708 : vector<16xf32> to vector<1x1x16xf32>
      tpu.vector_store %arg7[%swap3A_711, %swap3A_712, %swap3A_713], %swap3A_716 {strides = array<i32>} : memref<16x1x1024xf32, #tpu.memory_space<vmem>>, vector<1x1x16xf32>,
      %select_n3A_717 = arith.select %lt3A_179, %get3A_695, %get3A_700 : vector<16xi1>, vector<16xf32>
      %swap3A_718 = arith.constant 2 : i32
      %swap3A_719 = arith.constant 0 : i32
      %swap3A_720 = arith.index_cast %swap3A_718 : i32 to index
      %swap3A_721 = arith.index_cast %swap3A_719 : i32 to index
      %swap3A_722 = arith.index_cast %mul3A_690 : i32 to index
      %swap3A_723 = tpu.vector_load %arg7[%swap3A_720, %swap3A_721, %swap3A_722] {strides = array<i32>} : memref<16x1x1024xf32, #tpu.memory_space<vmem>>, vector<1x1x16xf32>,
      %swap3A_724 = vector.shape_cast %swap3A_723 : vector<1x1x16xf32> to vector<16xf32>
      %swap3A_725 = vector.shape_cast %select_n3A_717 : vector<16xf32> to vector<1x1x16xf32>
      tpu.vector_store %arg7[%swap3A_720, %swap3A_721, %swap3A_722], %swap3A_725 {strides = array<i32>} : memref<16x1x1024xf32, #tpu.memory_space<vmem>>, vector<1x1x16xf32>,
      %select_n3A_726 = arith.select %lt3A_183, %get3A_695, %get3A_700 : vector<16xi1>, vector<16xf32>
      %swap3A_727 = arith.constant 3 : i32
      %swap3A_728 = arith.constant 0 : i32
      %swap3A_729 = arith.index_cast %swap3A_727 : i32 to index
      %swap3A_730 = arith.index_cast %swap3A_728 : i32 to index
      %swap3A_731 = arith.index_cast %mul3A_690 : i32 to index
      %swap3A_732 = tpu.vector_load %arg7[%swap3A_729, %swap3A_730, %swap3A_731] {strides = array<i32>} : memref<16x1x1024xf32, #tpu.memory_space<vmem>>, vector<1x1x16xf32>,
      %swap3A_733 = vector.shape_cast %swap3A_732 : vector<1x1x16xf32> to vector<16xf32>
      %swap3A_734 = vector.shape_cast %select_n3A_726 : vector<16xf32> to vector<1x1x16xf32>
      tpu.vector_store %arg7[%swap3A_729, %swap3A_730, %swap3A_731], %swap3A_734 {strides = array<i32>} : memref<16x1x1024xf32, #tpu.memory_space<vmem>>, vector<1x1x16xf32>,
      %select_n3A_735 = arith.select %lt3A_187, %get3A_695, %get3A_700 : vector<16xi1>, vector<16xf32>
      %swap3A_736 = arith.constant 4 : i32
      %swap3A_737 = arith.constant 0 : i32
      %swap3A_738 = arith.index_cast %swap3A_736 : i32 to index
      %swap3A_739 = arith.index_cast %swap3A_737 : i32 to index
      %swap3A_740 = arith.index_cast %mul3A_690 : i32 to index
      %swap3A_741 = tpu.vector_load %arg7[%swap3A_738, %swap3A_739, %swap3A_740] {strides = array<i32>} : memref<16x1x1024xf32, #tpu.memory_space<vmem>>, vector<1x1x16xf32>,
      %swap3A_742 = vector.shape_cast %swap3A_741 : vector<1x1x16xf32> to vector<16xf32>
      %swap3A_743 = vector.shape_cast %select_n3A_735 : vector<16xf32> to vector<1x1x16xf32>
      tpu.vector_store %arg7[%swap3A_738, %swap3A_739, %swap3A_740], %swap3A_743 {strides = array<i32>} : memref<16x1x1024xf32, #tpu.memory_space<vmem>>, vector<1x1x16xf32>,
      %select_n3A_744 = arith.select %lt3A_191, %get3A_695, %get3A_700 : vector<16xi1>, vector<16xf32>
      %swap3A_745 = arith.constant 5 : i32
      %swap3A_746 = arith.constant 0 : i32
      %swap3A_747 = arith.index_cast %swap3A_745 : i32 to index
      %swap3A_748 = arith.index_cast %swap3A_746 : i32 to index
      %swap3A_749 = arith.index_cast %mul3A_690 : i32 to index
      %swap3A_750 = tpu.vector_load %arg7[%swap3A_747, %swap3A_748, %swap3A_749] {strides = array<i32>} : memref<16x1x1024xf32, #tpu.memory_space<vmem>>, vector<1x1x16xf32>,
      %swap3A_751 = vector.shape_cast %swap3A_750 : vector<1x1x16xf32> to vector<16xf32>
      %swap3A_752 = vector.shape_cast %select_n3A_744 : vector<16xf32> to vector<1x1x16xf32>
      tpu.vector_store %arg7[%swap3A_747, %swap3A_748, %swap3A_749], %swap3A_752 {strides = array<i32>} : memref<16x1x1024xf32, #tpu.memory_space<vmem>>, vector<1x1x16xf32>,
      %select_n3A_753 = arith.select %lt3A_195, %get3A_695, %get3A_700 : vector<16xi1>, vector<16xf32>
      %swap3A_754 = arith.constant 6 : i32
      %swap3A_755 = arith.constant 0 : i32
      %swap3A_756 = arith.index_cast %swap3A_754 : i32 to index
      %swap3A_757 = arith.index_cast %swap3A_755 : i32 to index
      %swap3A_758 = arith.index_cast %mul3A_690 : i32 to index
      %swap3A_759 = tpu.vector_load %arg7[%swap3A_756, %swap3A_757, %swap3A_758] {strides = array<i32>} : memref<16x1x1024xf32, #tpu.memory_space<vmem>>, vector<1x1x16xf32>,
      %swap3A_760 = vector.shape_cast %swap3A_759 : vector<1x1x16xf32> to vector<16xf32>
      %swap3A_761 = vector.shape_cast %select_n3A_753 : vector<16xf32> to vector<1x1x16xf32>
      tpu.vector_store %arg7[%swap3A_756, %swap3A_757, %swap3A_758], %swap3A_761 {strides = array<i32>} : memref<16x1x1024xf32, #tpu.memory_space<vmem>>, vector<1x1x16xf32>,
      %select_n3A_762 = arith.select %lt3A_199, %get3A_695, %get3A_700 : vector<16xi1>, vector<16xf32>
      %swap3A_763 = arith.constant 7 : i32
      %swap3A_764 = arith.constant 0 : i32
      %swap3A_765 = arith.index_cast %swap3A_763 : i32 to index
      %swap3A_766 = arith.index_cast %swap3A_764 : i32 to index
      %swap3A_767 = arith.index_cast %mul3A_690 : i32 to index
      %swap3A_768 = tpu.vector_load %arg7[%swap3A_765, %swap3A_766, %swap3A_767] {strides = array<i32>} : memref<16x1x1024xf32, #tpu.memory_space<vmem>>, vector<1x1x16xf32>,
      %swap3A_769 = vector.shape_cast %swap3A_768 : vector<1x1x16xf32> to vector<16xf32>
      %swap3A_770 = vector.shape_cast %select_n3A_762 : vector<16xf32> to vector<1x1x16xf32>
      tpu.vector_store %arg7[%swap3A_765, %swap3A_766, %swap3A_767], %swap3A_770 {strides = array<i32>} : memref<16x1x1024xf32, #tpu.memory_space<vmem>>, vector<1x1x16xf32>,
      %select_n3A_771 = arith.select %lt3A_203, %get3A_695, %get3A_700 : vector<16xi1>, vector<16xf32>
      %swap3A_772 = arith.constant 8 : i32
      %swap3A_773 = arith.constant 0 : i32
      %swap3A_774 = arith.index_cast %swap3A_772 : i32 to index
      %swap3A_775 = arith.index_cast %swap3A_773 : i32 to index
      %swap3A_776 = arith.index_cast %mul3A_690 : i32 to index
      %swap3A_777 = tpu.vector_load %arg7[%swap3A_774, %swap3A_775, %swap3A_776] {strides = array<i32>} : memref<16x1x1024xf32, #tpu.memory_space<vmem>>, vector<1x1x16xf32>,
      %swap3A_778 = vector.shape_cast %swap3A_777 : vector<1x1x16xf32> to vector<16xf32>
      %swap3A_779 = vector.shape_cast %select_n3A_771 : vector<16xf32> to vector<1x1x16xf32>
      tpu.vector_store %arg7[%swap3A_774, %swap3A_775, %swap3A_776], %swap3A_779 {strides = array<i32>} : memref<16x1x1024xf32, #tpu.memory_space<vmem>>, vector<1x1x16xf32>,
      %select_n3A_780 = arith.select %lt3A_207, %get3A_695, %get3A_700 : vector<16xi1>, vector<16xf32>
      %swap3A_781 = arith.constant 9 : i32
      %swap3A_782 = arith.constant 0 : i32
      %swap3A_783 = arith.index_cast %swap3A_781 : i32 to index
      %swap3A_784 = arith.index_cast %swap3A_782 : i32 to index
      %swap3A_785 = arith.index_cast %mul3A_690 : i32 to index
      %swap3A_786 = tpu.vector_load %arg7[%swap3A_783, %swap3A_784, %swap3A_785] {strides = array<i32>} : memref<16x1x1024xf32, #tpu.memory_space<vmem>>, vector<1x1x16xf32>,
      %swap3A_787 = vector.shape_cast %swap3A_786 : vector<1x1x16xf32> to vector<16xf32>
      %swap3A_788 = vector.shape_cast %select_n3A_780 : vector<16xf32> to vector<1x1x16xf32>
      tpu.vector_store %arg7[%swap3A_783, %swap3A_784, %swap3A_785], %swap3A_788 {strides = array<i32>} : memref<16x1x1024xf32, #tpu.memory_space<vmem>>, vector<1x1x16xf32>,
      %select_n3A_789 = arith.select %lt3A_211, %get3A_695, %get3A_700 : vector<16xi1>, vector<16xf32>
      %swap3A_790 = arith.constant 10 : i32
      %swap3A_791 = arith.constant 0 : i32
      %swap3A_792 = arith.index_cast %swap3A_790 : i32 to index
      %swap3A_793 = arith.index_cast %swap3A_791 : i32 to index
      %swap3A_794 = arith.index_cast %mul3A_690 : i32 to index
      %swap3A_795 = tpu.vector_load %arg7[%swap3A_792, %swap3A_793, %swap3A_794] {strides = array<i32>} : memref<16x1x1024xf32, #tpu.memory_space<vmem>>, vector<1x1x16xf32>,
      %swap3A_796 = vector.shape_cast %swap3A_795 : vector<1x1x16xf32> to vector<16xf32>
      %swap3A_797 = vector.shape_cast %select_n3A_789 : vector<16xf32> to vector<1x1x16xf32>
      tpu.vector_store %arg7[%swap3A_792, %swap3A_793, %swap3A_794], %swap3A_797 {strides = array<i32>} : memref<16x1x1024xf32, #tpu.memory_space<vmem>>, vector<1x1x16xf32>,
      %select_n3A_798 = arith.select %lt3A_215, %get3A_695, %get3A_700 : vector<16xi1>, vector<16xf32>
      %swap3A_799 = arith.constant 11 : i32
      %swap3A_800 = arith.constant 0 : i32
      %swap3A_801 = arith.index_cast %swap3A_799 : i32 to index
      %swap3A_802 = arith.index_cast %swap3A_800 : i32 to index
      %swap3A_803 = arith.index_cast %mul3A_690 : i32 to index
      %swap3A_804 = tpu.vector_load %arg7[%swap3A_801, %swap3A_802, %swap3A_803] {strides = array<i32>} : memref<16x1x1024xf32, #tpu.memory_space<vmem>>, vector<1x1x16xf32>,
      %swap3A_805 = vector.shape_cast %swap3A_804 : vector<1x1x16xf32> to vector<16xf32>
      %swap3A_806 = vector.shape_cast %select_n3A_798 : vector<16xf32> to vector<1x1x16xf32>
      tpu.vector_store %arg7[%swap3A_801, %swap3A_802, %swap3A_803], %swap3A_806 {strides = array<i32>} : memref<16x1x1024xf32, #tpu.memory_space<vmem>>, vector<1x1x16xf32>,
      %select_n3A_807 = arith.select %lt3A_219, %get3A_695, %get3A_700 : vector<16xi1>, vector<16xf32>
      %swap3A_808 = arith.constant 12 : i32
      %swap3A_809 = arith.constant 0 : i32
      %swap3A_810 = arith.index_cast %swap3A_808 : i32 to index
      %swap3A_811 = arith.index_cast %swap3A_809 : i32 to index
      %swap3A_812 = arith.index_cast %mul3A_690 : i32 to index
      %swap3A_813 = tpu.vector_load %arg7[%swap3A_810, %swap3A_811, %swap3A_812] {strides = array<i32>} : memref<16x1x1024xf32, #tpu.memory_space<vmem>>, vector<1x1x16xf32>,
      %swap3A_814 = vector.shape_cast %swap3A_813 : vector<1x1x16xf32> to vector<16xf32>
      %swap3A_815 = vector.shape_cast %select_n3A_807 : vector<16xf32> to vector<1x1x16xf32>
      tpu.vector_store %arg7[%swap3A_810, %swap3A_811, %swap3A_812], %swap3A_815 {strides = array<i32>} : memref<16x1x1024xf32, #tpu.memory_space<vmem>>, vector<1x1x16xf32>,
      %select_n3A_816 = arith.select %lt3A_223, %get3A_695, %get3A_700 : vector<16xi1>, vector<16xf32>
      %swap3A_817 = arith.constant 13 : i32
      %swap3A_818 = arith.constant 0 : i32
      %swap3A_819 = arith.index_cast %swap3A_817 : i32 to index
      %swap3A_820 = arith.index_cast %swap3A_818 : i32 to index
      %swap3A_821 = arith.index_cast %mul3A_690 : i32 to index
      %swap3A_822 = tpu.vector_load %arg7[%swap3A_819, %swap3A_820, %swap3A_821] {strides = array<i32>} : memref<16x1x1024xf32, #tpu.memory_space<vmem>>, vector<1x1x16xf32>,
      %swap3A_823 = vector.shape_cast %swap3A_822 : vector<1x1x16xf32> to vector<16xf32>
      %swap3A_824 = vector.shape_cast %select_n3A_816 : vector<16xf32> to vector<1x1x16xf32>
      tpu.vector_store %arg7[%swap3A_819, %swap3A_820, %swap3A_821], %swap3A_824 {strides = array<i32>} : memref<16x1x1024xf32, #tpu.memory_space<vmem>>, vector<1x1x16xf32>,
      %select_n3A_825 = arith.select %lt3A_227, %get3A_695, %get3A_700 : vector<16xi1>, vector<16xf32>
      %swap3A_826 = arith.constant 14 : i32
      %swap3A_827 = arith.constant 0 : i32
      %swap3A_828 = arith.index_cast %swap3A_826 : i32 to index
      %swap3A_829 = arith.index_cast %swap3A_827 : i32 to index
      %swap3A_830 = arith.index_cast %mul3A_690 : i32 to index
      %swap3A_831 = tpu.vector_load %arg7[%swap3A_828, %swap3A_829, %swap3A_830] {strides = array<i32>} : memref<16x1x1024xf32, #tpu.memory_space<vmem>>, vector<1x1x16xf32>,
      %swap3A_832 = vector.shape_cast %swap3A_831 : vector<1x1x16xf32> to vector<16xf32>
      %swap3A_833 = vector.shape_cast %select_n3A_825 : vector<16xf32> to vector<1x1x16xf32>
      tpu.vector_store %arg7[%swap3A_828, %swap3A_829, %swap3A_830], %swap3A_833 {strides = array<i32>} : memref<16x1x1024xf32, #tpu.memory_space<vmem>>, vector<1x1x16xf32>,
      %select_n3A_834 = arith.select %lt3A_231, %get3A_695, %get3A_700 : vector<16xi1>, vector<16xf32>
      %swap3A_835 = arith.constant 15 : i32
      %swap3A_836 = arith.constant 0 : i32
      %swap3A_837 = arith.index_cast %swap3A_835 : i32 to index
      %swap3A_838 = arith.index_cast %swap3A_836 : i32 to index
      %swap3A_839 = arith.index_cast %mul3A_690 : i32 to index
      %swap3A_840 = tpu.vector_load %arg7[%swap3A_837, %swap3A_838, %swap3A_839] {strides = array<i32>} : memref<16x1x1024xf32, #tpu.memory_space<vmem>>, vector<1x1x16xf32>,
      %swap3A_841 = vector.shape_cast %swap3A_840 : vector<1x1x16xf32> to vector<16xf32>
      %swap3A_842 = vector.shape_cast %select_n3A_834 : vector<16xf32> to vector<1x1x16xf32>
      tpu.vector_store %arg7[%swap3A_837, %swap3A_838, %swap3A_839], %swap3A_842 {strides = array<i32>} : memref<16x1x1024xf32, #tpu.memory_space<vmem>>, vector<1x1x16xf32>,
    }
    %scan3A_237 = arith.constant 64 : i32
    %add3A_238 = arith.constant 32 : i32
    %add3A_239 = arith.addi %mul3A_2, %add3A_238 : i32
    %dma_start3A_240 = arith.constant 0 : i32
    %dma_start3A_241 = arith.constant 0 : i32
    %dma_start3A_242 = tpu.memref_slice %arg4[%add3A_239, %dma_start3A_240, %dma_start3A_241] : memref<4096x1x1024xf32, #tpu.memory_space<hbm>> -> memref<16x1x1024xf32, #tpu.memory_space<hbm>>
    %dma_start3A_243 = arith.constant 0 : i32
    %dma_start3A_244 = arith.constant 0 : i32
    %dma_start3A_245 = tpu.memref_slice %arg4[%add3A_239, %dma_start3A_243, %dma_start3A_244] : memref<4096x1x1024xf32, #tpu.memory_space<hbm>> -> memref<16x1x1024xf32, #tpu.memory_space<hbm>>
    tpu.enqueue_dma source(%arg7 : memref<16x1x1024xf32, #tpu.memory_space<vmem>>) target(%dma_start3A_245 : memref<16x1x1024xf32, #tpu.memory_space<hbm>>) target_semaphore(%arg9 : memref<!tpu.dma_semaphore, #tpu.memory_space<semaphore_mem>>)
    %dma_wait3A_246 = arith.constant 0 : i32
    %dma_wait3A_247 = arith.constant 0 : i32
    %dma_wait3A_248 = tpu.memref_slice %arg4[%add3A_154, %dma_wait3A_246, %dma_wait3A_247] : memref<4096x1x1024xf32, #tpu.memory_space<hbm>> -> memref<16x1x1024xf32, #tpu.memory_space<hbm>>
    %dma_wait3A_249 = arith.constant 0 : i32
    %dma_wait3A_250 = arith.constant 0 : i32
    %dma_wait3A_251 = tpu.memref_slice %arg4[%add3A_154, %dma_wait3A_249, %dma_wait3A_250] : memref<4096x1x1024xf32, #tpu.memory_space<hbm>> -> memref<16x1x1024xf32, #tpu.memory_space<hbm>>
    tpu.wait_dma2 semaphore(%arg10 : memref<!tpu.dma_semaphore, #tpu.memory_space<semaphore_mem>>) src(%arg8 : memref<16x1x1024xf32, #tpu.memory_space<vmem>>) dst(%dma_wait3A_251 : memref<16x1x1024xf32, #tpu.memory_space<hbm>>)
    %add3A_252 = arith.constant 48 : i32
    %add3A_253 = arith.addi %mul3A_2, %add3A_252 : i32
    %add3A_254 = arith.constant 0 : i32
    %add3A_255 = arith.addi %add3A_253, %add3A_254 : i32
    %broadcast_in_dim3A_256 = vector.broadcast %add3A_255 : i32 to vector<16xi32>
    %lt3A_257 = arith.cmpi slt, %broadcast_in_dim3A_256, %get3A_4 : vector<16xi32>
    %add3A_258 = arith.constant 1 : i32
    %add3A_259 = arith.addi %add3A_253, %add3A_258 : i32
    %broadcast_in_dim3A_260 = vector.broadcast %add3A_259 : i32 to vector<16xi32>
    %lt3A_261 = arith.cmpi slt, %broadcast_in_dim3A_260, %get3A_4 : vector<16xi32>
    %add3A_262 = arith.constant 2 : i32
    %add3A_263 = arith.addi %add3A_253, %add3A_262 : i32
    %broadcast_in_dim3A_264 = vector.broadcast %add3A_263 : i32 to vector<16xi32>
    %lt3A_265 = arith.cmpi slt, %broadcast_in_dim3A_264, %get3A_4 : vector<16xi32>
    %add3A_266 = arith.constant 3 : i32
    %add3A_267 = arith.addi %add3A_253, %add3A_266 : i32
    %broadcast_in_dim3A_268 = vector.broadcast %add3A_267 : i32 to vector<16xi32>
    %lt3A_269 = arith.cmpi slt, %broadcast_in_dim3A_268, %get3A_4 : vector<16xi32>
    %add3A_270 = arith.constant 4 : i32
    %add3A_271 = arith.addi %add3A_253, %add3A_270 : i32
    %broadcast_in_dim3A_272 = vector.broadcast %add3A_271 : i32 to vector<16xi32>
    %lt3A_273 = arith.cmpi slt, %broadcast_in_dim3A_272, %get3A_4 : vector<16xi32>
    %add3A_274 = arith.constant 5 : i32
    %add3A_275 = arith.addi %add3A_253, %add3A_274 : i32
    %broadcast_in_dim3A_276 = vector.broadcast %add3A_275 : i32 to vector<16xi32>
    %lt3A_277 = arith.cmpi slt, %broadcast_in_dim3A_276, %get3A_4 : vector<16xi32>
    %add3A_278 = arith.constant 6 : i32
    %add3A_279 = arith.addi %add3A_253, %add3A_278 : i32
    %broadcast_in_dim3A_280 = vector.broadcast %add3A_279 : i32 to vector<16xi32>
    %lt3A_281 = arith.cmpi slt, %broadcast_in_dim3A_280, %get3A_4 : vector<16xi32>
    %add3A_282 = arith.constant 7 : i32
    %add3A_283 = arith.addi %add3A_253, %add3A_282 : i32
    %broadcast_in_dim3A_284 = vector.broadcast %add3A_283 : i32 to vector<16xi32>
    %lt3A_285 = arith.cmpi slt, %broadcast_in_dim3A_284, %get3A_4 : vector<16xi32>
    %add3A_286 = arith.constant 8 : i32
    %add3A_287 = arith.addi %add3A_253, %add3A_286 : i32
    %broadcast_in_dim3A_288 = vector.broadcast %add3A_287 : i32 to vector<16xi32>
    %lt3A_289 = arith.cmpi slt, %broadcast_in_dim3A_288, %get3A_4 : vector<16xi32>
    %add3A_290 = arith.constant 9 : i32
    %add3A_291 = arith.addi %add3A_253, %add3A_290 : i32
    %broadcast_in_dim3A_292 = vector.broadcast %add3A_291 : i32 to vector<16xi32>
    %lt3A_293 = arith.cmpi slt, %broadcast_in_dim3A_292, %get3A_4 : vector<16xi32>
    %add3A_294 = arith.constant 10 : i32
    %add3A_295 = arith.addi %add3A_253, %add3A_294 : i32
    %broadcast_in_dim3A_296 = vector.broadcast %add3A_295 : i32 to vector<16xi32>
    %lt3A_297 = arith.cmpi slt, %broadcast_in_dim3A_296, %get3A_4 : vector<16xi32>
    %add3A_298 = arith.constant 11 : i32
    %add3A_299 = arith.addi %add3A_253, %add3A_298 : i32
    %broadcast_in_dim3A_300 = vector.broadcast %add3A_299 : i32 to vector<16xi32>
    %lt3A_301 = arith.cmpi slt, %broadcast_in_dim3A_300, %get3A_4 : vector<16xi32>
    %add3A_302 = arith.constant 12 : i32
    %add3A_303 = arith.addi %add3A_253, %add3A_302 : i32
    %broadcast_in_dim3A_304 = vector.broadcast %add3A_303 : i32 to vector<16xi32>
    %lt3A_305 = arith.cmpi slt, %broadcast_in_dim3A_304, %get3A_4 : vector<16xi32>
    %add3A_306 = arith.constant 13 : i32
    %add3A_307 = arith.addi %add3A_253, %add3A_306 : i32
    %broadcast_in_dim3A_308 = vector.broadcast %add3A_307 : i32 to vector<16xi32>
    %lt3A_309 = arith.cmpi slt, %broadcast_in_dim3A_308, %get3A_4 : vector<16xi32>
    %add3A_310 = arith.constant 14 : i32
    %add3A_311 = arith.addi %add3A_253, %add3A_310 : i32
    %broadcast_in_dim3A_312 = vector.broadcast %add3A_311 : i32 to vector<16xi32>
    %lt3A_313 = arith.cmpi slt, %broadcast_in_dim3A_312, %get3A_4 : vector<16xi32>
    %add3A_314 = arith.constant 15 : i32
    %add3A_315 = arith.addi %add3A_253, %add3A_314 : i32
    %broadcast_in_dim3A_316 = vector.broadcast %add3A_315 : i32 to vector<16xi32>
    %lt3A_317 = arith.cmpi slt, %broadcast_in_dim3A_316, %get3A_4 : vector<16xi32>
    %scan3A_318 = arith.constant 0 : i32
    %scan3A_319 = arith.constant 0 : i32
    %scan3A_320 = arith.constant 64 : i32
    %scan3A_321 = arith.addi %scan3A_319, %scan3A_320 : i32
    %scan3A_322 = arith.constant 1 : i32
    scf.for %scan3A_688 = %scan3A_319 to %scan3A_321 step %scan3A_322  : i32 {
      %mul3A_689 = arith.constant 16 : i32
      %mul3A_690 = arith.muli %scan3A_688, %mul3A_689 : i32
      %get3A_691 = arith.constant 0 : i32
      %get3A_692 = arith.index_cast %get3A_691 : i32 to index
      %get3A_693 = arith.index_cast %mul3A_690 : i32 to index
      %get3A_694 = tpu.vector_load %arg5[%get3A_692, %get3A_693] {strides = array<i32>} : memref<5x1024xf32, #tpu.memory_space<vmem>>, vector<1x16xf32>,
      %get3A_695 = vector.shape_cast %get3A_694 : vector<1x16xf32> to vector<16xf32>
      %get3A_696 = arith.constant 3 : i32
      %get3A_697 = arith.index_cast %get3A_696 : i32 to index
      %get3A_698 = arith.index_cast %mul3A_690 : i32 to index
      %get3A_699 = tpu.vector_load %arg5[%get3A_697, %get3A_698] {strides = array<i32>} : memref<5x1024xf32, #tpu.memory_space<vmem>>, vector<1x16xf32>,
      %get3A_700 = vector.shape_cast %get3A_699 : vector<1x16xf32> to vector<16xf32>
      %select_n3A = arith.select %lt3A_257, %get3A_695, %get3A_700 : vector<16xi1>, vector<16xf32>
      %swap3A = arith.constant 0 : i32
      %swap3A_701 = arith.constant 0 : i32
      %swap3A_702 = arith.index_cast %swap3A : i32 to index
      %swap3A_703 = arith.index_cast %swap3A_701 : i32 to index
      %swap3A_704 = arith.index_cast %mul3A_690 : i32 to index
      %swap3A_705 = tpu.vector_load %arg8[%swap3A_702, %swap3A_703, %swap3A_704] {strides = array<i32>} : memref<16x1x1024xf32, #tpu.memory_space<vmem>>, vector<1x1x16xf32>,
      %swap3A_706 = vector.shape_cast %swap3A_705 : vector<1x1x16xf32> to vector<16xf32>
      %swap3A_707 = vector.shape_cast %select_n3A : vector<16xf32> to vector<1x1x16xf32>
      tpu.vector_store %arg8[%swap3A_702, %swap3A_703, %swap3A_704], %swap3A_707 {strides = array<i32>} : memref<16x1x1024xf32, #tpu.memory_space<vmem>>, vector<1x1x16xf32>,
      %select_n3A_708 = arith.select %lt3A_261, %get3A_695, %get3A_700 : vector<16xi1>, vector<16xf32>
      %swap3A_709 = arith.constant 1 : i32
      %swap3A_710 = arith.constant 0 : i32
      %swap3A_711 = arith.index_cast %swap3A_709 : i32 to index
      %swap3A_712 = arith.index_cast %swap3A_710 : i32 to index
      %swap3A_713 = arith.index_cast %mul3A_690 : i32 to index
      %swap3A_714 = tpu.vector_load %arg8[%swap3A_711, %swap3A_712, %swap3A_713] {strides = array<i32>} : memref<16x1x1024xf32, #tpu.memory_space<vmem>>, vector<1x1x16xf32>,
      %swap3A_715 = vector.shape_cast %swap3A_714 : vector<1x1x16xf32> to vector<16xf32>
      %swap3A_716 = vector.shape_cast %select_n3A_708 : vector<16xf32> to vector<1x1x16xf32>
      tpu.vector_store %arg8[%swap3A_711, %swap3A_712, %swap3A_713], %swap3A_716 {strides = array<i32>} : memref<16x1x1024xf32, #tpu.memory_space<vmem>>, vector<1x1x16xf32>,
      %select_n3A_717 = arith.select %lt3A_265, %get3A_695, %get3A_700 : vector<16xi1>, vector<16xf32>
      %swap3A_718 = arith.constant 2 : i32
      %swap3A_719 = arith.constant 0 : i32
      %swap3A_720 = arith.index_cast %swap3A_718 : i32 to index
      %swap3A_721 = arith.index_cast %swap3A_719 : i32 to index
      %swap3A_722 = arith.index_cast %mul3A_690 : i32 to index
      %swap3A_723 = tpu.vector_load %arg8[%swap3A_720, %swap3A_721, %swap3A_722] {strides = array<i32>} : memref<16x1x1024xf32, #tpu.memory_space<vmem>>, vector<1x1x16xf32>,
      %swap3A_724 = vector.shape_cast %swap3A_723 : vector<1x1x16xf32> to vector<16xf32>
      %swap3A_725 = vector.shape_cast %select_n3A_717 : vector<16xf32> to vector<1x1x16xf32>
      tpu.vector_store %arg8[%swap3A_720, %swap3A_721, %swap3A_722], %swap3A_725 {strides = array<i32>} : memref<16x1x1024xf32, #tpu.memory_space<vmem>>, vector<1x1x16xf32>,
      %select_n3A_726 = arith.select %lt3A_269, %get3A_695, %get3A_700 : vector<16xi1>, vector<16xf32>
      %swap3A_727 = arith.constant 3 : i32
      %swap3A_728 = arith.constant 0 : i32
      %swap3A_729 = arith.index_cast %swap3A_727 : i32 to index
      %swap3A_730 = arith.index_cast %swap3A_728 : i32 to index
      %swap3A_731 = arith.index_cast %mul3A_690 : i32 to index
      %swap3A_732 = tpu.vector_load %arg8[%swap3A_729, %swap3A_730, %swap3A_731] {strides = array<i32>} : memref<16x1x1024xf32, #tpu.memory_space<vmem>>, vector<1x1x16xf32>,
      %swap3A_733 = vector.shape_cast %swap3A_732 : vector<1x1x16xf32> to vector<16xf32>
      %swap3A_734 = vector.shape_cast %select_n3A_726 : vector<16xf32> to vector<1x1x16xf32>
      tpu.vector_store %arg8[%swap3A_729, %swap3A_730, %swap3A_731], %swap3A_734 {strides = array<i32>} : memref<16x1x1024xf32, #tpu.memory_space<vmem>>, vector<1x1x16xf32>,
      %select_n3A_735 = arith.select %lt3A_273, %get3A_695, %get3A_700 : vector<16xi1>, vector<16xf32>
      %swap3A_736 = arith.constant 4 : i32
      %swap3A_737 = arith.constant 0 : i32
      %swap3A_738 = arith.index_cast %swap3A_736 : i32 to index
      %swap3A_739 = arith.index_cast %swap3A_737 : i32 to index
      %swap3A_740 = arith.index_cast %mul3A_690 : i32 to index
      %swap3A_741 = tpu.vector_load %arg8[%swap3A_738, %swap3A_739, %swap3A_740] {strides = array<i32>} : memref<16x1x1024xf32, #tpu.memory_space<vmem>>, vector<1x1x16xf32>,
      %swap3A_742 = vector.shape_cast %swap3A_741 : vector<1x1x16xf32> to vector<16xf32>
      %swap3A_743 = vector.shape_cast %select_n3A_735 : vector<16xf32> to vector<1x1x16xf32>
      tpu.vector_store %arg8[%swap3A_738, %swap3A_739, %swap3A_740], %swap3A_743 {strides = array<i32>} : memref<16x1x1024xf32, #tpu.memory_space<vmem>>, vector<1x1x16xf32>,
      %select_n3A_744 = arith.select %lt3A_277, %get3A_695, %get3A_700 : vector<16xi1>, vector<16xf32>
      %swap3A_745 = arith.constant 5 : i32
      %swap3A_746 = arith.constant 0 : i32
      %swap3A_747 = arith.index_cast %swap3A_745 : i32 to index
      %swap3A_748 = arith.index_cast %swap3A_746 : i32 to index
      %swap3A_749 = arith.index_cast %mul3A_690 : i32 to index
      %swap3A_750 = tpu.vector_load %arg8[%swap3A_747, %swap3A_748, %swap3A_749] {strides = array<i32>} : memref<16x1x1024xf32, #tpu.memory_space<vmem>>, vector<1x1x16xf32>,
      %swap3A_751 = vector.shape_cast %swap3A_750 : vector<1x1x16xf32> to vector<16xf32>
      %swap3A_752 = vector.shape_cast %select_n3A_744 : vector<16xf32> to vector<1x1x16xf32>
      tpu.vector_store %arg8[%swap3A_747, %swap3A_748, %swap3A_749], %swap3A_752 {strides = array<i32>} : memref<16x1x1024xf32, #tpu.memory_space<vmem>>, vector<1x1x16xf32>,
      %select_n3A_753 = arith.select %lt3A_281, %get3A_695, %get3A_700 : vector<16xi1>, vector<16xf32>
      %swap3A_754 = arith.constant 6 : i32
      %swap3A_755 = arith.constant 0 : i32
      %swap3A_756 = arith.index_cast %swap3A_754 : i32 to index
      %swap3A_757 = arith.index_cast %swap3A_755 : i32 to index
      %swap3A_758 = arith.index_cast %mul3A_690 : i32 to index
      %swap3A_759 = tpu.vector_load %arg8[%swap3A_756, %swap3A_757, %swap3A_758] {strides = array<i32>} : memref<16x1x1024xf32, #tpu.memory_space<vmem>>, vector<1x1x16xf32>,
      %swap3A_760 = vector.shape_cast %swap3A_759 : vector<1x1x16xf32> to vector<16xf32>
      %swap3A_761 = vector.shape_cast %select_n3A_753 : vector<16xf32> to vector<1x1x16xf32>
      tpu.vector_store %arg8[%swap3A_756, %swap3A_757, %swap3A_758], %swap3A_761 {strides = array<i32>} : memref<16x1x1024xf32, #tpu.memory_space<vmem>>, vector<1x1x16xf32>,
      %select_n3A_762 = arith.select %lt3A_285, %get3A_695, %get3A_700 : vector<16xi1>, vector<16xf32>
      %swap3A_763 = arith.constant 7 : i32
      %swap3A_764 = arith.constant 0 : i32
      %swap3A_765 = arith.index_cast %swap3A_763 : i32 to index
      %swap3A_766 = arith.index_cast %swap3A_764 : i32 to index
      %swap3A_767 = arith.index_cast %mul3A_690 : i32 to index
      %swap3A_768 = tpu.vector_load %arg8[%swap3A_765, %swap3A_766, %swap3A_767] {strides = array<i32>} : memref<16x1x1024xf32, #tpu.memory_space<vmem>>, vector<1x1x16xf32>,
      %swap3A_769 = vector.shape_cast %swap3A_768 : vector<1x1x16xf32> to vector<16xf32>
      %swap3A_770 = vector.shape_cast %select_n3A_762 : vector<16xf32> to vector<1x1x16xf32>
      tpu.vector_store %arg8[%swap3A_765, %swap3A_766, %swap3A_767], %swap3A_770 {strides = array<i32>} : memref<16x1x1024xf32, #tpu.memory_space<vmem>>, vector<1x1x16xf32>,
      %select_n3A_771 = arith.select %lt3A_289, %get3A_695, %get3A_700 : vector<16xi1>, vector<16xf32>
      %swap3A_772 = arith.constant 8 : i32
      %swap3A_773 = arith.constant 0 : i32
      %swap3A_774 = arith.index_cast %swap3A_772 : i32 to index
      %swap3A_775 = arith.index_cast %swap3A_773 : i32 to index
      %swap3A_776 = arith.index_cast %mul3A_690 : i32 to index
      %swap3A_777 = tpu.vector_load %arg8[%swap3A_774, %swap3A_775, %swap3A_776] {strides = array<i32>} : memref<16x1x1024xf32, #tpu.memory_space<vmem>>, vector<1x1x16xf32>,
      %swap3A_778 = vector.shape_cast %swap3A_777 : vector<1x1x16xf32> to vector<16xf32>
      %swap3A_779 = vector.shape_cast %select_n3A_771 : vector<16xf32> to vector<1x1x16xf32>
      tpu.vector_store %arg8[%swap3A_774, %swap3A_775, %swap3A_776], %swap3A_779 {strides = array<i32>} : memref<16x1x1024xf32, #tpu.memory_space<vmem>>, vector<1x1x16xf32>,
      %select_n3A_780 = arith.select %lt3A_293, %get3A_695, %get3A_700 : vector<16xi1>, vector<16xf32>
      %swap3A_781 = arith.constant 9 : i32
      %swap3A_782 = arith.constant 0 : i32
      %swap3A_783 = arith.index_cast %swap3A_781 : i32 to index
      %swap3A_784 = arith.index_cast %swap3A_782 : i32 to index
      %swap3A_785 = arith.index_cast %mul3A_690 : i32 to index
      %swap3A_786 = tpu.vector_load %arg8[%swap3A_783, %swap3A_784, %swap3A_785] {strides = array<i32>} : memref<16x1x1024xf32, #tpu.memory_space<vmem>>, vector<1x1x16xf32>,
      %swap3A_787 = vector.shape_cast %swap3A_786 : vector<1x1x16xf32> to vector<16xf32>
      %swap3A_788 = vector.shape_cast %select_n3A_780 : vector<16xf32> to vector<1x1x16xf32>
      tpu.vector_store %arg8[%swap3A_783, %swap3A_784, %swap3A_785], %swap3A_788 {strides = array<i32>} : memref<16x1x1024xf32, #tpu.memory_space<vmem>>, vector<1x1x16xf32>,
      %select_n3A_789 = arith.select %lt3A_297, %get3A_695, %get3A_700 : vector<16xi1>, vector<16xf32>
      %swap3A_790 = arith.constant 10 : i32
      %swap3A_791 = arith.constant 0 : i32
      %swap3A_792 = arith.index_cast %swap3A_790 : i32 to index
      %swap3A_793 = arith.index_cast %swap3A_791 : i32 to index
      %swap3A_794 = arith.index_cast %mul3A_690 : i32 to index
      %swap3A_795 = tpu.vector_load %arg8[%swap3A_792, %swap3A_793, %swap3A_794] {strides = array<i32>} : memref<16x1x1024xf32, #tpu.memory_space<vmem>>, vector<1x1x16xf32>,
      %swap3A_796 = vector.shape_cast %swap3A_795 : vector<1x1x16xf32> to vector<16xf32>
      %swap3A_797 = vector.shape_cast %select_n3A_789 : vector<16xf32> to vector<1x1x16xf32>
      tpu.vector_store %arg8[%swap3A_792, %swap3A_793, %swap3A_794], %swap3A_797 {strides = array<i32>} : memref<16x1x1024xf32, #tpu.memory_space<vmem>>, vector<1x1x16xf32>,
      %select_n3A_798 = arith.select %lt3A_301, %get3A_695, %get3A_700 : vector<16xi1>, vector<16xf32>
      %swap3A_799 = arith.constant 11 : i32
      %swap3A_800 = arith.constant 0 : i32
      %swap3A_801 = arith.index_cast %swap3A_799 : i32 to index
      %swap3A_802 = arith.index_cast %swap3A_800 : i32 to index
      %swap3A_803 = arith.index_cast %mul3A_690 : i32 to index
      %swap3A_804 = tpu.vector_load %arg8[%swap3A_801, %swap3A_802, %swap3A_803] {strides = array<i32>} : memref<16x1x1024xf32, #tpu.memory_space<vmem>>, vector<1x1x16xf32>,
      %swap3A_805 = vector.shape_cast %swap3A_804 : vector<1x1x16xf32> to vector<16xf32>
      %swap3A_806 = vector.shape_cast %select_n3A_798 : vector<16xf32> to vector<1x1x16xf32>
      tpu.vector_store %arg8[%swap3A_801, %swap3A_802, %swap3A_803], %swap3A_806 {strides = array<i32>} : memref<16x1x1024xf32, #tpu.memory_space<vmem>>, vector<1x1x16xf32>,
      %select_n3A_807 = arith.select %lt3A_305, %get3A_695, %get3A_700 : vector<16xi1>, vector<16xf32>
      %swap3A_808 = arith.constant 12 : i32
      %swap3A_809 = arith.constant 0 : i32
      %swap3A_810 = arith.index_cast %swap3A_808 : i32 to index
      %swap3A_811 = arith.index_cast %swap3A_809 : i32 to index
      %swap3A_812 = arith.index_cast %mul3A_690 : i32 to index
      %swap3A_813 = tpu.vector_load %arg8[%swap3A_810, %swap3A_811, %swap3A_812] {strides = array<i32>} : memref<16x1x1024xf32, #tpu.memory_space<vmem>>, vector<1x1x16xf32>,
      %swap3A_814 = vector.shape_cast %swap3A_813 : vector<1x1x16xf32> to vector<16xf32>
      %swap3A_815 = vector.shape_cast %select_n3A_807 : vector<16xf32> to vector<1x1x16xf32>
      tpu.vector_store %arg8[%swap3A_810, %swap3A_811, %swap3A_812], %swap3A_815 {strides = array<i32>} : memref<16x1x1024xf32, #tpu.memory_space<vmem>>, vector<1x1x16xf32>,
      %select_n3A_816 = arith.select %lt3A_309, %get3A_695, %get3A_700 : vector<16xi1>, vector<16xf32>
      %swap3A_817 = arith.constant 13 : i32
      %swap3A_818 = arith.constant 0 : i32
      %swap3A_819 = arith.index_cast %swap3A_817 : i32 to index
      %swap3A_820 = arith.index_cast %swap3A_818 : i32 to index
      %swap3A_821 = arith.index_cast %mul3A_690 : i32 to index
      %swap3A_822 = tpu.vector_load %arg8[%swap3A_819, %swap3A_820, %swap3A_821] {strides = array<i32>} : memref<16x1x1024xf32, #tpu.memory_space<vmem>>, vector<1x1x16xf32>,
      %swap3A_823 = vector.shape_cast %swap3A_822 : vector<1x1x16xf32> to vector<16xf32>
      %swap3A_824 = vector.shape_cast %select_n3A_816 : vector<16xf32> to vector<1x1x16xf32>
      tpu.vector_store %arg8[%swap3A_819, %swap3A_820, %swap3A_821], %swap3A_824 {strides = array<i32>} : memref<16x1x1024xf32, #tpu.memory_space<vmem>>, vector<1x1x16xf32>,
      %select_n3A_825 = arith.select %lt3A_313, %get3A_695, %get3A_700 : vector<16xi1>, vector<16xf32>
      %swap3A_826 = arith.constant 14 : i32
      %swap3A_827 = arith.constant 0 : i32
      %swap3A_828 = arith.index_cast %swap3A_826 : i32 to index
      %swap3A_829 = arith.index_cast %swap3A_827 : i32 to index
      %swap3A_830 = arith.index_cast %mul3A_690 : i32 to index
      %swap3A_831 = tpu.vector_load %arg8[%swap3A_828, %swap3A_829, %swap3A_830] {strides = array<i32>} : memref<16x1x1024xf32, #tpu.memory_space<vmem>>, vector<1x1x16xf32>,
      %swap3A_832 = vector.shape_cast %swap3A_831 : vector<1x1x16xf32> to vector<16xf32>
      %swap3A_833 = vector.shape_cast %select_n3A_825 : vector<16xf32> to vector<1x1x16xf32>
      tpu.vector_store %arg8[%swap3A_828, %swap3A_829, %swap3A_830], %swap3A_833 {strides = array<i32>} : memref<16x1x1024xf32, #tpu.memory_space<vmem>>, vector<1x1x16xf32>,
      %select_n3A_834 = arith.select %lt3A_317, %get3A_695, %get3A_700 : vector<16xi1>, vector<16xf32>
      %swap3A_835 = arith.constant 15 : i32
      %swap3A_836 = arith.constant 0 : i32
      %swap3A_837 = arith.index_cast %swap3A_835 : i32 to index
      %swap3A_838 = arith.index_cast %swap3A_836 : i32 to index
      %swap3A_839 = arith.index_cast %mul3A_690 : i32 to index
      %swap3A_840 = tpu.vector_load %arg8[%swap3A_837, %swap3A_838, %swap3A_839] {strides = array<i32>} : memref<16x1x1024xf32, #tpu.memory_space<vmem>>, vector<1x1x16xf32>,
      %swap3A_841 = vector.shape_cast %swap3A_840 : vector<1x1x16xf32> to vector<16xf32>
      %swap3A_842 = vector.shape_cast %select_n3A_834 : vector<16xf32> to vector<1x1x16xf32>
      tpu.vector_store %arg8[%swap3A_837, %swap3A_838, %swap3A_839], %swap3A_842 {strides = array<i32>} : memref<16x1x1024xf32, #tpu.memory_space<vmem>>, vector<1x1x16xf32>,
    }
    %scan3A_323 = arith.constant 64 : i32
    %add3A_324 = arith.constant 48 : i32
    %add3A_325 = arith.addi %mul3A_2, %add3A_324 : i32
    %dma_start3A_326 = arith.constant 0 : i32
    %dma_start3A_327 = arith.constant 0 : i32
    %dma_start3A_328 = tpu.memref_slice %arg4[%add3A_325, %dma_start3A_326, %dma_start3A_327] : memref<4096x1x1024xf32, #tpu.memory_space<hbm>> -> memref<16x1x1024xf32, #tpu.memory_space<hbm>>
    %dma_start3A_329 = arith.constant 0 : i32
    %dma_start3A_330 = arith.constant 0 : i32
    %dma_start3A_331 = tpu.memref_slice %arg4[%add3A_325, %dma_start3A_329, %dma_start3A_330] : memref<4096x1x1024xf32, #tpu.memory_space<hbm>> -> memref<16x1x1024xf32, #tpu.memory_space<hbm>>
    tpu.enqueue_dma source(%arg8 : memref<16x1x1024xf32, #tpu.memory_space<vmem>>) target(%dma_start3A_331 : memref<16x1x1024xf32, #tpu.memory_space<hbm>>) target_semaphore(%arg10 : memref<!tpu.dma_semaphore, #tpu.memory_space<semaphore_mem>>)
    %dma_wait3A_332 = arith.constant 0 : i32
    %dma_wait3A_333 = arith.constant 0 : i32
    %dma_wait3A_334 = tpu.memref_slice %arg4[%add3A_239, %dma_wait3A_332, %dma_wait3A_333] : memref<4096x1x1024xf32, #tpu.memory_space<hbm>> -> memref<16x1x1024xf32, #tpu.memory_space<hbm>>
    %dma_wait3A_335 = arith.constant 0 : i32
    %dma_wait3A_336 = arith.constant 0 : i32
    %dma_wait3A_337 = tpu.memref_slice %arg4[%add3A_239, %dma_wait3A_335, %dma_wait3A_336] : memref<4096x1x1024xf32, #tpu.memory_space<hbm>> -> memref<16x1x1024xf32, #tpu.memory_space<hbm>>
    tpu.wait_dma2 semaphore(%arg9 : memref<!tpu.dma_semaphore, #tpu.memory_space<semaphore_mem>>) src(%arg7 : memref<16x1x1024xf32, #tpu.memory_space<vmem>>) dst(%dma_wait3A_337 : memref<16x1x1024xf32, #tpu.memory_space<hbm>>)
    %add3A_338 = arith.constant 64 : i32
    %add3A_339 = arith.addi %mul3A_2, %add3A_338 : i32
    %add3A_340 = arith.constant 0 : i32
    %add3A_341 = arith.addi %add3A_339, %add3A_340 : i32
    %broadcast_in_dim3A_342 = vector.broadcast %add3A_341 : i32 to vector<16xi32>
    %lt3A_343 = arith.cmpi slt, %broadcast_in_dim3A_342, %get3A_4 : vector<16xi32>
    %add3A_344 = arith.constant 1 : i32
    %add3A_345 = arith.addi %add3A_339, %add3A_344 : i32
    %broadcast_in_dim3A_346 = vector.broadcast %add3A_345 : i32 to vector<16xi32>
    %lt3A_347 = arith.cmpi slt, %broadcast_in_dim3A_346, %get3A_4 : vector<16xi32>
    %add3A_348 = arith.constant 2 : i32
    %add3A_349 = arith.addi %add3A_339, %add3A_348 : i32
    %broadcast_in_dim3A_350 = vector.broadcast %add3A_349 : i32 to vector<16xi32>
    %lt3A_351 = arith.cmpi slt, %broadcast_in_dim3A_350, %get3A_4 : vector<16xi32>
    %add3A_352 = arith.constant 3 : i32
    %add3A_353 = arith.addi %add3A_339, %add3A_352 : i32
    %broadcast_in_dim3A_354 = vector.broadcast %add3A_353 : i32 to vector<16xi32>
    %lt3A_355 = arith.cmpi slt, %broadcast_in_dim3A_354, %get3A_4 : vector<16xi32>
    %add3A_356 = arith.constant 4 : i32
    %add3A_357 = arith.addi %add3A_339, %add3A_356 : i32
    %broadcast_in_dim3A_358 = vector.broadcast %add3A_357 : i32 to vector<16xi32>
    %lt3A_359 = arith.cmpi slt, %broadcast_in_dim3A_358, %get3A_4 : vector<16xi32>
    %add3A_360 = arith.constant 5 : i32
    %add3A_361 = arith.addi %add3A_339, %add3A_360 : i32
    %broadcast_in_dim3A_362 = vector.broadcast %add3A_361 : i32 to vector<16xi32>
    %lt3A_363 = arith.cmpi slt, %broadcast_in_dim3A_362, %get3A_4 : vector<16xi32>
    %add3A_364 = arith.constant 6 : i32
    %add3A_365 = arith.addi %add3A_339, %add3A_364 : i32
    %broadcast_in_dim3A_366 = vector.broadcast %add3A_365 : i32 to vector<16xi32>
    %lt3A_367 = arith.cmpi slt, %broadcast_in_dim3A_366, %get3A_4 : vector<16xi32>
    %add3A_368 = arith.constant 7 : i32
    %add3A_369 = arith.addi %add3A_339, %add3A_368 : i32
    %broadcast_in_dim3A_370 = vector.broadcast %add3A_369 : i32 to vector<16xi32>
    %lt3A_371 = arith.cmpi slt, %broadcast_in_dim3A_370, %get3A_4 : vector<16xi32>
    %add3A_372 = arith.constant 8 : i32
    %add3A_373 = arith.addi %add3A_339, %add3A_372 : i32
    %broadcast_in_dim3A_374 = vector.broadcast %add3A_373 : i32 to vector<16xi32>
    %lt3A_375 = arith.cmpi slt, %broadcast_in_dim3A_374, %get3A_4 : vector<16xi32>
    %add3A_376 = arith.constant 9 : i32
    %add3A_377 = arith.addi %add3A_339, %add3A_376 : i32
    %broadcast_in_dim3A_378 = vector.broadcast %add3A_377 : i32 to vector<16xi32>
    %lt3A_379 = arith.cmpi slt, %broadcast_in_dim3A_378, %get3A_4 : vector<16xi32>
    %add3A_380 = arith.constant 10 : i32
    %add3A_381 = arith.addi %add3A_339, %add3A_380 : i32
    %broadcast_in_dim3A_382 = vector.broadcast %add3A_381 : i32 to vector<16xi32>
    %lt3A_383 = arith.cmpi slt, %broadcast_in_dim3A_382, %get3A_4 : vector<16xi32>
    %add3A_384 = arith.constant 11 : i32
    %add3A_385 = arith.addi %add3A_339, %add3A_384 : i32
    %broadcast_in_dim3A_386 = vector.broadcast %add3A_385 : i32 to vector<16xi32>
    %lt3A_387 = arith.cmpi slt, %broadcast_in_dim3A_386, %get3A_4 : vector<16xi32>
    %add3A_388 = arith.constant 12 : i32
    %add3A_389 = arith.addi %add3A_339, %add3A_388 : i32
    %broadcast_in_dim3A_390 = vector.broadcast %add3A_389 : i32 to vector<16xi32>
    %lt3A_391 = arith.cmpi slt, %broadcast_in_dim3A_390, %get3A_4 : vector<16xi32>
    %add3A_392 = arith.constant 13 : i32
    %add3A_393 = arith.addi %add3A_339, %add3A_392 : i32
    %broadcast_in_dim3A_394 = vector.broadcast %add3A_393 : i32 to vector<16xi32>
    %lt3A_395 = arith.cmpi slt, %broadcast_in_dim3A_394, %get3A_4 : vector<16xi32>
    %add3A_396 = arith.constant 14 : i32
    %add3A_397 = arith.addi %add3A_339, %add3A_396 : i32
    %broadcast_in_dim3A_398 = vector.broadcast %add3A_397 : i32 to vector<16xi32>
    %lt3A_399 = arith.cmpi slt, %broadcast_in_dim3A_398, %get3A_4 : vector<16xi32>
    %add3A_400 = arith.constant 15 : i32
    %add3A_401 = arith.addi %add3A_339, %add3A_400 : i32
    %broadcast_in_dim3A_402 = vector.broadcast %add3A_401 : i32 to vector<16xi32>
    %lt3A_403 = arith.cmpi slt, %broadcast_in_dim3A_402, %get3A_4 : vector<16xi32>
    %scan3A_404 = arith.constant 0 : i32
    %scan3A_405 = arith.constant 0 : i32
    %scan3A_406 = arith.constant 64 : i32
    %scan3A_407 = arith.addi %scan3A_405, %scan3A_406 : i32
    %scan3A_408 = arith.constant 1 : i32
    scf.for %scan3A_688 = %scan3A_405 to %scan3A_407 step %scan3A_408  : i32 {
      %mul3A_689 = arith.constant 16 : i32
      %mul3A_690 = arith.muli %scan3A_688, %mul3A_689 : i32
      %get3A_691 = arith.constant 0 : i32
      %get3A_692 = arith.index_cast %get3A_691 : i32 to index
      %get3A_693 = arith.index_cast %mul3A_690 : i32 to index
      %get3A_694 = tpu.vector_load %arg5[%get3A_692, %get3A_693] {strides = array<i32>} : memref<5x1024xf32, #tpu.memory_space<vmem>>, vector<1x16xf32>,
      %get3A_695 = vector.shape_cast %get3A_694 : vector<1x16xf32> to vector<16xf32>
      %get3A_696 = arith.constant 3 : i32
      %get3A_697 = arith.index_cast %get3A_696 : i32 to index
      %get3A_698 = arith.index_cast %mul3A_690 : i32 to index
      %get3A_699 = tpu.vector_load %arg5[%get3A_697, %get3A_698] {strides = array<i32>} : memref<5x1024xf32, #tpu.memory_space<vmem>>, vector<1x16xf32>,
      %get3A_700 = vector.shape_cast %get3A_699 : vector<1x16xf32> to vector<16xf32>
      %select_n3A = arith.select %lt3A_343, %get3A_695, %get3A_700 : vector<16xi1>, vector<16xf32>
      %swap3A = arith.constant 0 : i32
      %swap3A_701 = arith.constant 0 : i32
      %swap3A_702 = arith.index_cast %swap3A : i32 to index
      %swap3A_703 = arith.index_cast %swap3A_701 : i32 to index
      %swap3A_704 = arith.index_cast %mul3A_690 : i32 to index
      %swap3A_705 = tpu.vector_load %arg7[%swap3A_702, %swap3A_703, %swap3A_704] {strides = array<i32>} : memref<16x1x1024xf32, #tpu.memory_space<vmem>>, vector<1x1x16xf32>,
      %swap3A_706 = vector.shape_cast %swap3A_705 : vector<1x1x16xf32> to vector<16xf32>
      %swap3A_707 = vector.shape_cast %select_n3A : vector<16xf32> to vector<1x1x16xf32>
      tpu.vector_store %arg7[%swap3A_702, %swap3A_703, %swap3A_704], %swap3A_707 {strides = array<i32>} : memref<16x1x1024xf32, #tpu.memory_space<vmem>>, vector<1x1x16xf32>,
      %select_n3A_708 = arith.select %lt3A_347, %get3A_695, %get3A_700 : vector<16xi1>, vector<16xf32>
      %swap3A_709 = arith.constant 1 : i32
      %swap3A_710 = arith.constant 0 : i32
      %swap3A_711 = arith.index_cast %swap3A_709 : i32 to index
      %swap3A_712 = arith.index_cast %swap3A_710 : i32 to index
      %swap3A_713 = arith.index_cast %mul3A_690 : i32 to index
      %swap3A_714 = tpu.vector_load %arg7[%swap3A_711, %swap3A_712, %swap3A_713] {strides = array<i32>} : memref<16x1x1024xf32, #tpu.memory_space<vmem>>, vector<1x1x16xf32>,
      %swap3A_715 = vector.shape_cast %swap3A_714 : vector<1x1x16xf32> to vector<16xf32>
      %swap3A_716 = vector.shape_cast %select_n3A_708 : vector<16xf32> to vector<1x1x16xf32>
      tpu.vector_store %arg7[%swap3A_711, %swap3A_712, %swap3A_713], %swap3A_716 {strides = array<i32>} : memref<16x1x1024xf32, #tpu.memory_space<vmem>>, vector<1x1x16xf32>,
      %select_n3A_717 = arith.select %lt3A_351, %get3A_695, %get3A_700 : vector<16xi1>, vector<16xf32>
      %swap3A_718 = arith.constant 2 : i32
      %swap3A_719 = arith.constant 0 : i32
      %swap3A_720 = arith.index_cast %swap3A_718 : i32 to index
      %swap3A_721 = arith.index_cast %swap3A_719 : i32 to index
      %swap3A_722 = arith.index_cast %mul3A_690 : i32 to index
      %swap3A_723 = tpu.vector_load %arg7[%swap3A_720, %swap3A_721, %swap3A_722] {strides = array<i32>} : memref<16x1x1024xf32, #tpu.memory_space<vmem>>, vector<1x1x16xf32>,
      %swap3A_724 = vector.shape_cast %swap3A_723 : vector<1x1x16xf32> to vector<16xf32>
      %swap3A_725 = vector.shape_cast %select_n3A_717 : vector<16xf32> to vector<1x1x16xf32>
      tpu.vector_store %arg7[%swap3A_720, %swap3A_721, %swap3A_722], %swap3A_725 {strides = array<i32>} : memref<16x1x1024xf32, #tpu.memory_space<vmem>>, vector<1x1x16xf32>,
      %select_n3A_726 = arith.select %lt3A_355, %get3A_695, %get3A_700 : vector<16xi1>, vector<16xf32>
      %swap3A_727 = arith.constant 3 : i32
      %swap3A_728 = arith.constant 0 : i32
      %swap3A_729 = arith.index_cast %swap3A_727 : i32 to index
      %swap3A_730 = arith.index_cast %swap3A_728 : i32 to index
      %swap3A_731 = arith.index_cast %mul3A_690 : i32 to index
      %swap3A_732 = tpu.vector_load %arg7[%swap3A_729, %swap3A_730, %swap3A_731] {strides = array<i32>} : memref<16x1x1024xf32, #tpu.memory_space<vmem>>, vector<1x1x16xf32>,
      %swap3A_733 = vector.shape_cast %swap3A_732 : vector<1x1x16xf32> to vector<16xf32>
      %swap3A_734 = vector.shape_cast %select_n3A_726 : vector<16xf32> to vector<1x1x16xf32>
      tpu.vector_store %arg7[%swap3A_729, %swap3A_730, %swap3A_731], %swap3A_734 {strides = array<i32>} : memref<16x1x1024xf32, #tpu.memory_space<vmem>>, vector<1x1x16xf32>,
      %select_n3A_735 = arith.select %lt3A_359, %get3A_695, %get3A_700 : vector<16xi1>, vector<16xf32>
      %swap3A_736 = arith.constant 4 : i32
      %swap3A_737 = arith.constant 0 : i32
      %swap3A_738 = arith.index_cast %swap3A_736 : i32 to index
      %swap3A_739 = arith.index_cast %swap3A_737 : i32 to index
      %swap3A_740 = arith.index_cast %mul3A_690 : i32 to index
      %swap3A_741 = tpu.vector_load %arg7[%swap3A_738, %swap3A_739, %swap3A_740] {strides = array<i32>} : memref<16x1x1024xf32, #tpu.memory_space<vmem>>, vector<1x1x16xf32>,
      %swap3A_742 = vector.shape_cast %swap3A_741 : vector<1x1x16xf32> to vector<16xf32>
      %swap3A_743 = vector.shape_cast %select_n3A_735 : vector<16xf32> to vector<1x1x16xf32>
      tpu.vector_store %arg7[%swap3A_738, %swap3A_739, %swap3A_740], %swap3A_743 {strides = array<i32>} : memref<16x1x1024xf32, #tpu.memory_space<vmem>>, vector<1x1x16xf32>,
      %select_n3A_744 = arith.select %lt3A_363, %get3A_695, %get3A_700 : vector<16xi1>, vector<16xf32>
      %swap3A_745 = arith.constant 5 : i32
      %swap3A_746 = arith.constant 0 : i32
      %swap3A_747 = arith.index_cast %swap3A_745 : i32 to index
      %swap3A_748 = arith.index_cast %swap3A_746 : i32 to index
      %swap3A_749 = arith.index_cast %mul3A_690 : i32 to index
      %swap3A_750 = tpu.vector_load %arg7[%swap3A_747, %swap3A_748, %swap3A_749] {strides = array<i32>} : memref<16x1x1024xf32, #tpu.memory_space<vmem>>, vector<1x1x16xf32>,
      %swap3A_751 = vector.shape_cast %swap3A_750 : vector<1x1x16xf32> to vector<16xf32>
      %swap3A_752 = vector.shape_cast %select_n3A_744 : vector<16xf32> to vector<1x1x16xf32>
      tpu.vector_store %arg7[%swap3A_747, %swap3A_748, %swap3A_749], %swap3A_752 {strides = array<i32>} : memref<16x1x1024xf32, #tpu.memory_space<vmem>>, vector<1x1x16xf32>,
      %select_n3A_753 = arith.select %lt3A_367, %get3A_695, %get3A_700 : vector<16xi1>, vector<16xf32>
      %swap3A_754 = arith.constant 6 : i32
      %swap3A_755 = arith.constant 0 : i32
      %swap3A_756 = arith.index_cast %swap3A_754 : i32 to index
      %swap3A_757 = arith.index_cast %swap3A_755 : i32 to index
      %swap3A_758 = arith.index_cast %mul3A_690 : i32 to index
      %swap3A_759 = tpu.vector_load %arg7[%swap3A_756, %swap3A_757, %swap3A_758] {strides = array<i32>} : memref<16x1x1024xf32, #tpu.memory_space<vmem>>, vector<1x1x16xf32>,
      %swap3A_760 = vector.shape_cast %swap3A_759 : vector<1x1x16xf32> to vector<16xf32>
      %swap3A_761 = vector.shape_cast %select_n3A_753 : vector<16xf32> to vector<1x1x16xf32>
      tpu.vector_store %arg7[%swap3A_756, %swap3A_757, %swap3A_758], %swap3A_761 {strides = array<i32>} : memref<16x1x1024xf32, #tpu.memory_space<vmem>>, vector<1x1x16xf32>,
      %select_n3A_762 = arith.select %lt3A_371, %get3A_695, %get3A_700 : vector<16xi1>, vector<16xf32>
      %swap3A_763 = arith.constant 7 : i32
      %swap3A_764 = arith.constant 0 : i32
      %swap3A_765 = arith.index_cast %swap3A_763 : i32 to index
      %swap3A_766 = arith.index_cast %swap3A_764 : i32 to index
      %swap3A_767 = arith.index_cast %mul3A_690 : i32 to index
      %swap3A_768 = tpu.vector_load %arg7[%swap3A_765, %swap3A_766, %swap3A_767] {strides = array<i32>} : memref<16x1x1024xf32, #tpu.memory_space<vmem>>, vector<1x1x16xf32>,
      %swap3A_769 = vector.shape_cast %swap3A_768 : vector<1x1x16xf32> to vector<16xf32>
      %swap3A_770 = vector.shape_cast %select_n3A_762 : vector<16xf32> to vector<1x1x16xf32>
      tpu.vector_store %arg7[%swap3A_765, %swap3A_766, %swap3A_767], %swap3A_770 {strides = array<i32>} : memref<16x1x1024xf32, #tpu.memory_space<vmem>>, vector<1x1x16xf32>,
      %select_n3A_771 = arith.select %lt3A_375, %get3A_695, %get3A_700 : vector<16xi1>, vector<16xf32>
      %swap3A_772 = arith.constant 8 : i32
      %swap3A_773 = arith.constant 0 : i32
      %swap3A_774 = arith.index_cast %swap3A_772 : i32 to index
      %swap3A_775 = arith.index_cast %swap3A_773 : i32 to index
      %swap3A_776 = arith.index_cast %mul3A_690 : i32 to index
      %swap3A_777 = tpu.vector_load %arg7[%swap3A_774, %swap3A_775, %swap3A_776] {strides = array<i32>} : memref<16x1x1024xf32, #tpu.memory_space<vmem>>, vector<1x1x16xf32>,
      %swap3A_778 = vector.shape_cast %swap3A_777 : vector<1x1x16xf32> to vector<16xf32>
      %swap3A_779 = vector.shape_cast %select_n3A_771 : vector<16xf32> to vector<1x1x16xf32>
      tpu.vector_store %arg7[%swap3A_774, %swap3A_775, %swap3A_776], %swap3A_779 {strides = array<i32>} : memref<16x1x1024xf32, #tpu.memory_space<vmem>>, vector<1x1x16xf32>,
      %select_n3A_780 = arith.select %lt3A_379, %get3A_695, %get3A_700 : vector<16xi1>, vector<16xf32>
      %swap3A_781 = arith.constant 9 : i32
      %swap3A_782 = arith.constant 0 : i32
      %swap3A_783 = arith.index_cast %swap3A_781 : i32 to index
      %swap3A_784 = arith.index_cast %swap3A_782 : i32 to index
      %swap3A_785 = arith.index_cast %mul3A_690 : i32 to index
      %swap3A_786 = tpu.vector_load %arg7[%swap3A_783, %swap3A_784, %swap3A_785] {strides = array<i32>} : memref<16x1x1024xf32, #tpu.memory_space<vmem>>, vector<1x1x16xf32>,
      %swap3A_787 = vector.shape_cast %swap3A_786 : vector<1x1x16xf32> to vector<16xf32>
      %swap3A_788 = vector.shape_cast %select_n3A_780 : vector<16xf32> to vector<1x1x16xf32>
      tpu.vector_store %arg7[%swap3A_783, %swap3A_784, %swap3A_785], %swap3A_788 {strides = array<i32>} : memref<16x1x1024xf32, #tpu.memory_space<vmem>>, vector<1x1x16xf32>,
      %select_n3A_789 = arith.select %lt3A_383, %get3A_695, %get3A_700 : vector<16xi1>, vector<16xf32>
      %swap3A_790 = arith.constant 10 : i32
      %swap3A_791 = arith.constant 0 : i32
      %swap3A_792 = arith.index_cast %swap3A_790 : i32 to index
      %swap3A_793 = arith.index_cast %swap3A_791 : i32 to index
      %swap3A_794 = arith.index_cast %mul3A_690 : i32 to index
      %swap3A_795 = tpu.vector_load %arg7[%swap3A_792, %swap3A_793, %swap3A_794] {strides = array<i32>} : memref<16x1x1024xf32, #tpu.memory_space<vmem>>, vector<1x1x16xf32>,
      %swap3A_796 = vector.shape_cast %swap3A_795 : vector<1x1x16xf32> to vector<16xf32>
      %swap3A_797 = vector.shape_cast %select_n3A_789 : vector<16xf32> to vector<1x1x16xf32>
      tpu.vector_store %arg7[%swap3A_792, %swap3A_793, %swap3A_794], %swap3A_797 {strides = array<i32>} : memref<16x1x1024xf32, #tpu.memory_space<vmem>>, vector<1x1x16xf32>,
      %select_n3A_798 = arith.select %lt3A_387, %get3A_695, %get3A_700 : vector<16xi1>, vector<16xf32>
      %swap3A_799 = arith.constant 11 : i32
      %swap3A_800 = arith.constant 0 : i32
      %swap3A_801 = arith.index_cast %swap3A_799 : i32 to index
      %swap3A_802 = arith.index_cast %swap3A_800 : i32 to index
      %swap3A_803 = arith.index_cast %mul3A_690 : i32 to index
      %swap3A_804 = tpu.vector_load %arg7[%swap3A_801, %swap3A_802, %swap3A_803] {strides = array<i32>} : memref<16x1x1024xf32, #tpu.memory_space<vmem>>, vector<1x1x16xf32>,
      %swap3A_805 = vector.shape_cast %swap3A_804 : vector<1x1x16xf32> to vector<16xf32>
      %swap3A_806 = vector.shape_cast %select_n3A_798 : vector<16xf32> to vector<1x1x16xf32>
      tpu.vector_store %arg7[%swap3A_801, %swap3A_802, %swap3A_803], %swap3A_806 {strides = array<i32>} : memref<16x1x1024xf32, #tpu.memory_space<vmem>>, vector<1x1x16xf32>,
      %select_n3A_807 = arith.select %lt3A_391, %get3A_695, %get3A_700 : vector<16xi1>, vector<16xf32>
      %swap3A_808 = arith.constant 12 : i32
      %swap3A_809 = arith.constant 0 : i32
      %swap3A_810 = arith.index_cast %swap3A_808 : i32 to index
      %swap3A_811 = arith.index_cast %swap3A_809 : i32 to index
      %swap3A_812 = arith.index_cast %mul3A_690 : i32 to index
      %swap3A_813 = tpu.vector_load %arg7[%swap3A_810, %swap3A_811, %swap3A_812] {strides = array<i32>} : memref<16x1x1024xf32, #tpu.memory_space<vmem>>, vector<1x1x16xf32>,
      %swap3A_814 = vector.shape_cast %swap3A_813 : vector<1x1x16xf32> to vector<16xf32>
      %swap3A_815 = vector.shape_cast %select_n3A_807 : vector<16xf32> to vector<1x1x16xf32>
      tpu.vector_store %arg7[%swap3A_810, %swap3A_811, %swap3A_812], %swap3A_815 {strides = array<i32>} : memref<16x1x1024xf32, #tpu.memory_space<vmem>>, vector<1x1x16xf32>,
      %select_n3A_816 = arith.select %lt3A_395, %get3A_695, %get3A_700 : vector<16xi1>, vector<16xf32>
      %swap3A_817 = arith.constant 13 : i32
      %swap3A_818 = arith.constant 0 : i32
      %swap3A_819 = arith.index_cast %swap3A_817 : i32 to index
      %swap3A_820 = arith.index_cast %swap3A_818 : i32 to index
      %swap3A_821 = arith.index_cast %mul3A_690 : i32 to index
      %swap3A_822 = tpu.vector_load %arg7[%swap3A_819, %swap3A_820, %swap3A_821] {strides = array<i32>} : memref<16x1x1024xf32, #tpu.memory_space<vmem>>, vector<1x1x16xf32>,
      %swap3A_823 = vector.shape_cast %swap3A_822 : vector<1x1x16xf32> to vector<16xf32>
      %swap3A_824 = vector.shape_cast %select_n3A_816 : vector<16xf32> to vector<1x1x16xf32>
      tpu.vector_store %arg7[%swap3A_819, %swap3A_820, %swap3A_821], %swap3A_824 {strides = array<i32>} : memref<16x1x1024xf32, #tpu.memory_space<vmem>>, vector<1x1x16xf32>,
      %select_n3A_825 = arith.select %lt3A_399, %get3A_695, %get3A_700 : vector<16xi1>, vector<16xf32>
      %swap3A_826 = arith.constant 14 : i32
      %swap3A_827 = arith.constant 0 : i32
      %swap3A_828 = arith.index_cast %swap3A_826 : i32 to index
      %swap3A_829 = arith.index_cast %swap3A_827 : i32 to index
      %swap3A_830 = arith.index_cast %mul3A_690 : i32 to index
      %swap3A_831 = tpu.vector_load %arg7[%swap3A_828, %swap3A_829, %swap3A_830] {strides = array<i32>} : memref<16x1x1024xf32, #tpu.memory_space<vmem>>, vector<1x1x16xf32>,
      %swap3A_832 = vector.shape_cast %swap3A_831 : vector<1x1x16xf32> to vector<16xf32>
      %swap3A_833 = vector.shape_cast %select_n3A_825 : vector<16xf32> to vector<1x1x16xf32>
      tpu.vector_store %arg7[%swap3A_828, %swap3A_829, %swap3A_830], %swap3A_833 {strides = array<i32>} : memref<16x1x1024xf32, #tpu.memory_space<vmem>>, vector<1x1x16xf32>,
      %select_n3A_834 = arith.select %lt3A_403, %get3A_695, %get3A_700 : vector<16xi1>, vector<16xf32>
      %swap3A_835 = arith.constant 15 : i32
      %swap3A_836 = arith.constant 0 : i32
      %swap3A_837 = arith.index_cast %swap3A_835 : i32 to index
      %swap3A_838 = arith.index_cast %swap3A_836 : i32 to index
      %swap3A_839 = arith.index_cast %mul3A_690 : i32 to index
      %swap3A_840 = tpu.vector_load %arg7[%swap3A_837, %swap3A_838, %swap3A_839] {strides = array<i32>} : memref<16x1x1024xf32, #tpu.memory_space<vmem>>, vector<1x1x16xf32>,
      %swap3A_841 = vector.shape_cast %swap3A_840 : vector<1x1x16xf32> to vector<16xf32>
      %swap3A_842 = vector.shape_cast %select_n3A_834 : vector<16xf32> to vector<1x1x16xf32>
      tpu.vector_store %arg7[%swap3A_837, %swap3A_838, %swap3A_839], %swap3A_842 {strides = array<i32>} : memref<16x1x1024xf32, #tpu.memory_space<vmem>>, vector<1x1x16xf32>,
    }
    %scan3A_409 = arith.constant 64 : i32
    %add3A_410 = arith.constant 64 : i32
    %add3A_411 = arith.addi %mul3A_2, %add3A_410 : i32
    %dma_start3A_412 = arith.constant 0 : i32
    %dma_start3A_413 = arith.constant 0 : i32
    %dma_start3A_414 = tpu.memref_slice %arg4[%add3A_411, %dma_start3A_412, %dma_start3A_413] : memref<4096x1x1024xf32, #tpu.memory_space<hbm>> -> memref<16x1x1024xf32, #tpu.memory_space<hbm>>
    %dma_start3A_415 = arith.constant 0 : i32
    %dma_start3A_416 = arith.constant 0 : i32
    %dma_start3A_417 = tpu.memref_slice %arg4[%add3A_411, %dma_start3A_415, %dma_start3A_416] : memref<4096x1x1024xf32, #tpu.memory_space<hbm>> -> memref<16x1x1024xf32, #tpu.memory_space<hbm>>
    tpu.enqueue_dma source(%arg7 : memref<16x1x1024xf32, #tpu.memory_space<vmem>>) target(%dma_start3A_417 : memref<16x1x1024xf32, #tpu.memory_space<hbm>>) target_semaphore(%arg9 : memref<!tpu.dma_semaphore, #tpu.memory_space<semaphore_mem>>)
    %dma_wait3A_418 = arith.constant 0 : i32
    %dma_wait3A_419 = arith.constant 0 : i32
    %dma_wait3A_420 = tpu.memref_slice %arg4[%add3A_325, %dma_wait3A_418, %dma_wait3A_419] : memref<4096x1x1024xf32, #tpu.memory_space<hbm>> -> memref<16x1x1024xf32, #tpu.memory_space<hbm>>
    %dma_wait3A_421 = arith.constant 0 : i32
    %dma_wait3A_422 = arith.constant 0 : i32
    %dma_wait3A_423 = tpu.memref_slice %arg4[%add3A_325, %dma_wait3A_421, %dma_wait3A_422] : memref<4096x1x1024xf32, #tpu.memory_space<hbm>> -> memref<16x1x1024xf32, #tpu.memory_space<hbm>>
    tpu.wait_dma2 semaphore(%arg10 : memref<!tpu.dma_semaphore, #tpu.memory_space<semaphore_mem>>) src(%arg8 : memref<16x1x1024xf32, #tpu.memory_space<vmem>>) dst(%dma_wait3A_423 : memref<16x1x1024xf32, #tpu.memory_space<hbm>>)
    %add3A_424 = arith.constant 80 : i32
    %add3A_425 = arith.addi %mul3A_2, %add3A_424 : i32
    %add3A_426 = arith.constant 0 : i32
    %add3A_427 = arith.addi %add3A_425, %add3A_426 : i32
    %broadcast_in_dim3A_428 = vector.broadcast %add3A_427 : i32 to vector<16xi32>
    %lt3A_429 = arith.cmpi slt, %broadcast_in_dim3A_428, %get3A_4 : vector<16xi32>
    %add3A_430 = arith.constant 1 : i32
    %add3A_431 = arith.addi %add3A_425, %add3A_430 : i32
    %broadcast_in_dim3A_432 = vector.broadcast %add3A_431 : i32 to vector<16xi32>
    %lt3A_433 = arith.cmpi slt, %broadcast_in_dim3A_432, %get3A_4 : vector<16xi32>
    %add3A_434 = arith.constant 2 : i32
    %add3A_435 = arith.addi %add3A_425, %add3A_434 : i32
    %broadcast_in_dim3A_436 = vector.broadcast %add3A_435 : i32 to vector<16xi32>
    %lt3A_437 = arith.cmpi slt, %broadcast_in_dim3A_436, %get3A_4 : vector<16xi32>
    %add3A_438 = arith.constant 3 : i32
    %add3A_439 = arith.addi %add3A_425, %add3A_438 : i32
    %broadcast_in_dim3A_440 = vector.broadcast %add3A_439 : i32 to vector<16xi32>
    %lt3A_441 = arith.cmpi slt, %broadcast_in_dim3A_440, %get3A_4 : vector<16xi32>
    %add3A_442 = arith.constant 4 : i32
    %add3A_443 = arith.addi %add3A_425, %add3A_442 : i32
    %broadcast_in_dim3A_444 = vector.broadcast %add3A_443 : i32 to vector<16xi32>
    %lt3A_445 = arith.cmpi slt, %broadcast_in_dim3A_444, %get3A_4 : vector<16xi32>
    %add3A_446 = arith.constant 5 : i32
    %add3A_447 = arith.addi %add3A_425, %add3A_446 : i32
    %broadcast_in_dim3A_448 = vector.broadcast %add3A_447 : i32 to vector<16xi32>
    %lt3A_449 = arith.cmpi slt, %broadcast_in_dim3A_448, %get3A_4 : vector<16xi32>
    %add3A_450 = arith.constant 6 : i32
    %add3A_451 = arith.addi %add3A_425, %add3A_450 : i32
    %broadcast_in_dim3A_452 = vector.broadcast %add3A_451 : i32 to vector<16xi32>
    %lt3A_453 = arith.cmpi slt, %broadcast_in_dim3A_452, %get3A_4 : vector<16xi32>
    %add3A_454 = arith.constant 7 : i32
    %add3A_455 = arith.addi %add3A_425, %add3A_454 : i32
    %broadcast_in_dim3A_456 = vector.broadcast %add3A_455 : i32 to vector<16xi32>
    %lt3A_457 = arith.cmpi slt, %broadcast_in_dim3A_456, %get3A_4 : vector<16xi32>
    %add3A_458 = arith.constant 8 : i32
    %add3A_459 = arith.addi %add3A_425, %add3A_458 : i32
    %broadcast_in_dim3A_460 = vector.broadcast %add3A_459 : i32 to vector<16xi32>
    %lt3A_461 = arith.cmpi slt, %broadcast_in_dim3A_460, %get3A_4 : vector<16xi32>
    %add3A_462 = arith.constant 9 : i32
    %add3A_463 = arith.addi %add3A_425, %add3A_462 : i32
    %broadcast_in_dim3A_464 = vector.broadcast %add3A_463 : i32 to vector<16xi32>
    %lt3A_465 = arith.cmpi slt, %broadcast_in_dim3A_464, %get3A_4 : vector<16xi32>
    %add3A_466 = arith.constant 10 : i32
    %add3A_467 = arith.addi %add3A_425, %add3A_466 : i32
    %broadcast_in_dim3A_468 = vector.broadcast %add3A_467 : i32 to vector<16xi32>
    %lt3A_469 = arith.cmpi slt, %broadcast_in_dim3A_468, %get3A_4 : vector<16xi32>
    %add3A_470 = arith.constant 11 : i32
    %add3A_471 = arith.addi %add3A_425, %add3A_470 : i32
    %broadcast_in_dim3A_472 = vector.broadcast %add3A_471 : i32 to vector<16xi32>
    %lt3A_473 = arith.cmpi slt, %broadcast_in_dim3A_472, %get3A_4 : vector<16xi32>
    %add3A_474 = arith.constant 12 : i32
    %add3A_475 = arith.addi %add3A_425, %add3A_474 : i32
    %broadcast_in_dim3A_476 = vector.broadcast %add3A_475 : i32 to vector<16xi32>
    %lt3A_477 = arith.cmpi slt, %broadcast_in_dim3A_476, %get3A_4 : vector<16xi32>
    %add3A_478 = arith.constant 13 : i32
    %add3A_479 = arith.addi %add3A_425, %add3A_478 : i32
    %broadcast_in_dim3A_480 = vector.broadcast %add3A_479 : i32 to vector<16xi32>
    %lt3A_481 = arith.cmpi slt, %broadcast_in_dim3A_480, %get3A_4 : vector<16xi32>
    %add3A_482 = arith.constant 14 : i32
    %add3A_483 = arith.addi %add3A_425, %add3A_482 : i32
    %broadcast_in_dim3A_484 = vector.broadcast %add3A_483 : i32 to vector<16xi32>
    %lt3A_485 = arith.cmpi slt, %broadcast_in_dim3A_484, %get3A_4 : vector<16xi32>
    %add3A_486 = arith.constant 15 : i32
    %add3A_487 = arith.addi %add3A_425, %add3A_486 : i32
    %broadcast_in_dim3A_488 = vector.broadcast %add3A_487 : i32 to vector<16xi32>
    %lt3A_489 = arith.cmpi slt, %broadcast_in_dim3A_488, %get3A_4 : vector<16xi32>
    %scan3A_490 = arith.constant 0 : i32
    %scan3A_491 = arith.constant 0 : i32
    %scan3A_492 = arith.constant 64 : i32
    %scan3A_493 = arith.addi %scan3A_491, %scan3A_492 : i32
    %scan3A_494 = arith.constant 1 : i32
    scf.for %scan3A_688 = %scan3A_491 to %scan3A_493 step %scan3A_494  : i32 {
      %mul3A_689 = arith.constant 16 : i32
      %mul3A_690 = arith.muli %scan3A_688, %mul3A_689 : i32
      %get3A_691 = arith.constant 0 : i32
      %get3A_692 = arith.index_cast %get3A_691 : i32 to index
      %get3A_693 = arith.index_cast %mul3A_690 : i32 to index
      %get3A_694 = tpu.vector_load %arg5[%get3A_692, %get3A_693] {strides = array<i32>} : memref<5x1024xf32, #tpu.memory_space<vmem>>, vector<1x16xf32>,
      %get3A_695 = vector.shape_cast %get3A_694 : vector<1x16xf32> to vector<16xf32>
      %get3A_696 = arith.constant 3 : i32
      %get3A_697 = arith.index_cast %get3A_696 : i32 to index
      %get3A_698 = arith.index_cast %mul3A_690 : i32 to index
      %get3A_699 = tpu.vector_load %arg5[%get3A_697, %get3A_698] {strides = array<i32>} : memref<5x1024xf32, #tpu.memory_space<vmem>>, vector<1x16xf32>,
      %get3A_700 = vector.shape_cast %get3A_699 : vector<1x16xf32> to vector<16xf32>
      %select_n3A = arith.select %lt3A_429, %get3A_695, %get3A_700 : vector<16xi1>, vector<16xf32>
      %swap3A = arith.constant 0 : i32
      %swap3A_701 = arith.constant 0 : i32
      %swap3A_702 = arith.index_cast %swap3A : i32 to index
      %swap3A_703 = arith.index_cast %swap3A_701 : i32 to index
      %swap3A_704 = arith.index_cast %mul3A_690 : i32 to index
      %swap3A_705 = tpu.vector_load %arg8[%swap3A_702, %swap3A_703, %swap3A_704] {strides = array<i32>} : memref<16x1x1024xf32, #tpu.memory_space<vmem>>, vector<1x1x16xf32>,
      %swap3A_706 = vector.shape_cast %swap3A_705 : vector<1x1x16xf32> to vector<16xf32>
      %swap3A_707 = vector.shape_cast %select_n3A : vector<16xf32> to vector<1x1x16xf32>
      tpu.vector_store %arg8[%swap3A_702, %swap3A_703, %swap3A_704], %swap3A_707 {strides = array<i32>} : memref<16x1x1024xf32, #tpu.memory_space<vmem>>, vector<1x1x16xf32>,
      %select_n3A_708 = arith.select %lt3A_433, %get3A_695, %get3A_700 : vector<16xi1>, vector<16xf32>
      %swap3A_709 = arith.constant 1 : i32
      %swap3A_710 = arith.constant 0 : i32
      %swap3A_711 = arith.index_cast %swap3A_709 : i32 to index
      %swap3A_712 = arith.index_cast %swap3A_710 : i32 to index
      %swap3A_713 = arith.index_cast %mul3A_690 : i32 to index
      %swap3A_714 = tpu.vector_load %arg8[%swap3A_711, %swap3A_712, %swap3A_713] {strides = array<i32>} : memref<16x1x1024xf32, #tpu.memory_space<vmem>>, vector<1x1x16xf32>,
      %swap3A_715 = vector.shape_cast %swap3A_714 : vector<1x1x16xf32> to vector<16xf32>
      %swap3A_716 = vector.shape_cast %select_n3A_708 : vector<16xf32> to vector<1x1x16xf32>
      tpu.vector_store %arg8[%swap3A_711, %swap3A_712, %swap3A_713], %swap3A_716 {strides = array<i32>} : memref<16x1x1024xf32, #tpu.memory_space<vmem>>, vector<1x1x16xf32>,
      %select_n3A_717 = arith.select %lt3A_437, %get3A_695, %get3A_700 : vector<16xi1>, vector<16xf32>
      %swap3A_718 = arith.constant 2 : i32
      %swap3A_719 = arith.constant 0 : i32
      %swap3A_720 = arith.index_cast %swap3A_718 : i32 to index
      %swap3A_721 = arith.index_cast %swap3A_719 : i32 to index
      %swap3A_722 = arith.index_cast %mul3A_690 : i32 to index
      %swap3A_723 = tpu.vector_load %arg8[%swap3A_720, %swap3A_721, %swap3A_722] {strides = array<i32>} : memref<16x1x1024xf32, #tpu.memory_space<vmem>>, vector<1x1x16xf32>,
      %swap3A_724 = vector.shape_cast %swap3A_723 : vector<1x1x16xf32> to vector<16xf32>
      %swap3A_725 = vector.shape_cast %select_n3A_717 : vector<16xf32> to vector<1x1x16xf32>
      tpu.vector_store %arg8[%swap3A_720, %swap3A_721, %swap3A_722], %swap3A_725 {strides = array<i32>} : memref<16x1x1024xf32, #tpu.memory_space<vmem>>, vector<1x1x16xf32>,
      %select_n3A_726 = arith.select %lt3A_441, %get3A_695, %get3A_700 : vector<16xi1>, vector<16xf32>
      %swap3A_727 = arith.constant 3 : i32
      %swap3A_728 = arith.constant 0 : i32
      %swap3A_729 = arith.index_cast %swap3A_727 : i32 to index
      %swap3A_730 = arith.index_cast %swap3A_728 : i32 to index
      %swap3A_731 = arith.index_cast %mul3A_690 : i32 to index
      %swap3A_732 = tpu.vector_load %arg8[%swap3A_729, %swap3A_730, %swap3A_731] {strides = array<i32>} : memref<16x1x1024xf32, #tpu.memory_space<vmem>>, vector<1x1x16xf32>,
      %swap3A_733 = vector.shape_cast %swap3A_732 : vector<1x1x16xf32> to vector<16xf32>
      %swap3A_734 = vector.shape_cast %select_n3A_726 : vector<16xf32> to vector<1x1x16xf32>
      tpu.vector_store %arg8[%swap3A_729, %swap3A_730, %swap3A_731], %swap3A_734 {strides = array<i32>} : memref<16x1x1024xf32, #tpu.memory_space<vmem>>, vector<1x1x16xf32>,
      %select_n3A_735 = arith.select %lt3A_445, %get3A_695, %get3A_700 : vector<16xi1>, vector<16xf32>
      %swap3A_736 = arith.constant 4 : i32
      %swap3A_737 = arith.constant 0 : i32
      %swap3A_738 = arith.index_cast %swap3A_736 : i32 to index
      %swap3A_739 = arith.index_cast %swap3A_737 : i32 to index
      %swap3A_740 = arith.index_cast %mul3A_690 : i32 to index
      %swap3A_741 = tpu.vector_load %arg8[%swap3A_738, %swap3A_739, %swap3A_740] {strides = array<i32>} : memref<16x1x1024xf32, #tpu.memory_space<vmem>>, vector<1x1x16xf32>,
      %swap3A_742 = vector.shape_cast %swap3A_741 : vector<1x1x16xf32> to vector<16xf32>
      %swap3A_743 = vector.shape_cast %select_n3A_735 : vector<16xf32> to vector<1x1x16xf32>
      tpu.vector_store %arg8[%swap3A_738, %swap3A_739, %swap3A_740], %swap3A_743 {strides = array<i32>} : memref<16x1x1024xf32, #tpu.memory_space<vmem>>, vector<1x1x16xf32>,
      %select_n3A_744 = arith.select %lt3A_449, %get3A_695, %get3A_700 : vector<16xi1>, vector<16xf32>
      %swap3A_745 = arith.constant 5 : i32
      %swap3A_746 = arith.constant 0 : i32
      %swap3A_747 = arith.index_cast %swap3A_745 : i32 to index
      %swap3A_748 = arith.index_cast %swap3A_746 : i32 to index
      %swap3A_749 = arith.index_cast %mul3A_690 : i32 to index
      %swap3A_750 = tpu.vector_load %arg8[%swap3A_747, %swap3A_748, %swap3A_749] {strides = array<i32>} : memref<16x1x1024xf32, #tpu.memory_space<vmem>>, vector<1x1x16xf32>,
      %swap3A_751 = vector.shape_cast %swap3A_750 : vector<1x1x16xf32> to vector<16xf32>
      %swap3A_752 = vector.shape_cast %select_n3A_744 : vector<16xf32> to vector<1x1x16xf32>
      tpu.vector_store %arg8[%swap3A_747, %swap3A_748, %swap3A_749], %swap3A_752 {strides = array<i32>} : memref<16x1x1024xf32, #tpu.memory_space<vmem>>, vector<1x1x16xf32>,
      %select_n3A_753 = arith.select %lt3A_453, %get3A_695, %get3A_700 : vector<16xi1>, vector<16xf32>
      %swap3A_754 = arith.constant 6 : i32
      %swap3A_755 = arith.constant 0 : i32
      %swap3A_756 = arith.index_cast %swap3A_754 : i32 to index
      %swap3A_757 = arith.index_cast %swap3A_755 : i32 to index
      %swap3A_758 = arith.index_cast %mul3A_690 : i32 to index
      %swap3A_759 = tpu.vector_load %arg8[%swap3A_756, %swap3A_757, %swap3A_758] {strides = array<i32>} : memref<16x1x1024xf32, #tpu.memory_space<vmem>>, vector<1x1x16xf32>,
      %swap3A_760 = vector.shape_cast %swap3A_759 : vector<1x1x16xf32> to vector<16xf32>
      %swap3A_761 = vector.shape_cast %select_n3A_753 : vector<16xf32> to vector<1x1x16xf32>
      tpu.vector_store %arg8[%swap3A_756, %swap3A_757, %swap3A_758], %swap3A_761 {strides = array<i32>} : memref<16x1x1024xf32, #tpu.memory_space<vmem>>, vector<1x1x16xf32>,
      %select_n3A_762 = arith.select %lt3A_457, %get3A_695, %get3A_700 : vector<16xi1>, vector<16xf32>
      %swap3A_763 = arith.constant 7 : i32
      %swap3A_764 = arith.constant 0 : i32
      %swap3A_765 = arith.index_cast %swap3A_763 : i32 to index
      %swap3A_766 = arith.index_cast %swap3A_764 : i32 to index
      %swap3A_767 = arith.index_cast %mul3A_690 : i32 to index
      %swap3A_768 = tpu.vector_load %arg8[%swap3A_765, %swap3A_766, %swap3A_767] {strides = array<i32>} : memref<16x1x1024xf32, #tpu.memory_space<vmem>>, vector<1x1x16xf32>,
      %swap3A_769 = vector.shape_cast %swap3A_768 : vector<1x1x16xf32> to vector<16xf32>
      %swap3A_770 = vector.shape_cast %select_n3A_762 : vector<16xf32> to vector<1x1x16xf32>
      tpu.vector_store %arg8[%swap3A_765, %swap3A_766, %swap3A_767], %swap3A_770 {strides = array<i32>} : memref<16x1x1024xf32, #tpu.memory_space<vmem>>, vector<1x1x16xf32>,
      %select_n3A_771 = arith.select %lt3A_461, %get3A_695, %get3A_700 : vector<16xi1>, vector<16xf32>
      %swap3A_772 = arith.constant 8 : i32
      %swap3A_773 = arith.constant 0 : i32
      %swap3A_774 = arith.index_cast %swap3A_772 : i32 to index
      %swap3A_775 = arith.index_cast %swap3A_773 : i32 to index
      %swap3A_776 = arith.index_cast %mul3A_690 : i32 to index
      %swap3A_777 = tpu.vector_load %arg8[%swap3A_774, %swap3A_775, %swap3A_776] {strides = array<i32>} : memref<16x1x1024xf32, #tpu.memory_space<vmem>>, vector<1x1x16xf32>,
      %swap3A_778 = vector.shape_cast %swap3A_777 : vector<1x1x16xf32> to vector<16xf32>
      %swap3A_779 = vector.shape_cast %select_n3A_771 : vector<16xf32> to vector<1x1x16xf32>
      tpu.vector_store %arg8[%swap3A_774, %swap3A_775, %swap3A_776], %swap3A_779 {strides = array<i32>} : memref<16x1x1024xf32, #tpu.memory_space<vmem>>, vector<1x1x16xf32>,
      %select_n3A_780 = arith.select %lt3A_465, %get3A_695, %get3A_700 : vector<16xi1>, vector<16xf32>
      %swap3A_781 = arith.constant 9 : i32
      %swap3A_782 = arith.constant 0 : i32
      %swap3A_783 = arith.index_cast %swap3A_781 : i32 to index
      %swap3A_784 = arith.index_cast %swap3A_782 : i32 to index
      %swap3A_785 = arith.index_cast %mul3A_690 : i32 to index
      %swap3A_786 = tpu.vector_load %arg8[%swap3A_783, %swap3A_784, %swap3A_785] {strides = array<i32>} : memref<16x1x1024xf32, #tpu.memory_space<vmem>>, vector<1x1x16xf32>,
      %swap3A_787 = vector.shape_cast %swap3A_786 : vector<1x1x16xf32> to vector<16xf32>
      %swap3A_788 = vector.shape_cast %select_n3A_780 : vector<16xf32> to vector<1x1x16xf32>
      tpu.vector_store %arg8[%swap3A_783, %swap3A_784, %swap3A_785], %swap3A_788 {strides = array<i32>} : memref<16x1x1024xf32, #tpu.memory_space<vmem>>, vector<1x1x16xf32>,
      %select_n3A_789 = arith.select %lt3A_469, %get3A_695, %get3A_700 : vector<16xi1>, vector<16xf32>
      %swap3A_790 = arith.constant 10 : i32
      %swap3A_791 = arith.constant 0 : i32
      %swap3A_792 = arith.index_cast %swap3A_790 : i32 to index
      %swap3A_793 = arith.index_cast %swap3A_791 : i32 to index
      %swap3A_794 = arith.index_cast %mul3A_690 : i32 to index
      %swap3A_795 = tpu.vector_load %arg8[%swap3A_792, %swap3A_793, %swap3A_794] {strides = array<i32>} : memref<16x1x1024xf32, #tpu.memory_space<vmem>>, vector<1x1x16xf32>,
      %swap3A_796 = vector.shape_cast %swap3A_795 : vector<1x1x16xf32> to vector<16xf32>
      %swap3A_797 = vector.shape_cast %select_n3A_789 : vector<16xf32> to vector<1x1x16xf32>
      tpu.vector_store %arg8[%swap3A_792, %swap3A_793, %swap3A_794], %swap3A_797 {strides = array<i32>} : memref<16x1x1024xf32, #tpu.memory_space<vmem>>, vector<1x1x16xf32>,
      %select_n3A_798 = arith.select %lt3A_473, %get3A_695, %get3A_700 : vector<16xi1>, vector<16xf32>
      %swap3A_799 = arith.constant 11 : i32
      %swap3A_800 = arith.constant 0 : i32
      %swap3A_801 = arith.index_cast %swap3A_799 : i32 to index
      %swap3A_802 = arith.index_cast %swap3A_800 : i32 to index
      %swap3A_803 = arith.index_cast %mul3A_690 : i32 to index
      %swap3A_804 = tpu.vector_load %arg8[%swap3A_801, %swap3A_802, %swap3A_803] {strides = array<i32>} : memref<16x1x1024xf32, #tpu.memory_space<vmem>>, vector<1x1x16xf32>,
      %swap3A_805 = vector.shape_cast %swap3A_804 : vector<1x1x16xf32> to vector<16xf32>
      %swap3A_806 = vector.shape_cast %select_n3A_798 : vector<16xf32> to vector<1x1x16xf32>
      tpu.vector_store %arg8[%swap3A_801, %swap3A_802, %swap3A_803], %swap3A_806 {strides = array<i32>} : memref<16x1x1024xf32, #tpu.memory_space<vmem>>, vector<1x1x16xf32>,
      %select_n3A_807 = arith.select %lt3A_477, %get3A_695, %get3A_700 : vector<16xi1>, vector<16xf32>
      %swap3A_808 = arith.constant 12 : i32
      %swap3A_809 = arith.constant 0 : i32
      %swap3A_810 = arith.index_cast %swap3A_808 : i32 to index
      %swap3A_811 = arith.index_cast %swap3A_809 : i32 to index
      %swap3A_812 = arith.index_cast %mul3A_690 : i32 to index
      %swap3A_813 = tpu.vector_load %arg8[%swap3A_810, %swap3A_811, %swap3A_812] {strides = array<i32>} : memref<16x1x1024xf32, #tpu.memory_space<vmem>>, vector<1x1x16xf32>,
      %swap3A_814 = vector.shape_cast %swap3A_813 : vector<1x1x16xf32> to vector<16xf32>
      %swap3A_815 = vector.shape_cast %select_n3A_807 : vector<16xf32> to vector<1x1x16xf32>
      tpu.vector_store %arg8[%swap3A_810, %swap3A_811, %swap3A_812], %swap3A_815 {strides = array<i32>} : memref<16x1x1024xf32, #tpu.memory_space<vmem>>, vector<1x1x16xf32>,
      %select_n3A_816 = arith.select %lt3A_481, %get3A_695, %get3A_700 : vector<16xi1>, vector<16xf32>
      %swap3A_817 = arith.constant 13 : i32
      %swap3A_818 = arith.constant 0 : i32
      %swap3A_819 = arith.index_cast %swap3A_817 : i32 to index
      %swap3A_820 = arith.index_cast %swap3A_818 : i32 to index
      %swap3A_821 = arith.index_cast %mul3A_690 : i32 to index
      %swap3A_822 = tpu.vector_load %arg8[%swap3A_819, %swap3A_820, %swap3A_821] {strides = array<i32>} : memref<16x1x1024xf32, #tpu.memory_space<vmem>>, vector<1x1x16xf32>,
      %swap3A_823 = vector.shape_cast %swap3A_822 : vector<1x1x16xf32> to vector<16xf32>
      %swap3A_824 = vector.shape_cast %select_n3A_816 : vector<16xf32> to vector<1x1x16xf32>
      tpu.vector_store %arg8[%swap3A_819, %swap3A_820, %swap3A_821], %swap3A_824 {strides = array<i32>} : memref<16x1x1024xf32, #tpu.memory_space<vmem>>, vector<1x1x16xf32>,
      %select_n3A_825 = arith.select %lt3A_485, %get3A_695, %get3A_700 : vector<16xi1>, vector<16xf32>
      %swap3A_826 = arith.constant 14 : i32
      %swap3A_827 = arith.constant 0 : i32
      %swap3A_828 = arith.index_cast %swap3A_826 : i32 to index
      %swap3A_829 = arith.index_cast %swap3A_827 : i32 to index
      %swap3A_830 = arith.index_cast %mul3A_690 : i32 to index
      %swap3A_831 = tpu.vector_load %arg8[%swap3A_828, %swap3A_829, %swap3A_830] {strides = array<i32>} : memref<16x1x1024xf32, #tpu.memory_space<vmem>>, vector<1x1x16xf32>,
      %swap3A_832 = vector.shape_cast %swap3A_831 : vector<1x1x16xf32> to vector<16xf32>
      %swap3A_833 = vector.shape_cast %select_n3A_825 : vector<16xf32> to vector<1x1x16xf32>
      tpu.vector_store %arg8[%swap3A_828, %swap3A_829, %swap3A_830], %swap3A_833 {strides = array<i32>} : memref<16x1x1024xf32, #tpu.memory_space<vmem>>, vector<1x1x16xf32>,
      %select_n3A_834 = arith.select %lt3A_489, %get3A_695, %get3A_700 : vector<16xi1>, vector<16xf32>
      %swap3A_835 = arith.constant 15 : i32
      %swap3A_836 = arith.constant 0 : i32
      %swap3A_837 = arith.index_cast %swap3A_835 : i32 to index
      %swap3A_838 = arith.index_cast %swap3A_836 : i32 to index
      %swap3A_839 = arith.index_cast %mul3A_690 : i32 to index
      %swap3A_840 = tpu.vector_load %arg8[%swap3A_837, %swap3A_838, %swap3A_839] {strides = array<i32>} : memref<16x1x1024xf32, #tpu.memory_space<vmem>>, vector<1x1x16xf32>,
      %swap3A_841 = vector.shape_cast %swap3A_840 : vector<1x1x16xf32> to vector<16xf32>
      %swap3A_842 = vector.shape_cast %select_n3A_834 : vector<16xf32> to vector<1x1x16xf32>
      tpu.vector_store %arg8[%swap3A_837, %swap3A_838, %swap3A_839], %swap3A_842 {strides = array<i32>} : memref<16x1x1024xf32, #tpu.memory_space<vmem>>, vector<1x1x16xf32>,
    }
    %scan3A_495 = arith.constant 64 : i32
    %add3A_496 = arith.constant 80 : i32
    %add3A_497 = arith.addi %mul3A_2, %add3A_496 : i32
    %dma_start3A_498 = arith.constant 0 : i32
    %dma_start3A_499 = arith.constant 0 : i32
    %dma_start3A_500 = tpu.memref_slice %arg4[%add3A_497, %dma_start3A_498, %dma_start3A_499] : memref<4096x1x1024xf32, #tpu.memory_space<hbm>> -> memref<16x1x1024xf32, #tpu.memory_space<hbm>>
    %dma_start3A_501 = arith.constant 0 : i32
    %dma_start3A_502 = arith.constant 0 : i32
    %dma_start3A_503 = tpu.memref_slice %arg4[%add3A_497, %dma_start3A_501, %dma_start3A_502] : memref<4096x1x1024xf32, #tpu.memory_space<hbm>> -> memref<16x1x1024xf32, #tpu.memory_space<hbm>>
    tpu.enqueue_dma source(%arg8 : memref<16x1x1024xf32, #tpu.memory_space<vmem>>) target(%dma_start3A_503 : memref<16x1x1024xf32, #tpu.memory_space<hbm>>) target_semaphore(%arg10 : memref<!tpu.dma_semaphore, #tpu.memory_space<semaphore_mem>>)
    %dma_wait3A_504 = arith.constant 0 : i32
    %dma_wait3A_505 = arith.constant 0 : i32
    %dma_wait3A_506 = tpu.memref_slice %arg4[%add3A_411, %dma_wait3A_504, %dma_wait3A_505] : memref<4096x1x1024xf32, #tpu.memory_space<hbm>> -> memref<16x1x1024xf32, #tpu.memory_space<hbm>>
    %dma_wait3A_507 = arith.constant 0 : i32
    %dma_wait3A_508 = arith.constant 0 : i32
    %dma_wait3A_509 = tpu.memref_slice %arg4[%add3A_411, %dma_wait3A_507, %dma_wait3A_508] : memref<4096x1x1024xf32, #tpu.memory_space<hbm>> -> memref<16x1x1024xf32, #tpu.memory_space<hbm>>
    tpu.wait_dma2 semaphore(%arg9 : memref<!tpu.dma_semaphore, #tpu.memory_space<semaphore_mem>>) src(%arg7 : memref<16x1x1024xf32, #tpu.memory_space<vmem>>) dst(%dma_wait3A_509 : memref<16x1x1024xf32, #tpu.memory_space<hbm>>)
    %add3A_510 = arith.constant 96 : i32
    %add3A_511 = arith.addi %mul3A_2, %add3A_510 : i32
    %add3A_512 = arith.constant 0 : i32
    %add3A_513 = arith.addi %add3A_511, %add3A_512 : i32
    %broadcast_in_dim3A_514 = vector.broadcast %add3A_513 : i32 to vector<16xi32>
    %lt3A_515 = arith.cmpi slt, %broadcast_in_dim3A_514, %get3A_4 : vector<16xi32>
    %add3A_516 = arith.constant 1 : i32
    %add3A_517 = arith.addi %add3A_511, %add3A_516 : i32
    %broadcast_in_dim3A_518 = vector.broadcast %add3A_517 : i32 to vector<16xi32>
    %lt3A_519 = arith.cmpi slt, %broadcast_in_dim3A_518, %get3A_4 : vector<16xi32>
    %add3A_520 = arith.constant 2 : i32
    %add3A_521 = arith.addi %add3A_511, %add3A_520 : i32
    %broadcast_in_dim3A_522 = vector.broadcast %add3A_521 : i32 to vector<16xi32>
    %lt3A_523 = arith.cmpi slt, %broadcast_in_dim3A_522, %get3A_4 : vector<16xi32>
    %add3A_524 = arith.constant 3 : i32
    %add3A_525 = arith.addi %add3A_511, %add3A_524 : i32
    %broadcast_in_dim3A_526 = vector.broadcast %add3A_525 : i32 to vector<16xi32>
    %lt3A_527 = arith.cmpi slt, %broadcast_in_dim3A_526, %get3A_4 : vector<16xi32>
    %add3A_528 = arith.constant 4 : i32
    %add3A_529 = arith.addi %add3A_511, %add3A_528 : i32
    %broadcast_in_dim3A_530 = vector.broadcast %add3A_529 : i32 to vector<16xi32>
    %lt3A_531 = arith.cmpi slt, %broadcast_in_dim3A_530, %get3A_4 : vector<16xi32>
    %add3A_532 = arith.constant 5 : i32
    %add3A_533 = arith.addi %add3A_511, %add3A_532 : i32
    %broadcast_in_dim3A_534 = vector.broadcast %add3A_533 : i32 to vector<16xi32>
    %lt3A_535 = arith.cmpi slt, %broadcast_in_dim3A_534, %get3A_4 : vector<16xi32>
    %add3A_536 = arith.constant 6 : i32
    %add3A_537 = arith.addi %add3A_511, %add3A_536 : i32
    %broadcast_in_dim3A_538 = vector.broadcast %add3A_537 : i32 to vector<16xi32>
    %lt3A_539 = arith.cmpi slt, %broadcast_in_dim3A_538, %get3A_4 : vector<16xi32>
    %add3A_540 = arith.constant 7 : i32
    %add3A_541 = arith.addi %add3A_511, %add3A_540 : i32
    %broadcast_in_dim3A_542 = vector.broadcast %add3A_541 : i32 to vector<16xi32>
    %lt3A_543 = arith.cmpi slt, %broadcast_in_dim3A_542, %get3A_4 : vector<16xi32>
    %add3A_544 = arith.constant 8 : i32
    %add3A_545 = arith.addi %add3A_511, %add3A_544 : i32
    %broadcast_in_dim3A_546 = vector.broadcast %add3A_545 : i32 to vector<16xi32>
    %lt3A_547 = arith.cmpi slt, %broadcast_in_dim3A_546, %get3A_4 : vector<16xi32>
    %add3A_548 = arith.constant 9 : i32
    %add3A_549 = arith.addi %add3A_511, %add3A_548 : i32
    %broadcast_in_dim3A_550 = vector.broadcast %add3A_549 : i32 to vector<16xi32>
    %lt3A_551 = arith.cmpi slt, %broadcast_in_dim3A_550, %get3A_4 : vector<16xi32>
    %add3A_552 = arith.constant 10 : i32
    %add3A_553 = arith.addi %add3A_511, %add3A_552 : i32
    %broadcast_in_dim3A_554 = vector.broadcast %add3A_553 : i32 to vector<16xi32>
    %lt3A_555 = arith.cmpi slt, %broadcast_in_dim3A_554, %get3A_4 : vector<16xi32>
    %add3A_556 = arith.constant 11 : i32
    %add3A_557 = arith.addi %add3A_511, %add3A_556 : i32
    %broadcast_in_dim3A_558 = vector.broadcast %add3A_557 : i32 to vector<16xi32>
    %lt3A_559 = arith.cmpi slt, %broadcast_in_dim3A_558, %get3A_4 : vector<16xi32>
    %add3A_560 = arith.constant 12 : i32
    %add3A_561 = arith.addi %add3A_511, %add3A_560 : i32
    %broadcast_in_dim3A_562 = vector.broadcast %add3A_561 : i32 to vector<16xi32>
    %lt3A_563 = arith.cmpi slt, %broadcast_in_dim3A_562, %get3A_4 : vector<16xi32>
    %add3A_564 = arith.constant 13 : i32
    %add3A_565 = arith.addi %add3A_511, %add3A_564 : i32
    %broadcast_in_dim3A_566 = vector.broadcast %add3A_565 : i32 to vector<16xi32>
    %lt3A_567 = arith.cmpi slt, %broadcast_in_dim3A_566, %get3A_4 : vector<16xi32>
    %add3A_568 = arith.constant 14 : i32
    %add3A_569 = arith.addi %add3A_511, %add3A_568 : i32
    %broadcast_in_dim3A_570 = vector.broadcast %add3A_569 : i32 to vector<16xi32>
    %lt3A_571 = arith.cmpi slt, %broadcast_in_dim3A_570, %get3A_4 : vector<16xi32>
    %add3A_572 = arith.constant 15 : i32
    %add3A_573 = arith.addi %add3A_511, %add3A_572 : i32
    %broadcast_in_dim3A_574 = vector.broadcast %add3A_573 : i32 to vector<16xi32>
    %lt3A_575 = arith.cmpi slt, %broadcast_in_dim3A_574, %get3A_4 : vector<16xi32>
    %scan3A_576 = arith.constant 0 : i32
    %scan3A_577 = arith.constant 0 : i32
    %scan3A_578 = arith.constant 64 : i32
    %scan3A_579 = arith.addi %scan3A_577, %scan3A_578 : i32
    %scan3A_580 = arith.constant 1 : i32
    scf.for %scan3A_688 = %scan3A_577 to %scan3A_579 step %scan3A_580  : i32 {
      %mul3A_689 = arith.constant 16 : i32
      %mul3A_690 = arith.muli %scan3A_688, %mul3A_689 : i32
      %get3A_691 = arith.constant 0 : i32
      %get3A_692 = arith.index_cast %get3A_691 : i32 to index
      %get3A_693 = arith.index_cast %mul3A_690 : i32 to index
      %get3A_694 = tpu.vector_load %arg5[%get3A_692, %get3A_693] {strides = array<i32>} : memref<5x1024xf32, #tpu.memory_space<vmem>>, vector<1x16xf32>,
      %get3A_695 = vector.shape_cast %get3A_694 : vector<1x16xf32> to vector<16xf32>
      %get3A_696 = arith.constant 3 : i32
      %get3A_697 = arith.index_cast %get3A_696 : i32 to index
      %get3A_698 = arith.index_cast %mul3A_690 : i32 to index
      %get3A_699 = tpu.vector_load %arg5[%get3A_697, %get3A_698] {strides = array<i32>} : memref<5x1024xf32, #tpu.memory_space<vmem>>, vector<1x16xf32>,
      %get3A_700 = vector.shape_cast %get3A_699 : vector<1x16xf32> to vector<16xf32>
      %select_n3A = arith.select %lt3A_515, %get3A_695, %get3A_700 : vector<16xi1>, vector<16xf32>
      %swap3A = arith.constant 0 : i32
      %swap3A_701 = arith.constant 0 : i32
      %swap3A_702 = arith.index_cast %swap3A : i32 to index
      %swap3A_703 = arith.index_cast %swap3A_701 : i32 to index
      %swap3A_704 = arith.index_cast %mul3A_690 : i32 to index
      %swap3A_705 = tpu.vector_load %arg7[%swap3A_702, %swap3A_703, %swap3A_704] {strides = array<i32>} : memref<16x1x1024xf32, #tpu.memory_space<vmem>>, vector<1x1x16xf32>,
      %swap3A_706 = vector.shape_cast %swap3A_705 : vector<1x1x16xf32> to vector<16xf32>
      %swap3A_707 = vector.shape_cast %select_n3A : vector<16xf32> to vector<1x1x16xf32>
      tpu.vector_store %arg7[%swap3A_702, %swap3A_703, %swap3A_704], %swap3A_707 {strides = array<i32>} : memref<16x1x1024xf32, #tpu.memory_space<vmem>>, vector<1x1x16xf32>,
      %select_n3A_708 = arith.select %lt3A_519, %get3A_695, %get3A_700 : vector<16xi1>, vector<16xf32>
      %swap3A_709 = arith.constant 1 : i32
      %swap3A_710 = arith.constant 0 : i32
      %swap3A_711 = arith.index_cast %swap3A_709 : i32 to index
      %swap3A_712 = arith.index_cast %swap3A_710 : i32 to index
      %swap3A_713 = arith.index_cast %mul3A_690 : i32 to index
      %swap3A_714 = tpu.vector_load %arg7[%swap3A_711, %swap3A_712, %swap3A_713] {strides = array<i32>} : memref<16x1x1024xf32, #tpu.memory_space<vmem>>, vector<1x1x16xf32>,
      %swap3A_715 = vector.shape_cast %swap3A_714 : vector<1x1x16xf32> to vector<16xf32>
      %swap3A_716 = vector.shape_cast %select_n3A_708 : vector<16xf32> to vector<1x1x16xf32>
      tpu.vector_store %arg7[%swap3A_711, %swap3A_712, %swap3A_713], %swap3A_716 {strides = array<i32>} : memref<16x1x1024xf32, #tpu.memory_space<vmem>>, vector<1x1x16xf32>,
      %select_n3A_717 = arith.select %lt3A_523, %get3A_695, %get3A_700 : vector<16xi1>, vector<16xf32>
      %swap3A_718 = arith.constant 2 : i32
      %swap3A_719 = arith.constant 0 : i32
      %swap3A_720 = arith.index_cast %swap3A_718 : i32 to index
      %swap3A_721 = arith.index_cast %swap3A_719 : i32 to index
      %swap3A_722 = arith.index_cast %mul3A_690 : i32 to index
      %swap3A_723 = tpu.vector_load %arg7[%swap3A_720, %swap3A_721, %swap3A_722] {strides = array<i32>} : memref<16x1x1024xf32, #tpu.memory_space<vmem>>, vector<1x1x16xf32>,
      %swap3A_724 = vector.shape_cast %swap3A_723 : vector<1x1x16xf32> to vector<16xf32>
      %swap3A_725 = vector.shape_cast %select_n3A_717 : vector<16xf32> to vector<1x1x16xf32>
      tpu.vector_store %arg7[%swap3A_720, %swap3A_721, %swap3A_722], %swap3A_725 {strides = array<i32>} : memref<16x1x1024xf32, #tpu.memory_space<vmem>>, vector<1x1x16xf32>,
      %select_n3A_726 = arith.select %lt3A_527, %get3A_695, %get3A_700 : vector<16xi1>, vector<16xf32>
      %swap3A_727 = arith.constant 3 : i32
      %swap3A_728 = arith.constant 0 : i32
      %swap3A_729 = arith.index_cast %swap3A_727 : i32 to index
      %swap3A_730 = arith.index_cast %swap3A_728 : i32 to index
      %swap3A_731 = arith.index_cast %mul3A_690 : i32 to index
      %swap3A_732 = tpu.vector_load %arg7[%swap3A_729, %swap3A_730, %swap3A_731] {strides = array<i32>} : memref<16x1x1024xf32, #tpu.memory_space<vmem>>, vector<1x1x16xf32>,
      %swap3A_733 = vector.shape_cast %swap3A_732 : vector<1x1x16xf32> to vector<16xf32>
      %swap3A_734 = vector.shape_cast %select_n3A_726 : vector<16xf32> to vector<1x1x16xf32>
      tpu.vector_store %arg7[%swap3A_729, %swap3A_730, %swap3A_731], %swap3A_734 {strides = array<i32>} : memref<16x1x1024xf32, #tpu.memory_space<vmem>>, vector<1x1x16xf32>,
      %select_n3A_735 = arith.select %lt3A_531, %get3A_695, %get3A_700 : vector<16xi1>, vector<16xf32>
      %swap3A_736 = arith.constant 4 : i32
      %swap3A_737 = arith.constant 0 : i32
      %swap3A_738 = arith.index_cast %swap3A_736 : i32 to index
      %swap3A_739 = arith.index_cast %swap3A_737 : i32 to index
      %swap3A_740 = arith.index_cast %mul3A_690 : i32 to index
      %swap3A_741 = tpu.vector_load %arg7[%swap3A_738, %swap3A_739, %swap3A_740] {strides = array<i32>} : memref<16x1x1024xf32, #tpu.memory_space<vmem>>, vector<1x1x16xf32>,
      %swap3A_742 = vector.shape_cast %swap3A_741 : vector<1x1x16xf32> to vector<16xf32>
      %swap3A_743 = vector.shape_cast %select_n3A_735 : vector<16xf32> to vector<1x1x16xf32>
      tpu.vector_store %arg7[%swap3A_738, %swap3A_739, %swap3A_740], %swap3A_743 {strides = array<i32>} : memref<16x1x1024xf32, #tpu.memory_space<vmem>>, vector<1x1x16xf32>,
      %select_n3A_744 = arith.select %lt3A_535, %get3A_695, %get3A_700 : vector<16xi1>, vector<16xf32>
      %swap3A_745 = arith.constant 5 : i32
      %swap3A_746 = arith.constant 0 : i32
      %swap3A_747 = arith.index_cast %swap3A_745 : i32 to index
      %swap3A_748 = arith.index_cast %swap3A_746 : i32 to index
      %swap3A_749 = arith.index_cast %mul3A_690 : i32 to index
      %swap3A_750 = tpu.vector_load %arg7[%swap3A_747, %swap3A_748, %swap3A_749] {strides = array<i32>} : memref<16x1x1024xf32, #tpu.memory_space<vmem>>, vector<1x1x16xf32>,
      %swap3A_751 = vector.shape_cast %swap3A_750 : vector<1x1x16xf32> to vector<16xf32>
      %swap3A_752 = vector.shape_cast %select_n3A_744 : vector<16xf32> to vector<1x1x16xf32>
      tpu.vector_store %arg7[%swap3A_747, %swap3A_748, %swap3A_749], %swap3A_752 {strides = array<i32>} : memref<16x1x1024xf32, #tpu.memory_space<vmem>>, vector<1x1x16xf32>,
      %select_n3A_753 = arith.select %lt3A_539, %get3A_695, %get3A_700 : vector<16xi1>, vector<16xf32>
      %swap3A_754 = arith.constant 6 : i32
      %swap3A_755 = arith.constant 0 : i32
      %swap3A_756 = arith.index_cast %swap3A_754 : i32 to index
      %swap3A_757 = arith.index_cast %swap3A_755 : i32 to index
      %swap3A_758 = arith.index_cast %mul3A_690 : i32 to index
      %swap3A_759 = tpu.vector_load %arg7[%swap3A_756, %swap3A_757, %swap3A_758] {strides = array<i32>} : memref<16x1x1024xf32, #tpu.memory_space<vmem>>, vector<1x1x16xf32>,
      %swap3A_760 = vector.shape_cast %swap3A_759 : vector<1x1x16xf32> to vector<16xf32>
      %swap3A_761 = vector.shape_cast %select_n3A_753 : vector<16xf32> to vector<1x1x16xf32>
      tpu.vector_store %arg7[%swap3A_756, %swap3A_757, %swap3A_758], %swap3A_761 {strides = array<i32>} : memref<16x1x1024xf32, #tpu.memory_space<vmem>>, vector<1x1x16xf32>,
      %select_n3A_762 = arith.select %lt3A_543, %get3A_695, %get3A_700 : vector<16xi1>, vector<16xf32>
      %swap3A_763 = arith.constant 7 : i32
      %swap3A_764 = arith.constant 0 : i32
      %swap3A_765 = arith.index_cast %swap3A_763 : i32 to index
      %swap3A_766 = arith.index_cast %swap3A_764 : i32 to index
      %swap3A_767 = arith.index_cast %mul3A_690 : i32 to index
      %swap3A_768 = tpu.vector_load %arg7[%swap3A_765, %swap3A_766, %swap3A_767] {strides = array<i32>} : memref<16x1x1024xf32, #tpu.memory_space<vmem>>, vector<1x1x16xf32>,
      %swap3A_769 = vector.shape_cast %swap3A_768 : vector<1x1x16xf32> to vector<16xf32>
      %swap3A_770 = vector.shape_cast %select_n3A_762 : vector<16xf32> to vector<1x1x16xf32>
      tpu.vector_store %arg7[%swap3A_765, %swap3A_766, %swap3A_767], %swap3A_770 {strides = array<i32>} : memref<16x1x1024xf32, #tpu.memory_space<vmem>>, vector<1x1x16xf32>,
      %select_n3A_771 = arith.select %lt3A_547, %get3A_695, %get3A_700 : vector<16xi1>, vector<16xf32>
      %swap3A_772 = arith.constant 8 : i32
      %swap3A_773 = arith.constant 0 : i32
      %swap3A_774 = arith.index_cast %swap3A_772 : i32 to index
      %swap3A_775 = arith.index_cast %swap3A_773 : i32 to index
      %swap3A_776 = arith.index_cast %mul3A_690 : i32 to index
      %swap3A_777 = tpu.vector_load %arg7[%swap3A_774, %swap3A_775, %swap3A_776] {strides = array<i32>} : memref<16x1x1024xf32, #tpu.memory_space<vmem>>, vector<1x1x16xf32>,
      %swap3A_778 = vector.shape_cast %swap3A_777 : vector<1x1x16xf32> to vector<16xf32>
      %swap3A_779 = vector.shape_cast %select_n3A_771 : vector<16xf32> to vector<1x1x16xf32>
      tpu.vector_store %arg7[%swap3A_774, %swap3A_775, %swap3A_776], %swap3A_779 {strides = array<i32>} : memref<16x1x1024xf32, #tpu.memory_space<vmem>>, vector<1x1x16xf32>,
      %select_n3A_780 = arith.select %lt3A_551, %get3A_695, %get3A_700 : vector<16xi1>, vector<16xf32>
      %swap3A_781 = arith.constant 9 : i32
      %swap3A_782 = arith.constant 0 : i32
      %swap3A_783 = arith.index_cast %swap3A_781 : i32 to index
      %swap3A_784 = arith.index_cast %swap3A_782 : i32 to index
      %swap3A_785 = arith.index_cast %mul3A_690 : i32 to index
      %swap3A_786 = tpu.vector_load %arg7[%swap3A_783, %swap3A_784, %swap3A_785] {strides = array<i32>} : memref<16x1x1024xf32, #tpu.memory_space<vmem>>, vector<1x1x16xf32>,
      %swap3A_787 = vector.shape_cast %swap3A_786 : vector<1x1x16xf32> to vector<16xf32>
      %swap3A_788 = vector.shape_cast %select_n3A_780 : vector<16xf32> to vector<1x1x16xf32>
      tpu.vector_store %arg7[%swap3A_783, %swap3A_784, %swap3A_785], %swap3A_788 {strides = array<i32>} : memref<16x1x1024xf32, #tpu.memory_space<vmem>>, vector<1x1x16xf32>,
      %select_n3A_789 = arith.select %lt3A_555, %get3A_695, %get3A_700 : vector<16xi1>, vector<16xf32>
      %swap3A_790 = arith.constant 10 : i32
      %swap3A_791 = arith.constant 0 : i32
      %swap3A_792 = arith.index_cast %swap3A_790 : i32 to index
      %swap3A_793 = arith.index_cast %swap3A_791 : i32 to index
      %swap3A_794 = arith.index_cast %mul3A_690 : i32 to index
      %swap3A_795 = tpu.vector_load %arg7[%swap3A_792, %swap3A_793, %swap3A_794] {strides = array<i32>} : memref<16x1x1024xf32, #tpu.memory_space<vmem>>, vector<1x1x16xf32>,
      %swap3A_796 = vector.shape_cast %swap3A_795 : vector<1x1x16xf32> to vector<16xf32>
      %swap3A_797 = vector.shape_cast %select_n3A_789 : vector<16xf32> to vector<1x1x16xf32>
      tpu.vector_store %arg7[%swap3A_792, %swap3A_793, %swap3A_794], %swap3A_797 {strides = array<i32>} : memref<16x1x1024xf32, #tpu.memory_space<vmem>>, vector<1x1x16xf32>,
      %select_n3A_798 = arith.select %lt3A_559, %get3A_695, %get3A_700 : vector<16xi1>, vector<16xf32>
      %swap3A_799 = arith.constant 11 : i32
      %swap3A_800 = arith.constant 0 : i32
      %swap3A_801 = arith.index_cast %swap3A_799 : i32 to index
      %swap3A_802 = arith.index_cast %swap3A_800 : i32 to index
      %swap3A_803 = arith.index_cast %mul3A_690 : i32 to index
      %swap3A_804 = tpu.vector_load %arg7[%swap3A_801, %swap3A_802, %swap3A_803] {strides = array<i32>} : memref<16x1x1024xf32, #tpu.memory_space<vmem>>, vector<1x1x16xf32>,
      %swap3A_805 = vector.shape_cast %swap3A_804 : vector<1x1x16xf32> to vector<16xf32>
      %swap3A_806 = vector.shape_cast %select_n3A_798 : vector<16xf32> to vector<1x1x16xf32>
      tpu.vector_store %arg7[%swap3A_801, %swap3A_802, %swap3A_803], %swap3A_806 {strides = array<i32>} : memref<16x1x1024xf32, #tpu.memory_space<vmem>>, vector<1x1x16xf32>,
      %select_n3A_807 = arith.select %lt3A_563, %get3A_695, %get3A_700 : vector<16xi1>, vector<16xf32>
      %swap3A_808 = arith.constant 12 : i32
      %swap3A_809 = arith.constant 0 : i32
      %swap3A_810 = arith.index_cast %swap3A_808 : i32 to index
      %swap3A_811 = arith.index_cast %swap3A_809 : i32 to index
      %swap3A_812 = arith.index_cast %mul3A_690 : i32 to index
      %swap3A_813 = tpu.vector_load %arg7[%swap3A_810, %swap3A_811, %swap3A_812] {strides = array<i32>} : memref<16x1x1024xf32, #tpu.memory_space<vmem>>, vector<1x1x16xf32>,
      %swap3A_814 = vector.shape_cast %swap3A_813 : vector<1x1x16xf32> to vector<16xf32>
      %swap3A_815 = vector.shape_cast %select_n3A_807 : vector<16xf32> to vector<1x1x16xf32>
      tpu.vector_store %arg7[%swap3A_810, %swap3A_811, %swap3A_812], %swap3A_815 {strides = array<i32>} : memref<16x1x1024xf32, #tpu.memory_space<vmem>>, vector<1x1x16xf32>,
      %select_n3A_816 = arith.select %lt3A_567, %get3A_695, %get3A_700 : vector<16xi1>, vector<16xf32>
      %swap3A_817 = arith.constant 13 : i32
      %swap3A_818 = arith.constant 0 : i32
      %swap3A_819 = arith.index_cast %swap3A_817 : i32 to index
      %swap3A_820 = arith.index_cast %swap3A_818 : i32 to index
      %swap3A_821 = arith.index_cast %mul3A_690 : i32 to index
      %swap3A_822 = tpu.vector_load %arg7[%swap3A_819, %swap3A_820, %swap3A_821] {strides = array<i32>} : memref<16x1x1024xf32, #tpu.memory_space<vmem>>, vector<1x1x16xf32>,
      %swap3A_823 = vector.shape_cast %swap3A_822 : vector<1x1x16xf32> to vector<16xf32>
      %swap3A_824 = vector.shape_cast %select_n3A_816 : vector<16xf32> to vector<1x1x16xf32>
      tpu.vector_store %arg7[%swap3A_819, %swap3A_820, %swap3A_821], %swap3A_824 {strides = array<i32>} : memref<16x1x1024xf32, #tpu.memory_space<vmem>>, vector<1x1x16xf32>,
      %select_n3A_825 = arith.select %lt3A_571, %get3A_695, %get3A_700 : vector<16xi1>, vector<16xf32>
      %swap3A_826 = arith.constant 14 : i32
      %swap3A_827 = arith.constant 0 : i32
      %swap3A_828 = arith.index_cast %swap3A_826 : i32 to index
      %swap3A_829 = arith.index_cast %swap3A_827 : i32 to index
      %swap3A_830 = arith.index_cast %mul3A_690 : i32 to index
      %swap3A_831 = tpu.vector_load %arg7[%swap3A_828, %swap3A_829, %swap3A_830] {strides = array<i32>} : memref<16x1x1024xf32, #tpu.memory_space<vmem>>, vector<1x1x16xf32>,
      %swap3A_832 = vector.shape_cast %swap3A_831 : vector<1x1x16xf32> to vector<16xf32>
      %swap3A_833 = vector.shape_cast %select_n3A_825 : vector<16xf32> to vector<1x1x16xf32>
      tpu.vector_store %arg7[%swap3A_828, %swap3A_829, %swap3A_830], %swap3A_833 {strides = array<i32>} : memref<16x1x1024xf32, #tpu.memory_space<vmem>>, vector<1x1x16xf32>,
      %select_n3A_834 = arith.select %lt3A_575, %get3A_695, %get3A_700 : vector<16xi1>, vector<16xf32>
      %swap3A_835 = arith.constant 15 : i32
      %swap3A_836 = arith.constant 0 : i32
      %swap3A_837 = arith.index_cast %swap3A_835 : i32 to index
      %swap3A_838 = arith.index_cast %swap3A_836 : i32 to index
      %swap3A_839 = arith.index_cast %mul3A_690 : i32 to index
      %swap3A_840 = tpu.vector_load %arg7[%swap3A_837, %swap3A_838, %swap3A_839] {strides = array<i32>} : memref<16x1x1024xf32, #tpu.memory_space<vmem>>, vector<1x1x16xf32>,
      %swap3A_841 = vector.shape_cast %swap3A_840 : vector<1x1x16xf32> to vector<16xf32>
      %swap3A_842 = vector.shape_cast %select_n3A_834 : vector<16xf32> to vector<1x1x16xf32>
      tpu.vector_store %arg7[%swap3A_837, %swap3A_838, %swap3A_839], %swap3A_842 {strides = array<i32>} : memref<16x1x1024xf32, #tpu.memory_space<vmem>>, vector<1x1x16xf32>,
    }
    %scan3A_581 = arith.constant 64 : i32
    %add3A_582 = arith.constant 96 : i32
    %add3A_583 = arith.addi %mul3A_2, %add3A_582 : i32
    %dma_start3A_584 = arith.constant 0 : i32
    %dma_start3A_585 = arith.constant 0 : i32
    %dma_start3A_586 = tpu.memref_slice %arg4[%add3A_583, %dma_start3A_584, %dma_start3A_585] : memref<4096x1x1024xf32, #tpu.memory_space<hbm>> -> memref<16x1x1024xf32, #tpu.memory_space<hbm>>
    %dma_start3A_587 = arith.constant 0 : i32
    %dma_start3A_588 = arith.constant 0 : i32
    %dma_start3A_589 = tpu.memref_slice %arg4[%add3A_583, %dma_start3A_587, %dma_start3A_588] : memref<4096x1x1024xf32, #tpu.memory_space<hbm>> -> memref<16x1x1024xf32, #tpu.memory_space<hbm>>
    tpu.enqueue_dma source(%arg7 : memref<16x1x1024xf32, #tpu.memory_space<vmem>>) target(%dma_start3A_589 : memref<16x1x1024xf32, #tpu.memory_space<hbm>>) target_semaphore(%arg9 : memref<!tpu.dma_semaphore, #tpu.memory_space<semaphore_mem>>)
    %dma_wait3A_590 = arith.constant 0 : i32
    %dma_wait3A_591 = arith.constant 0 : i32
    %dma_wait3A_592 = tpu.memref_slice %arg4[%add3A_497, %dma_wait3A_590, %dma_wait3A_591] : memref<4096x1x1024xf32, #tpu.memory_space<hbm>> -> memref<16x1x1024xf32, #tpu.memory_space<hbm>>
    %dma_wait3A_593 = arith.constant 0 : i32
    %dma_wait3A_594 = arith.constant 0 : i32
    %dma_wait3A_595 = tpu.memref_slice %arg4[%add3A_497, %dma_wait3A_593, %dma_wait3A_594] : memref<4096x1x1024xf32, #tpu.memory_space<hbm>> -> memref<16x1x1024xf32, #tpu.memory_space<hbm>>
    tpu.wait_dma2 semaphore(%arg10 : memref<!tpu.dma_semaphore, #tpu.memory_space<semaphore_mem>>) src(%arg8 : memref<16x1x1024xf32, #tpu.memory_space<vmem>>) dst(%dma_wait3A_595 : memref<16x1x1024xf32, #tpu.memory_space<hbm>>)
    %add3A_596 = arith.constant 112 : i32
    %add3A_597 = arith.addi %mul3A_2, %add3A_596 : i32
    %add3A_598 = arith.constant 0 : i32
    %add3A_599 = arith.addi %add3A_597, %add3A_598 : i32
    %broadcast_in_dim3A_600 = vector.broadcast %add3A_599 : i32 to vector<16xi32>
    %lt3A_601 = arith.cmpi slt, %broadcast_in_dim3A_600, %get3A_4 : vector<16xi32>
    %add3A_602 = arith.constant 1 : i32
    %add3A_603 = arith.addi %add3A_597, %add3A_602 : i32
    %broadcast_in_dim3A_604 = vector.broadcast %add3A_603 : i32 to vector<16xi32>
    %lt3A_605 = arith.cmpi slt, %broadcast_in_dim3A_604, %get3A_4 : vector<16xi32>
    %add3A_606 = arith.constant 2 : i32
    %add3A_607 = arith.addi %add3A_597, %add3A_606 : i32
    %broadcast_in_dim3A_608 = vector.broadcast %add3A_607 : i32 to vector<16xi32>
    %lt3A_609 = arith.cmpi slt, %broadcast_in_dim3A_608, %get3A_4 : vector<16xi32>
    %add3A_610 = arith.constant 3 : i32
    %add3A_611 = arith.addi %add3A_597, %add3A_610 : i32
    %broadcast_in_dim3A_612 = vector.broadcast %add3A_611 : i32 to vector<16xi32>
    %lt3A_613 = arith.cmpi slt, %broadcast_in_dim3A_612, %get3A_4 : vector<16xi32>
    %add3A_614 = arith.constant 4 : i32
    %add3A_615 = arith.addi %add3A_597, %add3A_614 : i32
    %broadcast_in_dim3A_616 = vector.broadcast %add3A_615 : i32 to vector<16xi32>
    %lt3A_617 = arith.cmpi slt, %broadcast_in_dim3A_616, %get3A_4 : vector<16xi32>
    %add3A_618 = arith.constant 5 : i32
    %add3A_619 = arith.addi %add3A_597, %add3A_618 : i32
    %broadcast_in_dim3A_620 = vector.broadcast %add3A_619 : i32 to vector<16xi32>
    %lt3A_621 = arith.cmpi slt, %broadcast_in_dim3A_620, %get3A_4 : vector<16xi32>
    %add3A_622 = arith.constant 6 : i32
    %add3A_623 = arith.addi %add3A_597, %add3A_622 : i32
    %broadcast_in_dim3A_624 = vector.broadcast %add3A_623 : i32 to vector<16xi32>
    %lt3A_625 = arith.cmpi slt, %broadcast_in_dim3A_624, %get3A_4 : vector<16xi32>
    %add3A_626 = arith.constant 7 : i32
    %add3A_627 = arith.addi %add3A_597, %add3A_626 : i32
    %broadcast_in_dim3A_628 = vector.broadcast %add3A_627 : i32 to vector<16xi32>
    %lt3A_629 = arith.cmpi slt, %broadcast_in_dim3A_628, %get3A_4 : vector<16xi32>
    %add3A_630 = arith.constant 8 : i32
    %add3A_631 = arith.addi %add3A_597, %add3A_630 : i32
    %broadcast_in_dim3A_632 = vector.broadcast %add3A_631 : i32 to vector<16xi32>
    %lt3A_633 = arith.cmpi slt, %broadcast_in_dim3A_632, %get3A_4 : vector<16xi32>
    %add3A_634 = arith.constant 9 : i32
    %add3A_635 = arith.addi %add3A_597, %add3A_634 : i32
    %broadcast_in_dim3A_636 = vector.broadcast %add3A_635 : i32 to vector<16xi32>
    %lt3A_637 = arith.cmpi slt, %broadcast_in_dim3A_636, %get3A_4 : vector<16xi32>
    %add3A_638 = arith.constant 10 : i32
    %add3A_639 = arith.addi %add3A_597, %add3A_638 : i32
    %broadcast_in_dim3A_640 = vector.broadcast %add3A_639 : i32 to vector<16xi32>
    %lt3A_641 = arith.cmpi slt, %broadcast_in_dim3A_640, %get3A_4 : vector<16xi32>
    %add3A_642 = arith.constant 11 : i32
    %add3A_643 = arith.addi %add3A_597, %add3A_642 : i32
    %broadcast_in_dim3A_644 = vector.broadcast %add3A_643 : i32 to vector<16xi32>
    %lt3A_645 = arith.cmpi slt, %broadcast_in_dim3A_644, %get3A_4 : vector<16xi32>
    %add3A_646 = arith.constant 12 : i32
    %add3A_647 = arith.addi %add3A_597, %add3A_646 : i32
    %broadcast_in_dim3A_648 = vector.broadcast %add3A_647 : i32 to vector<16xi32>
    %lt3A_649 = arith.cmpi slt, %broadcast_in_dim3A_648, %get3A_4 : vector<16xi32>
    %add3A_650 = arith.constant 13 : i32
    %add3A_651 = arith.addi %add3A_597, %add3A_650 : i32
    %broadcast_in_dim3A_652 = vector.broadcast %add3A_651 : i32 to vector<16xi32>
    %lt3A_653 = arith.cmpi slt, %broadcast_in_dim3A_652, %get3A_4 : vector<16xi32>
    %add3A_654 = arith.constant 14 : i32
    %add3A_655 = arith.addi %add3A_597, %add3A_654 : i32
    %broadcast_in_dim3A_656 = vector.broadcast %add3A_655 : i32 to vector<16xi32>
    %lt3A_657 = arith.cmpi slt, %broadcast_in_dim3A_656, %get3A_4 : vector<16xi32>
    %add3A_658 = arith.constant 15 : i32
    %add3A_659 = arith.addi %add3A_597, %add3A_658 : i32
    %broadcast_in_dim3A_660 = vector.broadcast %add3A_659 : i32 to vector<16xi32>
    %lt3A_661 = arith.cmpi slt, %broadcast_in_dim3A_660, %get3A_4 : vector<16xi32>
    %scan3A_662 = arith.constant 0 : i32
    %scan3A_663 = arith.constant 0 : i32
    %scan3A_664 = arith.constant 64 : i32
    %scan3A_665 = arith.addi %scan3A_663, %scan3A_664 : i32
    %scan3A_666 = arith.constant 1 : i32
    scf.for %scan3A_688 = %scan3A_663 to %scan3A_665 step %scan3A_666  : i32 {
      %mul3A_689 = arith.constant 16 : i32
      %mul3A_690 = arith.muli %scan3A_688, %mul3A_689 : i32
      %get3A_691 = arith.constant 0 : i32
      %get3A_692 = arith.index_cast %get3A_691 : i32 to index
      %get3A_693 = arith.index_cast %mul3A_690 : i32 to index
      %get3A_694 = tpu.vector_load %arg5[%get3A_692, %get3A_693] {strides = array<i32>} : memref<5x1024xf32, #tpu.memory_space<vmem>>, vector<1x16xf32>,
      %get3A_695 = vector.shape_cast %get3A_694 : vector<1x16xf32> to vector<16xf32>
      %get3A_696 = arith.constant 3 : i32
      %get3A_697 = arith.index_cast %get3A_696 : i32 to index
      %get3A_698 = arith.index_cast %mul3A_690 : i32 to index
      %get3A_699 = tpu.vector_load %arg5[%get3A_697, %get3A_698] {strides = array<i32>} : memref<5x1024xf32, #tpu.memory_space<vmem>>, vector<1x16xf32>,
      %get3A_700 = vector.shape_cast %get3A_699 : vector<1x16xf32> to vector<16xf32>
      %select_n3A = arith.select %lt3A_601, %get3A_695, %get3A_700 : vector<16xi1>, vector<16xf32>
      %swap3A = arith.constant 0 : i32
      %swap3A_701 = arith.constant 0 : i32
      %swap3A_702 = arith.index_cast %swap3A : i32 to index
      %swap3A_703 = arith.index_cast %swap3A_701 : i32 to index
      %swap3A_704 = arith.index_cast %mul3A_690 : i32 to index
      %swap3A_705 = tpu.vector_load %arg8[%swap3A_702, %swap3A_703, %swap3A_704] {strides = array<i32>} : memref<16x1x1024xf32, #tpu.memory_space<vmem>>, vector<1x1x16xf32>,
      %swap3A_706 = vector.shape_cast %swap3A_705 : vector<1x1x16xf32> to vector<16xf32>
      %swap3A_707 = vector.shape_cast %select_n3A : vector<16xf32> to vector<1x1x16xf32>
      tpu.vector_store %arg8[%swap3A_702, %swap3A_703, %swap3A_704], %swap3A_707 {strides = array<i32>} : memref<16x1x1024xf32, #tpu.memory_space<vmem>>, vector<1x1x16xf32>,
      %select_n3A_708 = arith.select %lt3A_605, %get3A_695, %get3A_700 : vector<16xi1>, vector<16xf32>
      %swap3A_709 = arith.constant 1 : i32
      %swap3A_710 = arith.constant 0 : i32
      %swap3A_711 = arith.index_cast %swap3A_709 : i32 to index
      %swap3A_712 = arith.index_cast %swap3A_710 : i32 to index
      %swap3A_713 = arith.index_cast %mul3A_690 : i32 to index
      %swap3A_714 = tpu.vector_load %arg8[%swap3A_711, %swap3A_712, %swap3A_713] {strides = array<i32>} : memref<16x1x1024xf32, #tpu.memory_space<vmem>>, vector<1x1x16xf32>,
      %swap3A_715 = vector.shape_cast %swap3A_714 : vector<1x1x16xf32> to vector<16xf32>
      %swap3A_716 = vector.shape_cast %select_n3A_708 : vector<16xf32> to vector<1x1x16xf32>
      tpu.vector_store %arg8[%swap3A_711, %swap3A_712, %swap3A_713], %swap3A_716 {strides = array<i32>} : memref<16x1x1024xf32, #tpu.memory_space<vmem>>, vector<1x1x16xf32>,
      %select_n3A_717 = arith.select %lt3A_609, %get3A_695, %get3A_700 : vector<16xi1>, vector<16xf32>
      %swap3A_718 = arith.constant 2 : i32
      %swap3A_719 = arith.constant 0 : i32
      %swap3A_720 = arith.index_cast %swap3A_718 : i32 to index
      %swap3A_721 = arith.index_cast %swap3A_719 : i32 to index
      %swap3A_722 = arith.index_cast %mul3A_690 : i32 to index
      %swap3A_723 = tpu.vector_load %arg8[%swap3A_720, %swap3A_721, %swap3A_722] {strides = array<i32>} : memref<16x1x1024xf32, #tpu.memory_space<vmem>>, vector<1x1x16xf32>,
      %swap3A_724 = vector.shape_cast %swap3A_723 : vector<1x1x16xf32> to vector<16xf32>
      %swap3A_725 = vector.shape_cast %select_n3A_717 : vector<16xf32> to vector<1x1x16xf32>
      tpu.vector_store %arg8[%swap3A_720, %swap3A_721, %swap3A_722], %swap3A_725 {strides = array<i32>} : memref<16x1x1024xf32, #tpu.memory_space<vmem>>, vector<1x1x16xf32>,
      %select_n3A_726 = arith.select %lt3A_613, %get3A_695, %get3A_700 : vector<16xi1>, vector<16xf32>
      %swap3A_727 = arith.constant 3 : i32
      %swap3A_728 = arith.constant 0 : i32
      %swap3A_729 = arith.index_cast %swap3A_727 : i32 to index
      %swap3A_730 = arith.index_cast %swap3A_728 : i32 to index
      %swap3A_731 = arith.index_cast %mul3A_690 : i32 to index
      %swap3A_732 = tpu.vector_load %arg8[%swap3A_729, %swap3A_730, %swap3A_731] {strides = array<i32>} : memref<16x1x1024xf32, #tpu.memory_space<vmem>>, vector<1x1x16xf32>,
      %swap3A_733 = vector.shape_cast %swap3A_732 : vector<1x1x16xf32> to vector<16xf32>
      %swap3A_734 = vector.shape_cast %select_n3A_726 : vector<16xf32> to vector<1x1x16xf32>
      tpu.vector_store %arg8[%swap3A_729, %swap3A_730, %swap3A_731], %swap3A_734 {strides = array<i32>} : memref<16x1x1024xf32, #tpu.memory_space<vmem>>, vector<1x1x16xf32>,
      %select_n3A_735 = arith.select %lt3A_617, %get3A_695, %get3A_700 : vector<16xi1>, vector<16xf32>
      %swap3A_736 = arith.constant 4 : i32
      %swap3A_737 = arith.constant 0 : i32
      %swap3A_738 = arith.index_cast %swap3A_736 : i32 to index
      %swap3A_739 = arith.index_cast %swap3A_737 : i32 to index
      %swap3A_740 = arith.index_cast %mul3A_690 : i32 to index
      %swap3A_741 = tpu.vector_load %arg8[%swap3A_738, %swap3A_739, %swap3A_740] {strides = array<i32>} : memref<16x1x1024xf32, #tpu.memory_space<vmem>>, vector<1x1x16xf32>,
      %swap3A_742 = vector.shape_cast %swap3A_741 : vector<1x1x16xf32> to vector<16xf32>
      %swap3A_743 = vector.shape_cast %select_n3A_735 : vector<16xf32> to vector<1x1x16xf32>
      tpu.vector_store %arg8[%swap3A_738, %swap3A_739, %swap3A_740], %swap3A_743 {strides = array<i32>} : memref<16x1x1024xf32, #tpu.memory_space<vmem>>, vector<1x1x16xf32>,
      %select_n3A_744 = arith.select %lt3A_621, %get3A_695, %get3A_700 : vector<16xi1>, vector<16xf32>
      %swap3A_745 = arith.constant 5 : i32
      %swap3A_746 = arith.constant 0 : i32
      %swap3A_747 = arith.index_cast %swap3A_745 : i32 to index
      %swap3A_748 = arith.index_cast %swap3A_746 : i32 to index
      %swap3A_749 = arith.index_cast %mul3A_690 : i32 to index
      %swap3A_750 = tpu.vector_load %arg8[%swap3A_747, %swap3A_748, %swap3A_749] {strides = array<i32>} : memref<16x1x1024xf32, #tpu.memory_space<vmem>>, vector<1x1x16xf32>,
      %swap3A_751 = vector.shape_cast %swap3A_750 : vector<1x1x16xf32> to vector<16xf32>
      %swap3A_752 = vector.shape_cast %select_n3A_744 : vector<16xf32> to vector<1x1x16xf32>
      tpu.vector_store %arg8[%swap3A_747, %swap3A_748, %swap3A_749], %swap3A_752 {strides = array<i32>} : memref<16x1x1024xf32, #tpu.memory_space<vmem>>, vector<1x1x16xf32>,
      %select_n3A_753 = arith.select %lt3A_625, %get3A_695, %get3A_700 : vector<16xi1>, vector<16xf32>
      %swap3A_754 = arith.constant 6 : i32
      %swap3A_755 = arith.constant 0 : i32
      %swap3A_756 = arith.index_cast %swap3A_754 : i32 to index
      %swap3A_757 = arith.index_cast %swap3A_755 : i32 to index
      %swap3A_758 = arith.index_cast %mul3A_690 : i32 to index
      %swap3A_759 = tpu.vector_load %arg8[%swap3A_756, %swap3A_757, %swap3A_758] {strides = array<i32>} : memref<16x1x1024xf32, #tpu.memory_space<vmem>>, vector<1x1x16xf32>,
      %swap3A_760 = vector.shape_cast %swap3A_759 : vector<1x1x16xf32> to vector<16xf32>
      %swap3A_761 = vector.shape_cast %select_n3A_753 : vector<16xf32> to vector<1x1x16xf32>
      tpu.vector_store %arg8[%swap3A_756, %swap3A_757, %swap3A_758], %swap3A_761 {strides = array<i32>} : memref<16x1x1024xf32, #tpu.memory_space<vmem>>, vector<1x1x16xf32>,
      %select_n3A_762 = arith.select %lt3A_629, %get3A_695, %get3A_700 : vector<16xi1>, vector<16xf32>
      %swap3A_763 = arith.constant 7 : i32
      %swap3A_764 = arith.constant 0 : i32
      %swap3A_765 = arith.index_cast %swap3A_763 : i32 to index
      %swap3A_766 = arith.index_cast %swap3A_764 : i32 to index
      %swap3A_767 = arith.index_cast %mul3A_690 : i32 to index
      %swap3A_768 = tpu.vector_load %arg8[%swap3A_765, %swap3A_766, %swap3A_767] {strides = array<i32>} : memref<16x1x1024xf32, #tpu.memory_space<vmem>>, vector<1x1x16xf32>,
      %swap3A_769 = vector.shape_cast %swap3A_768 : vector<1x1x16xf32> to vector<16xf32>
      %swap3A_770 = vector.shape_cast %select_n3A_762 : vector<16xf32> to vector<1x1x16xf32>
      tpu.vector_store %arg8[%swap3A_765, %swap3A_766, %swap3A_767], %swap3A_770 {strides = array<i32>} : memref<16x1x1024xf32, #tpu.memory_space<vmem>>, vector<1x1x16xf32>,
      %select_n3A_771 = arith.select %lt3A_633, %get3A_695, %get3A_700 : vector<16xi1>, vector<16xf32>
      %swap3A_772 = arith.constant 8 : i32
      %swap3A_773 = arith.constant 0 : i32
      %swap3A_774 = arith.index_cast %swap3A_772 : i32 to index
      %swap3A_775 = arith.index_cast %swap3A_773 : i32 to index
      %swap3A_776 = arith.index_cast %mul3A_690 : i32 to index
      %swap3A_777 = tpu.vector_load %arg8[%swap3A_774, %swap3A_775, %swap3A_776] {strides = array<i32>} : memref<16x1x1024xf32, #tpu.memory_space<vmem>>, vector<1x1x16xf32>,
      %swap3A_778 = vector.shape_cast %swap3A_777 : vector<1x1x16xf32> to vector<16xf32>
      %swap3A_779 = vector.shape_cast %select_n3A_771 : vector<16xf32> to vector<1x1x16xf32>
      tpu.vector_store %arg8[%swap3A_774, %swap3A_775, %swap3A_776], %swap3A_779 {strides = array<i32>} : memref<16x1x1024xf32, #tpu.memory_space<vmem>>, vector<1x1x16xf32>,
      %select_n3A_780 = arith.select %lt3A_637, %get3A_695, %get3A_700 : vector<16xi1>, vector<16xf32>
      %swap3A_781 = arith.constant 9 : i32
      %swap3A_782 = arith.constant 0 : i32
      %swap3A_783 = arith.index_cast %swap3A_781 : i32 to index
      %swap3A_784 = arith.index_cast %swap3A_782 : i32 to index
      %swap3A_785 = arith.index_cast %mul3A_690 : i32 to index
      %swap3A_786 = tpu.vector_load %arg8[%swap3A_783, %swap3A_784, %swap3A_785] {strides = array<i32>} : memref<16x1x1024xf32, #tpu.memory_space<vmem>>, vector<1x1x16xf32>,
      %swap3A_787 = vector.shape_cast %swap3A_786 : vector<1x1x16xf32> to vector<16xf32>
      %swap3A_788 = vector.shape_cast %select_n3A_780 : vector<16xf32> to vector<1x1x16xf32>
      tpu.vector_store %arg8[%swap3A_783, %swap3A_784, %swap3A_785], %swap3A_788 {strides = array<i32>} : memref<16x1x1024xf32, #tpu.memory_space<vmem>>, vector<1x1x16xf32>,
      %select_n3A_789 = arith.select %lt3A_641, %get3A_695, %get3A_700 : vector<16xi1>, vector<16xf32>
      %swap3A_790 = arith.constant 10 : i32
      %swap3A_791 = arith.constant 0 : i32
      %swap3A_792 = arith.index_cast %swap3A_790 : i32 to index
      %swap3A_793 = arith.index_cast %swap3A_791 : i32 to index
      %swap3A_794 = arith.index_cast %mul3A_690 : i32 to index
      %swap3A_795 = tpu.vector_load %arg8[%swap3A_792, %swap3A_793, %swap3A_794] {strides = array<i32>} : memref<16x1x1024xf32, #tpu.memory_space<vmem>>, vector<1x1x16xf32>,
      %swap3A_796 = vector.shape_cast %swap3A_795 : vector<1x1x16xf32> to vector<16xf32>
      %swap3A_797 = vector.shape_cast %select_n3A_789 : vector<16xf32> to vector<1x1x16xf32>
      tpu.vector_store %arg8[%swap3A_792, %swap3A_793, %swap3A_794], %swap3A_797 {strides = array<i32>} : memref<16x1x1024xf32, #tpu.memory_space<vmem>>, vector<1x1x16xf32>,
      %select_n3A_798 = arith.select %lt3A_645, %get3A_695, %get3A_700 : vector<16xi1>, vector<16xf32>
      %swap3A_799 = arith.constant 11 : i32
      %swap3A_800 = arith.constant 0 : i32
      %swap3A_801 = arith.index_cast %swap3A_799 : i32 to index
      %swap3A_802 = arith.index_cast %swap3A_800 : i32 to index
      %swap3A_803 = arith.index_cast %mul3A_690 : i32 to index
      %swap3A_804 = tpu.vector_load %arg8[%swap3A_801, %swap3A_802, %swap3A_803] {strides = array<i32>} : memref<16x1x1024xf32, #tpu.memory_space<vmem>>, vector<1x1x16xf32>,
      %swap3A_805 = vector.shape_cast %swap3A_804 : vector<1x1x16xf32> to vector<16xf32>
      %swap3A_806 = vector.shape_cast %select_n3A_798 : vector<16xf32> to vector<1x1x16xf32>
      tpu.vector_store %arg8[%swap3A_801, %swap3A_802, %swap3A_803], %swap3A_806 {strides = array<i32>} : memref<16x1x1024xf32, #tpu.memory_space<vmem>>, vector<1x1x16xf32>,
      %select_n3A_807 = arith.select %lt3A_649, %get3A_695, %get3A_700 : vector<16xi1>, vector<16xf32>
      %swap3A_808 = arith.constant 12 : i32
      %swap3A_809 = arith.constant 0 : i32
      %swap3A_810 = arith.index_cast %swap3A_808 : i32 to index
      %swap3A_811 = arith.index_cast %swap3A_809 : i32 to index
      %swap3A_812 = arith.index_cast %mul3A_690 : i32 to index
      %swap3A_813 = tpu.vector_load %arg8[%swap3A_810, %swap3A_811, %swap3A_812] {strides = array<i32>} : memref<16x1x1024xf32, #tpu.memory_space<vmem>>, vector<1x1x16xf32>,
      %swap3A_814 = vector.shape_cast %swap3A_813 : vector<1x1x16xf32> to vector<16xf32>
      %swap3A_815 = vector.shape_cast %select_n3A_807 : vector<16xf32> to vector<1x1x16xf32>
      tpu.vector_store %arg8[%swap3A_810, %swap3A_811, %swap3A_812], %swap3A_815 {strides = array<i32>} : memref<16x1x1024xf32, #tpu.memory_space<vmem>>, vector<1x1x16xf32>,
      %select_n3A_816 = arith.select %lt3A_653, %get3A_695, %get3A_700 : vector<16xi1>, vector<16xf32>
      %swap3A_817 = arith.constant 13 : i32
      %swap3A_818 = arith.constant 0 : i32
      %swap3A_819 = arith.index_cast %swap3A_817 : i32 to index
      %swap3A_820 = arith.index_cast %swap3A_818 : i32 to index
      %swap3A_821 = arith.index_cast %mul3A_690 : i32 to index
      %swap3A_822 = tpu.vector_load %arg8[%swap3A_819, %swap3A_820, %swap3A_821] {strides = array<i32>} : memref<16x1x1024xf32, #tpu.memory_space<vmem>>, vector<1x1x16xf32>,
      %swap3A_823 = vector.shape_cast %swap3A_822 : vector<1x1x16xf32> to vector<16xf32>
      %swap3A_824 = vector.shape_cast %select_n3A_816 : vector<16xf32> to vector<1x1x16xf32>
      tpu.vector_store %arg8[%swap3A_819, %swap3A_820, %swap3A_821], %swap3A_824 {strides = array<i32>} : memref<16x1x1024xf32, #tpu.memory_space<vmem>>, vector<1x1x16xf32>,
      %select_n3A_825 = arith.select %lt3A_657, %get3A_695, %get3A_700 : vector<16xi1>, vector<16xf32>
      %swap3A_826 = arith.constant 14 : i32
      %swap3A_827 = arith.constant 0 : i32
      %swap3A_828 = arith.index_cast %swap3A_826 : i32 to index
      %swap3A_829 = arith.index_cast %swap3A_827 : i32 to index
      %swap3A_830 = arith.index_cast %mul3A_690 : i32 to index
      %swap3A_831 = tpu.vector_load %arg8[%swap3A_828, %swap3A_829, %swap3A_830] {strides = array<i32>} : memref<16x1x1024xf32, #tpu.memory_space<vmem>>, vector<1x1x16xf32>,
      %swap3A_832 = vector.shape_cast %swap3A_831 : vector<1x1x16xf32> to vector<16xf32>
      %swap3A_833 = vector.shape_cast %select_n3A_825 : vector<16xf32> to vector<1x1x16xf32>
      tpu.vector_store %arg8[%swap3A_828, %swap3A_829, %swap3A_830], %swap3A_833 {strides = array<i32>} : memref<16x1x1024xf32, #tpu.memory_space<vmem>>, vector<1x1x16xf32>,
      %select_n3A_834 = arith.select %lt3A_661, %get3A_695, %get3A_700 : vector<16xi1>, vector<16xf32>
      %swap3A_835 = arith.constant 15 : i32
      %swap3A_836 = arith.constant 0 : i32
      %swap3A_837 = arith.index_cast %swap3A_835 : i32 to index
      %swap3A_838 = arith.index_cast %swap3A_836 : i32 to index
      %swap3A_839 = arith.index_cast %mul3A_690 : i32 to index
      %swap3A_840 = tpu.vector_load %arg8[%swap3A_837, %swap3A_838, %swap3A_839] {strides = array<i32>} : memref<16x1x1024xf32, #tpu.memory_space<vmem>>, vector<1x1x16xf32>,
      %swap3A_841 = vector.shape_cast %swap3A_840 : vector<1x1x16xf32> to vector<16xf32>
      %swap3A_842 = vector.shape_cast %select_n3A_834 : vector<16xf32> to vector<1x1x16xf32>
      tpu.vector_store %arg8[%swap3A_837, %swap3A_838, %swap3A_839], %swap3A_842 {strides = array<i32>} : memref<16x1x1024xf32, #tpu.memory_space<vmem>>, vector<1x1x16xf32>,
    }
    %scan3A_667 = arith.constant 64 : i32
    %add3A_668 = arith.constant 112 : i32
    %add3A_669 = arith.addi %mul3A_2, %add3A_668 : i32
    %dma_start3A_670 = arith.constant 0 : i32
    %dma_start3A_671 = arith.constant 0 : i32
    %dma_start3A_672 = tpu.memref_slice %arg4[%add3A_669, %dma_start3A_670, %dma_start3A_671] : memref<4096x1x1024xf32, #tpu.memory_space<hbm>> -> memref<16x1x1024xf32, #tpu.memory_space<hbm>>
    %dma_start3A_673 = arith.constant 0 : i32
    %dma_start3A_674 = arith.constant 0 : i32
    %dma_start3A_675 = tpu.memref_slice %arg4[%add3A_669, %dma_start3A_673, %dma_start3A_674] : memref<4096x1x1024xf32, #tpu.memory_space<hbm>> -> memref<16x1x1024xf32, #tpu.memory_space<hbm>>
    tpu.enqueue_dma source(%arg8 : memref<16x1x1024xf32, #tpu.memory_space<vmem>>) target(%dma_start3A_675 : memref<16x1x1024xf32, #tpu.memory_space<hbm>>) target_semaphore(%arg10 : memref<!tpu.dma_semaphore, #tpu.memory_space<semaphore_mem>>)
    %dma_wait3A_676 = arith.constant 0 : i32
    %dma_wait3A_677 = arith.constant 0 : i32
    %dma_wait3A_678 = tpu.memref_slice %arg4[%add3A_583, %dma_wait3A_676, %dma_wait3A_677] : memref<4096x1x1024xf32, #tpu.memory_space<hbm>> -> memref<16x1x1024xf32, #tpu.memory_space<hbm>>
    %dma_wait3A_679 = arith.constant 0 : i32
    %dma_wait3A_680 = arith.constant 0 : i32
    %dma_wait3A_681 = tpu.memref_slice %arg4[%add3A_583, %dma_wait3A_679, %dma_wait3A_680] : memref<4096x1x1024xf32, #tpu.memory_space<hbm>> -> memref<16x1x1024xf32, #tpu.memory_space<hbm>>
    tpu.wait_dma2 semaphore(%arg9 : memref<!tpu.dma_semaphore, #tpu.memory_space<semaphore_mem>>) src(%arg7 : memref<16x1x1024xf32, #tpu.memory_space<vmem>>) dst(%dma_wait3A_681 : memref<16x1x1024xf32, #tpu.memory_space<hbm>>)
    %dma_wait3A_682 = arith.constant 0 : i32
    %dma_wait3A_683 = arith.constant 0 : i32
    %dma_wait3A_684 = tpu.memref_slice %arg4[%add3A_669, %dma_wait3A_682, %dma_wait3A_683] : memref<4096x1x1024xf32, #tpu.memory_space<hbm>> -> memref<16x1x1024xf32, #tpu.memory_space<hbm>>
    %dma_wait3A_685 = arith.constant 0 : i32
    %dma_wait3A_686 = arith.constant 0 : i32
    %dma_wait3A_687 = tpu.memref_slice %arg4[%add3A_669, %dma_wait3A_685, %dma_wait3A_686] : memref<4096x1x1024xf32, #tpu.memory_space<hbm>> -> memref<16x1x1024xf32, #tpu.memory_space<hbm>>
    tpu.wait_dma2 semaphore(%arg10 : memref<!tpu.dma_semaphore, #tpu.memory_space<semaphore_mem>>) src(%arg8 : memref<16x1x1024xf32, #tpu.memory_space<vmem>>) dst(%dma_wait3A_687 : memref<16x1x1024xf32, #tpu.memory_space<hbm>>)
    return
  }
}

</mosaic_0001>

<sc_bundles>
// kernel: kernel.3.cloned.1.call-start
scs
__scs_entry_jumppad:
0x0: {  	(pc) =	sbr.rel $0x88, $3  }
0x1: {  	(tag) =	ssettag $0x0;
	lr =	simm.s32 $0x1  }
0x2: {  	[smem:$0x3F9F] =	sst lr;
	_ =	strace $0xD0000000  }
0x3: {  	_ = 	snop  }
0x4: {  	_ = 	snop  }
0x5: {  	_ = 	snop  }
0x6: {  	_ = 	snop  }
0x7: {  	_ = 	snop  }
__scs_overlays_trampoline_lowered:
0x8: {  	[smem:$0x3FAE] =	sst s0  }
0x9: {  	[smem:$0x3FAF] =	sst s1  }
0xa: {  	[smem:$0x3FB0] =	sst s2  }
0xb: {  	[smem:$0x3FB1] =	sst s3  }
0xc: {  	[smem:$0x3FB2] =	sst s4  }
0xd: {  	[smem:$0x3FB3] =	sst s5  }
0xe: {  	[smem:$0x3FB4] =	sst s6  }
0xf: {  	[smem:$0x3FB5] =	sst s7  }
0x10: {  	[smem:$0x3FB6] =	sst s8  }
0x11: {  	[smem:$0x3FB7] =	sst s9;
	s0 =	simm.s32 @!p0 $0x0  }
0x12: {  	s1 =	sld [smem:$0x3F9D];
	s0 =	simm.s32 @p0 $0x1  }
0x13: {  	[smem:$0x3FB8] =	sst s0;
	s0 =	simm.s32 @!p1 $0x0  }
0x14: {  	s2 =	sld [smem:$0x3F9C];
	s0 =	simm.s32 @p1 $0x1  }
0x15: {  	[smem:$0x3FB9] =	sst s0;
	s0 =	simm.s32 @!p2 $0x0  }
0x16: {  	s3 =	sld [smem:$0x3FDB];
	s0 =	simm.s32 @p2 $0x1  }
0x17: {  	s4 =	simm.s32 $0x1BF5;
	[smem:$0x3FBB] =	sst s0  }
0x18: {  	s0 =	sld [smem:$0x3F9E];
	_ =	swait.ge [sflag:s4], $0x0  }
0x19: {  	s7 =	sld [smem:$0x3F9F]  }
0x1a: {  	s8 =	sadd.s32 $0xFFFFE003, lr  }
0x1b: {  	s9 =	sadd.s32 $0xFFFFFEF7, lr;
	s5 =	simm.s32 $0xFFFFFFFF;
	p2 =	slt.u32 s8, $0xFFFFF086  }
0x1c: {  	p1 =	slt.u32 s9, $0xF7A;
	s5 =	simm.s32 @!p2 $0x0  }
0x1d: {  	s5 =	simm.s32 @p1 $0x1;
	p0 =	seq.s32 s7, s2  }
0x1e: {  	s7 =	smul.u32 @!p0 $0xF7A, s2;
	p2 =	seq.s32 @!p0 s5, $0x0  }
0x1f: {  	s9 =	smul.u32 $0xF7A, s1;
	s8 =	simm.s32 @!p0 $0x1BF5;
	p2 =	por !p2, p0  }
0x20: {  	[sflag:s8] =	ssyncset.s32 @!p0 $0xFFFFF086;
	s6 =	sadd.s32 @!p0 s3, s7;
	s7 =	simm.s32 @!p0 $0x108  }
0x21: {  	s3 =	sadd.s32 s3, s9;
	s6 =	sadd.s32 @!p0 $0x88, s6;
	s7 =	simm.s32 @p2 $0x1082  }
0x22: {  	[simem:s7], [sflag:s8] =	dma.local @!p0 [hbm:s6], $0xF7A  }
0x23: {  	s9 =	sor.u32 $0xD0000000, s2;
	s6 =	simm.s32 $0x108;
	_ =	swait.ge @!p0 [sflag:s8], $0x0  }
0x24: {  	s3 =	sadd.s32 $0x88, s3;
	s6 =	simm.s32 @!p1 $0x1082;
	[sflag:s4] =	ssyncset.s32 $0xFFFFF086  }
0x25: {  	[simem:s6], [sflag:s4] =	dma.local [hbm:s3], $0xF7A  }
0x26: {  	[smem:$0x3F9F] =	sst s1;
	(tag) =	ssettag s2;
	_ =	strace s9  }
0x27: {  	s1 =	sld [smem:$0x3FAF]  }
0x28: {  	s2 =	sld [smem:$0x3FB0]  }
0x29: {  	s4 =	sld [smem:$0x3FB2]  }
0x2a: {  	p0 =	seq.s32 s5, $0x0;
	s5 =	sld [smem:$0x3FB3]  }
0x2b: {  	s6 =	sld [smem:$0x3FB4]  }
0x2c: {  	s7 =	sld [smem:$0x3FB5]  }
0x2d: {  	s3 =	simm.s32 $0x108;
	s8 =	sld [smem:$0x3FB6]  }
0x2e: {  	s3 =	simm.s32 @!p0 $0x1082;
	s9 =	sld [smem:$0x3FB7]  }
0x2f: {  	lr =	sadd.s32 s0, s3;
	s0 =	sld [smem:$0x3FAE]  }
0x30: {  	s3 =	sld [smem:$0x3FB1]  }
0x31: {  	[smem:$0x3FBA] =	sst s10  }
0x32: {  	s10 =	sld [smem:$0x3FB8];
	_ =	sdelay $0x3  }
0x33: {  	p0 =	seq.s32 s10, $0x1;
	s10 =	sld [smem:$0x3FBA];
	_ =	sdelay $0x3  }
0x34: {  	[smem:$0x3FBA] =	sst s10  }
0x35: {  	s10 =	sld [smem:$0x3FB9];
	_ =	sdelay $0x3  }
0x36: {  	p1 =	seq.s32 s10, $0x1;
	s10 =	sld [smem:$0x3FBA];
	_ =	sdelay $0x3  }
0x37: {  	[smem:$0x3FBA] =	sst s10  }
0x38: {  	s10 =	sld [smem:$0x3FBB]  }
0x39: {  	_ = 	snop;
	(pc) =	sbr.ind lr, $3  }
0x3a: {  	_ = 	snop  }
0x3b: {  	_ = 	snop  }
0x3c: {  	p2 =	seq.s32 s10, $0x1;
	s10 =	sld [smem:$0x3FBA]  }
0x3d: {  	_ =	shalt  }
0x3e: {  	_ =	shalt  }
0x3f: {  	_ =	shalt  }
0x40: {  	_ =	shalt  }
0x41: {  	_ =	shalt  }
0x42: {  	_ =	shalt  }
0x43: {  	_ =	shalt  }
0x44: {  	_ =	shalt  }
0x45: {  	_ =	shalt  }
0x46: {  	_ =	shalt  }
0x47: {  	_ =	shalt  }
0x48: {  	_ =	shalt  }
0x49: {  	_ =	shalt  }
0x4a: {  	_ =	shalt  }
0x4b: {  	_ =	shalt  }
0x4c: {  	_ =	shalt  }
0x4d: {  	_ =	shalt  }
0x4e: {  	_ =	shalt  }
0x4f: {  	_ =	shalt  }
0x50: {  	_ =	shalt  }
0x51: {  	_ =	shalt  }
0x52: {  	_ =	shalt  }
0x53: {  	_ =	shalt  }
0x54: {  	_ =	shalt  }
0x55: {  	_ =	shalt  }
0x56: {  	_ =	shalt  }
0x57: {  	_ =	shalt  }
0x58: {  	_ =	shalt  }
0x59: {  	_ =	shalt  }
0x5a: {  	_ =	shalt  }
0x5b: {  	_ =	shalt  }
0x5c: {  	_ =	shalt  }
0x5d: {  	_ =	shalt  }
0x5e: {  	_ =	shalt  }
0x5f: {  	_ =	shalt  }
0x60: {  	_ =	shalt  }
0x61: {  	_ =	shalt  }
0x62: {  	_ =	shalt  }
0x63: {  	_ =	shalt  }
0x64: {  	_ =	shalt  }
0x65: {  	_ =	shalt  }
0x66: {  	_ =	shalt  }
0x67: {  	_ =	shalt  }
0x68: {  	_ =	shalt  }
0x69: {  	_ =	shalt  }
0x6a: {  	_ =	shalt  }
0x6b: {  	_ =	shalt  }
0x6c: {  	_ =	shalt  }
0x6d: {  	_ =	shalt  }
0x6e: {  	_ =	shalt  }
0x6f: {  	_ =	shalt  }
0x70: {  	_ =	shalt  }
0x71: {  	_ =	shalt  }
0x72: {  	_ =	shalt  }
0x73: {  	_ =	shalt  }
0x74: {  	_ =	shalt  }
0x75: {  	_ =	shalt  }
0x76: {  	_ =	shalt  }
0x77: {  	_ =	shalt  }
0x78: {  	_ =	shalt  }
0x79: {  	_ =	shalt  }
0x7a: {  	_ =	shalt  }
0x7b: {  	_ =	shalt  }
0x7c: {  	_ =	shalt  }
0x7d: {  	_ =	shalt  }
0x7e: {  	_ =	shalt  }
0x7f: {  	_ =	shalt  }
0x80: {  	_ =	shalt  }
0x81: {  	_ =	shalt  }
0x82: {  	_ =	shalt  }
0x83: {  	_ =	shalt  }
0x84: {  	_ =	shalt  }
0x85: {  	_ =	shalt  }
0x86: {  	_ =	shalt  }
0x87: {  	_ =	shalt  }
.Lfunc_end0:
.L_simem_size_0:
called_computation_lowered:
.L_overlay_start_0:
0x88: {  	s2 =	sld [smem:$0x3FD9]  }
0x89: {  	s3 =	sld [smem:$0x3FFE];
	_ =	sdelay $0x1  }
0x8a: {  	s1 =	srdreg.scid  }
0x8b: {  	s0 =	sand.u32 $0x1, s1  }
0x8c: {  	s17 =	sshll.u32 s0, $0xA;
	s2 =	sadd.s32 s3, s2  }
0x8d: {  	s2 =	sadd.s32 s2, s17  }
0x8e: {  	[smem:$0x3FC6] =	sst s2  }
0x8f: {  	_ = 	snop  }
0x90: {  	s2 =	sld [smem:$0x3FC8]  }
0x91: {  	s18 =	sld [smem:$0x3FD0];
	(tm) =	ssettm $0x1  }
0x92: {  	s4 =	sld [smem:$0x3FFB];
	_ =	sdelay $0x3  }
0x93: {  	_ =	strace s4  }
0x94: {  	s4 =	sld [smem:$0x3FFC];
	_ =	sdelay $0x3  }
0x95: {  	_ =	strace s4  }
0x96: {  	s4 =	sld [smem:$0x3FFD];
	_ =	sdelay $0x3  }
0x97: {  	_ =	strace s4  }
0x98: {  	_ =	strace $0x8FFFFFFF  }
0x99: {  	s19 =	sld [smem:$0x3FDB];
	_ =	sdelay $0x1  }
0x9a: {  	s5 =	simm.s32 $_scs_section_size  }
0x9b: {  	s6 =	simm.s32 $_size__tile_overlayer_lowered;
	s7 =	simm.s32 $_tile_overlayer_lowered  }
0x9c: {  	s22 =	simm.s32 $0x1BFF;
	s21 =	sshll.u32 s7, $0x1;
	s4 =	sadd.s32 s5, s19  }
0x9d: {  	s8 =	simm.s32 $0x0;
	s20 =	sshll.u32 s6, $0x1;
	s6 =	sadd.s32 s21, s4  }
0x9e: {  	[timem:s8], [sflag:s22] =	dma.local [hbm:s6], s20  }
0x9f: {  	_ =	swait.ge [sflag:s22], s20  }
0xa0: {  	s5 =	ssub.s32 $0x0, s20;
	[sflag:s22] =	ssyncset.done $0x0  }
0xa1: {  	[sflag:s22] =	ssyncadd.s32 s5;
	_ =	sdelay $0x1  }
0xa2: {  	s23 =	simm.s32 $0x1B8B  }
0xa3: {  	_ =	swait.ge [sflag:s23], $0x1  }
0xa4: {  	[sflag:s23] =	ssyncset.done $0x0  }
0xa5: {  	s25 =	simm.s32 $0x1B8E;
	s24 =	sld [smem:$0x3FFE];
	[sflag:s23] =	ssyncadd.s32 $0xFFFFFFFF  }
0xa6: {  	s26 =	simm.s32 $execute0_lowered;
	[smem:$0x3FD2] =	sst s25  }
0xa7: {  	s6 =	sshll.u32 s26, $0x1;
	_ =	strace $0x80000046;
	[dreg:$0x1] =	wrdreg $0xFFFFFFFF  }
0xa8: {  	s28 =	simm.s32 $_size_execute0_lowered;
	s4 =	sadd.s32 s4, s6;
	[dreg:$0x0] =	wrdreg $0x0  }
0xa9: {  	s6 =	sshll.u32 s28, $0x1;
	[dreg:$0x2] =	wrdreg s4  }
0xaa: {  	[dreg:$0x3] =	wrdreg s6  }
0xab: {  	[dreg:$0x4] =	wrdreg $0xC0  }
0xac: {  	_ =	task [dreg:s8], $0x5FFFF  }
0xad: {  	[dreg:$0x1] =	wrdreg $0xFFFFFFFF  }
0xae: {  	[dreg:$0x0] =	wrdreg $0x60  }
0xaf: {  	[dreg:$0x2] =	wrdreg s2  }
0xb0: {  	[dreg:$0x3] =	wrdreg s24  }
0xb1: {  	[dreg:$0x4] =	wrdreg s18  }
0xb2: {  	[dreg:$0x5] =	wrdreg $0x9  }
0xb3: {  	_ =	task.clear_ibuf [dreg:s8], $0x6FFFF;
	_ =	strace $0x90000046  }
0xb4: {  	s29 =	simm.s32 $0x9;
	_ =	strace $0x80000048  }
0xb5: {  	_ =	swait.ge [sflag:s29], $0x1  }
0xb6: {  	[sflag:s29] =	ssyncadd.s32 $0xFFFFFFFF  }
0xb7: {  	_ =	strace $0x90000048  }
0xb8: {  	_ =	sfence  }
0xb9: {  	s30 =	sld [smem:$0x0];
	_ =	sdelay $0x2  }
0xba: {  	s31 =	sshll.u32 s1, $0xD;
	s1 =	sshrl.u32 s1, $0x2  }
0xbb: {  	s3 =	sand.u32 $0x4000, s31;
	s1 =	sadd.s32 s1, s30  }
0xbc: {  	s0 =	sor.u32 s3, s0;
	s1 =	sshll.u32 s1, $0x11  }
0xbd: {  	s0 =	sor.u32 s1, s0  }
0xbe: {  	s0 =	sadd.s32 $0x8F2B, s0  }
0xbf: {  	[sflag:s0] =	ssyncadd.remote.s32 $0x1  }
0xc0: {  	_ =	sfence.sel $0xFFFF  }
0xc1: {  	[dreg:$0x0] =	wrdreg $0xFFFFFFFF;
	(pc) =	sbr.abs _section_cstart, $3  }
0xc2: {  	[dreg:$0x1] =	wrdreg $0xFFFFFFFF  }
0xc3: {  	_ =	task.clear_ibuf [dreg:s8], $0x2FFFF;
	_ =	strace $0x9FFFFFFF  }
0xc4: {  	(tm) =	ssettm $0x7FFFFFFF  }
0xc5: {  	_ =	shalt  }
tec
execute0_lowered:
.L_overlay_start_1:
0x0: {  	(tag) =	ssettag $0x1  }
0x1: {  	s5 =	srdreg.scid  }
0x2: {  	s1 =	rddreg [dreg:$0x0];
	s2 =	stileid.u32;
	s5 =	sand.u32 $0x1, s5  }
0x3: {  	s7 =	sshll.u32 s2, $0x8;
	s6 =	ssub.s32 $0x2, s5;
	s5 =	sshll.u32 s5, $0x7  }
0x4: {  	s4 =	rddreg [dreg:$0x1];
	s14 =	sor.u32 s5, s7  }
0x5: {  	s12 =	rddreg [dreg:$0x2];
	s3 =	simm.s32 $0x0;
	s9 =	sor.u32 $0x1, s14  }
0x6: {  	[smem:$0x7FF] =	sst s3;
	s10 =	sor.u32 $0x2, s14;
	v0 =	vmov s9  }
0x7: {  	s0 =	rddreg [dreg:$0x3];
	_ =	strace $0x80000047;
	s11 =	sor.u32 $0x3, s14;
	v6 =	vmov s10;
	[tilespmem:$0x1FB10] =	vst v0  }
0x8: {  	s15 =	sor.u32 $0x4, s14;
	v7 =	vmov s11;
	[tilespmem:$0x1FB20] =	vst v6  }
0x9: {  	s16 =	sor.u32 $0x5, s14;
	v8 =	vmov s15;
	[tilespmem:$0x1FB30] =	vst v7  }
0xa: {  	s17 =	sor.u32 $0x6, s14;
	v9 =	vmov s16;
	[tilespmem:$0x1FB40] =	vst v8  }
0xb: {  	s18 =	sor.u32 $0x7, s14;
	v10 =	vmov s17;
	[tilespmem:$0x1FB50] =	vst v9  }
0xc: {  	s19 =	sor.u32 $0x8, s14;
	v11 =	vmov s18;
	[tilespmem:$0x1FB60] =	vst v10  }
0xd: {  	s20 =	sor.u32 $0x9, s14;
	v32 =	vmov s19;
	[tilespmem:$0x1FB70] =	vst v11  }
0xe: {  	s21 =	sor.u32 $0xA, s14;
	v33 =	vmov s20;
	[tilespmem:$0x1FB80] =	vst v32  }
0xf: {  	s22 =	sor.u32 $0xB, s14;
	v34 =	vmov s21;
	[tilespmem:$0x1FB90] =	vst v33  }
0x10: {  	s23 =	sor.u32 $0xC, s14;
	v35 =	vmov s22;
	[tilespmem:$0x1FBA0] =	vst v34  }
0x11: {  	s24 =	sor.u32 $0xD, s14;
	v36 =	vmov s23;
	[tilespmem:$0x1FBB0] =	vst v35  }
0x12: {  	s26 =	sor.u32 $0xE, s14;
	v37 =	vmov s24;
	[tilespmem:$0x1FBC0] =	vst v36  }
0x13: {  	s28 =	sor.u32 $0xF, s14;
	v38 =	vmov s26;
	[tilespmem:$0x1FBD0] =	vst v37  }
0x14: {  	s25 =	sor.u32 $0x10, s14;
	v39 =	vmov s28;
	[tilespmem:$0x1FBE0] =	vst v38  }
0x15: {  	s8 =	sshrl.u32 s6, $0x1;
	s31 =	sor.u32 $0x17, s14;
	v40 =	vmov s25;
	[tilespmem:$0x1FBF0] =	vst v39  }
0x16: {  	s13 =	ssub.s32 s6, s8;
	s8 =	sor.u32 $0x20, s14;
	v47 =	vmov s31;
	[tilespmem:$0x1FC00] =	vst v40  }
0x17: {  	s9 =	sor.u32 $0x11, s14;
	v56 =	vmov s8;
	[tilespmem:$0x1FC70] =	vst v47  }
0x18: {  	s10 =	sor.u32 $0x12, s14;
	v41 =	vmov s9;
	[tilespmem:$0x1FD00] =	vst v56  }
0x19: {  	s11 =	sor.u32 $0x14, s14;
	v42 =	vmov s10;
	[tilespmem:$0x1FC10] =	vst v41  }
0x1a: {  	s15 =	sor.u32 $0x15, s14;
	v44 =	vmov s11;
	[tilespmem:$0x1FC20] =	vst v42  }
0x1b: {  	s16 =	sor.u32 $0x16, s14;
	v45 =	vmov s15;
	[tilespmem:$0x1FC40] =	vst v44  }
0x1c: {  	s18 =	sor.u32 $0x18, s14;
	v46 =	vmov s16;
	[tilespmem:$0x1FC50] =	vst v45  }
0x1d: {  	s19 =	sor.u32 $0x19, s14;
	v48 =	vmov s18;
	[tilespmem:$0x1FC60] =	vst v46  }
0x1e: {  	s20 =	sor.u32 $0x1A, s14;
	v49 =	vmov s19;
	[tilespmem:$0x1FC80] =	vst v48  }
0x1f: {  	s21 =	sor.u32 $0x1B, s14;
	v50 =	vmov s20;
	[tilespmem:$0x1FC90] =	vst v49  }
0x20: {  	s22 =	sor.u32 $0x1C, s14;
	v51 =	vmov s21;
	[tilespmem:$0x1FCA0] =	vst v50  }
0x21: {  	s24 =	sor.u32 $0x1D, s14;
	v52 =	vmov s22;
	[tilespmem:$0x1FCB0] =	vst v51  }
0x22: {  	s26 =	sor.u32 $0x1E, s14;
	v53 =	vmov s24;
	[tilespmem:$0x1FCC0] =	vst v52  }
0x23: {  	s29 =	sshll.u32 s25, $0x7;
	s25 =	sor.u32 $0x22, s14;
	v54 =	vmov s26;
	[tilespmem:$0x1FCD0] =	vst v53  }
0x24: {  	s28 =	sor.u32 $0x23, s14;
	v58 =	vmov s25;
	[tilespmem:$0x1FCE0] =	vst v54  }
0x25: {  	s17 =	sor.u32 $0x28, s14;
	v59 =	vmov s28;
	[tilespmem:$0x1FD20] =	vst v58  }
0x26: {  	s31 =	sor.u32 $0x29, s14;
	v4 =	vmov s17;
	[tilespmem:$0x1FD30] =	vst v59  }
0x27: {  	s23 =	sor.u32 $0x2F, s14;
	v5 =	vmov s31;
	[tilespmem:$0x1FD80] =	vst v4  }
0x28: {  	s30 =	sshll.u32 s8, $0x7;
	s6 =	sadd.s32 s12, s29;
	s29 =	sor.u32 $0x13, s14;
	v11 =	vmov s23;
	[tilespmem:$0x1FD90] =	vst v5  }
0x29: {  	s7 =	sadd.s32 s12, s30;
	s30 =	sor.u32 $0x1F, s14;
	v43 =	vmov s29;
	[tilespmem:$0x1FDF0] =	vst v11  }
0x2a: {  	s9 =	sor.u32 $0x21, s14;
	v55 =	vmov s30;
	[tilespmem:$0x1FC30] =	vst v43  }
0x2b: {  	s10 =	sor.u32 $0x24, s14;
	v57 =	vmov s9;
	[tilespmem:$0x1FCF0] =	vst v55  }
0x2c: {  	s11 =	sor.u32 $0x25, s14;
	v60 =	vmov s10;
	[tilespmem:$0x1FD10] =	vst v57  }
0x2d: {  	s16 =	sor.u32 $0x27, s14;
	v61 =	vmov s11;
	[tilespmem:$0x1FD40] =	vst v60  }
0x2e: {  	s18 =	sor.u32 $0x2A, s14;
	v63 =	vmov s16;
	[tilespmem:$0x1FD50] =	vst v61  }
0x2f: {  	s19 =	sor.u32 $0x2B, s14;
	v6 =	vmov s18;
	[tilespmem:$0x1FD70] =	vst v63  }
0x30: {  	s20 =	sor.u32 $0x2C, s14;
	v7 =	vmov s19;
	[tilespmem:$0x1FDA0] =	vst v6  }
0x31: {  	s21 =	sor.u32 $0x2D, s14;
	v8 =	vmov s20;
	[tilespmem:$0x1FDB0] =	vst v7  }
0x32: {  	s22 =	sor.u32 $0x2E, s14;
	v9 =	vmov s21;
	[tilespmem:$0x1FDC0] =	vst v8  }
0x33: {  	s24 =	sor.u32 $0x30, s14;
	v10 =	vmov s22;
	[tilespmem:$0x1FDD0] =	vst v9  }
0x34: {  	s4 =	sadd.s32 $0x400, s4;
	s5 =	sshll.u32 s14, $0x7;
	s26 =	sor.u32 $0x31, s14;
	v32 =	vmov s24;
	[tilespmem:$0x1FDE0] =	vst v10  }
0x35: {  	s5 =	sadd.s32 s12, s5;
	s13 =	smax.u32 s13, $0x1;
	s25 =	sor.u32 $0x34, s14;
	v33 =	vmov s26;
	[tilespmem:$0x1FE00] =	vst v32  }
0x36: {  	s28 =	sor.u32 $0x35, s14;
	s17 =	sor.u32 $0x3A, s14;
	s31 =	sor.u32 $0x3B, s14;
	v36 =	vmov s25;
	[tilespmem:$0x1FE10] =	vst v33  }
0x37: {  	s23 =	sor.u32 $0x41, s14;
	s15 =	sor.u32 $0x56, s14;
	s29 =	sor.u32 $0x26, s14;
	v37 =	vmov s28;
	[tilespmem:$0x1FE40] =	vst v36  }
0x38: {  	s30 =	sor.u32 $0x32, s14;
	s9 =	sor.u32 $0x33, s14;
	s10 =	sor.u32 $0x36, s14;
	v42 =	vmov s17;
	[tilespmem:$0x1FE50] =	vst v37  }
0x39: {  	s11 =	sor.u32 $0x37, s14;
	s16 =	sor.u32 $0x39, s14;
	s18 =	sor.u32 $0x3C, s14;
	v49 =	vmov s23;
	[tilespmem:$0x1FEA0] =	vst v42  }
0x3a: {  	s19 =	sor.u32 $0x3D, s14;
	s20 =	sshll.u32 s24, $0x7;
	s21 =	sor.u32 $0x3F, s14;
	v62 =	vmov s29;
	[tilespmem:$0x1FF10] =	vst v49  }
0x3b: {  	s22 =	sor.u32 $0x40, s14;
	s24 =	sor.u32 $0x42, s14;
	s26 =	sor.u32 $0x44, s14;
	v34 =	vmov s30;
	[tilespmem:$0x1FD60] =	vst v62  }
0x3c: {  	s28 =	sor.u32 $0x45, s14;
	s17 =	sor.u32 $0x4B, s14;
	s23 =	sor.u32 $0x51, s14;
	v35 =	vmov s9;
	[tilespmem:$0x1FE20] =	vst v34  }
0x3d: {  	s25 =	sor.u32 $0x55, s14;
	v21 =	vmov s15;
	s15 =	sor.u32 $0x62, s14;
	s29 =	sor.u32 $0x38, s14;
	v38 =	vmov s10;
	[tilespmem:$0x1FE30] =	vst v35  }
0x3e: {  	s8 =	sadd.s32 s12, s20;
	s20 =	sor.u32 $0x3E, s14;
	s30 =	sor.u32 $0x43, s14;
	v39 =	vmov s11;
	v41 =	vmov s16;
	[tilespmem:$0x1FE60] =	vst v38  }
0x3f: {  	s10 =	sor.u32 $0x46, s14;
	s11 =	sor.u32 $0x47, s14;
	v43 =	vmov s31;
	s16 =	sor.u32 $0x49, s14;
	v44 =	vmov s18;
	v45 =	vmov s19;
	[tilespmem:$0x1FE70] =	vst v39  }
0x40: {  	s31 =	sor.u32 $0x4A, s14;
	s18 =	sor.u32 $0x4C, s14;
	s19 =	sor.u32 $0x4D, s14;
	v47 =	vmov s21;
	v48 =	vmov s22;
	v50 =	vmov s24;
	[tilespmem:$0x1FE90] =	vst v41  }
0x41: {  	s21 =	sor.u32 $0x4E, s14;
	v52 =	vmov s26;
	s24 =	sor.u32 $0x52, s14;
	v53 =	vmov s28;
	s26 =	sor.u32 $0x57, s14;
	v59 =	vmov s17;
	[tilespmem:$0x1FEB0] =	vst v43  }
0x42: {  	s28 =	sor.u32 $0x5A, s14;
	v16 =	vmov s23;
	s23 =	sor.u32 $0x5E, s14;
	v20 =	vmov s25;
	s25 =	sor.u32 $0x64, s14;
	v32 =	vmov s15;
	[tilespmem:$0x1FEC0] =	vst v44  }
0x43: {  	s15 =	simm.s32 $0x4;
	s17 =	simm.s32 $0x2080;
	v40 =	vmov s29;
	s29 =	sor.u32 $0x48, s14;
	[tilespmem:$0x1FED0] =	vst v45;
	v46 =	vmov s20;
	v51 =	vmov s30  }
0x44: {  	s20 =	sshll.u32 s22, $0x7;
	[tilespmem:$0x1FEF0] =	vst v47;
	s22 =	sor.u32 $0x4F, s14;
	s30 =	sor.u32 $0x50, s14;
	v54 =	vmov s10;
	v55 =	vmov s11;
	v57 =	vmov s16  }
0x45: {  	[tilespmem:$0x1FF00] =	vst v48;
	s10 =	sor.u32 $0x53, s14;
	s11 =	sor.u32 $0x54, s14;
	v58 =	vmov s31;
	s31 =	sor.u32 $0x58, s14;
	v60 =	vmov s18;
	v61 =	vmov s19  }
0x46: {  	[tilespmem:$0x1FF20] =	vst v50;
	s18 =	sor.u32 $0x59, s14;
	v62 =	vmov s21;
	v17 =	vmov s24;
	s24 =	sor.u32 $0x5F, s14;
	s21 =	sor.u32 $0x61, s14;
	v22 =	vmov s26  }
0x47: {  	[tilespmem:$0x1FF40] =	vst v52;
	s16 =	sor.u32 $0x63, s14;
	v25 =	vmov s28;
	s28 =	sor.u32 $0x66, s14;
	v29 =	vmov s23;
	s23 =	sor.u32 $0x6A, s14;
	v35 =	vmov s25  }
0x48: {  	[tilespmem:$0x1FF50] =	vst v53;
	s26 =	sor.u32 $0x6D, s14;
	s25 =	sor.u32 $0x6F, s14;
	s19 =	sor.u32 $0x7C, s14;
	v56 =	vmov s29;
	v63 =	vmov s22;
	v15 =	vmov s30  }
0x49: {  	[tilespmem:$0x1FFB0] =	vst v59;
	s9 =	sadd.s32 s12, s20;
	s29 =	sor.u32 $0x5B, s14;
	s20 =	sor.u32 $0x5C, s14;
	v18 =	vmov s10;
	v19 =	vmov s11;
	v23 =	vmov s31  }
0x4a: {  	[tilespmem:$0x1FE80] =	vst v40;
	s30 =	sshll.u32 s30, $0x7;
	s22 =	sor.u32 $0x5D, s14;
	s11 =	sor.u32 $0x60, s14;
	v24 =	vmov s18;
	v30 =	vmov s24;
	v31 =	vmov s21  }
0x4b: {  	[tilespmem:$0x1FEE0] =	vst v46;
	s31 =	sor.u32 $0x65, s14;
	s24 =	sor.u32 $0x6B, s14;
	s21 =	sor.u32 $0x6C, s14;
	v34 =	vmov s16;
	v37 =	vmov s28;
	v41 =	vmov s23  }
0x4c: {  	[tilespmem:$0x1FF30] =	vst v51;
	s16 =	sor.u32 $0x6E, s14;
	s28 =	sor.u32 $0x71, s14;
	s23 =	sor.u32 $0x75, s14;
	v44 =	vmov s26;
	v46 =	vmov s25;
	v51 =	vmov s14  }
0x4d: {  	[tilespmem:$0x1FFC0] =	vst v60;
	s26 =	sor.u32 $0x78, s14;
	s25 =	sor.u32 $0x7A, s14;
	s18 =	simm.s32 $0x6080;
	v60 =	vmov s19;
	v26 =	vmov s29;
	v27 =	vmov s20  }
0x4e: {  	[tilespmem:$0x1FF60] =	vst v54;
	s19 =	simm.s32 $0x1;
	s10 =	sadd.s32 s12, s30;
	s29 =	sor.u32 $0x67, s14;
	v28 =	vmov s22;
	v33 =	vmov s11;
	v36 =	vmov s31  }
0x4f: {  	[tilespmem:$0x1FF70] =	vst v55;
	s30 =	sor.u32 $0x68, s14;
	s22 =	sor.u32 $0x69, s14;
	s11 =	sshll.u32 s11, $0x7;
	v42 =	vmov s24;
	v43 =	vmov s21;
	v45 =	vmov s16  }
0x50: {  	[tilespmem:$0x1FF80] =	vst v56;
	s31 =	sor.u32 $0x70, s14;
	s24 =	sor.u32 $0x76, s14;
	s21 =	sor.u32 $0x77, s14;
	v47 =	vmov s28;
	v53 =	vmov s23;
	v56 =	vmov s26  }
0x51: {  	[tilespmem:$0x1FFA0] =	vst v58;
	s16 =	sor.u32 $0x79, s14;
	s28 =	sor.u32 $0x7B, s14;
	v58 =	vmov s25;
	s20 =	simm.s32 $0x2;
	v38 =	vmov s29;
	v39 =	vmov s30  }
0x52: {  	[tilespmem:$0x1FF90] =	vst v57;
	s11 =	sadd.s32 s12, s11;
	s29 =	sor.u32 $0x72, s14;
	s30 =	sor.u32 $0x73, s14;
	v40 =	vmov s22;
	v50 =	vmov s31;
	v54 =	vmov s24  }
0x53: {  	[tilespmem:$0x1FFD0] =	vst v61;
	s22 =	sor.u32 $0x74, s14;
	s31 =	sshll.u32 s31, $0x7;
	v55 =	vmov s21;
	v57 =	vmov s16;
	v48 =	vmov s29;
	s29 =	sor.u32 $0x7D, s14  }
0x54: {  	[tilespmem:$0x1FFE0] =	vst v62;
	v59 =	vmov s28;
	v49 =	vmov s30;
	s12 =	sadd.s32 s12, s31;
	s30 =	sor.u32 $0x7E, s14;
	s31 =	sor.u32 $0x7F, s14;
	v52 =	vmov s22  }
0x55: {  	[tilespmem:$0x1FFF0] =	vst v63;
	s16 =	simm.s32 $0x3;
	s21 =	simm.s32 $0x0;
	s14 =	simm.s32 $0x2000;
	v61 =	vmov s29;
	v62 =	vmov s30;
	v63 =	vmov s31  }
.LBB2_1:
0x56: {  	[tilespmem:s3], [sflag:$0x3] =	stream.linear.gather [hbm4b:s1+s3], $0x2000, $0x38;
	[tilespmem:$0xA080] =	vst v63  }
0x57: {  	_ = 	snop  }
0x58: {  	[tilespmem:s14], [sflag:$0x4] =	stream.linear.gather [hbm4b:s4+s3], $0x80, $0x38;
	[tilespmem:$0xA080] =	vst v63  }
0x59: {  	_ =	swait.ge [sflag:s15], $0x80  }
0x5a: {  	[sflag:s15] =	ssyncset.done $0x0  }
0x5b: {  	[sflag:s15] =	ssyncadd.s32 $0xFFFFFF80  }
0x5c: {  	v0 =	vld [tilespmem:$0x2000];
	_ =	swait.ge [sflag:s16], $0x2000  }
0x5d: {  	v2 =	vld [tilespmem:$0x1FBE0];
	_ =	sdelay $0x4  }
0x5e: {  	vm12 =	vlt.s32 v2, v0;
	v2 =	vld [tilespmem:$0x1FBD0];
	_ =	sdelay $0x4  }
0x5f: {  	vm11 =	vlt.s32 v2, v0;
	v2 =	vld [tilespmem:$0x1FBC0];
	_ =	sdelay $0x4  }
0x60: {  	vm9 =	vlt.s32 v2, v0;
	v2 =	vld [tilespmem:$0x1FBB0];
	_ =	sdelay $0x4  }
0x61: {  	vm10 =	vlt.s32 v2, v0;
	v2 =	vld [tilespmem:$0x1FBA0];
	_ =	sdelay $0x4  }
0x62: {  	vm8 =	vlt.s32 v2, v0;
	v2 =	vld [tilespmem:$0x1FB90];
	_ =	sdelay $0x4  }
0x63: {  	vm7 =	vlt.s32 v2, v0;
	v2 =	vld [tilespmem:$0x1FB80];
	_ =	sdelay $0x4  }
0x64: {  	vm6 =	vlt.s32 v2, v0;
	v2 =	vld [tilespmem:$0x1FB70];
	_ =	sdelay $0x4  }
0x65: {  	vm5 =	vlt.s32 v2, v0;
	v2 =	vld [tilespmem:$0x1FB60];
	_ =	sdelay $0x4  }
0x66: {  	vm4 =	vlt.s32 v2, v0;
	v2 =	vld [tilespmem:$0x1FB50];
	_ =	sdelay $0x4  }
0x67: {  	vm3 =	vlt.s32 v2, v0;
	v2 =	vld [tilespmem:$0x1FB40];
	_ =	sdelay $0x4  }
0x68: {  	vm2 =	vlt.s32 v2, v0;
	v2 =	vld [tilespmem:$0x1FB30];
	_ =	sdelay $0x4  }
0x69: {  	vm1 =	vlt.s32 v2, v0;
	v2 =	vld [tilespmem:$0x1FB20]  }
0x6a: {  	v1 =	vld [tilespmem:$0x1FBF0]  }
0x6b: {  	s22 =	sand.u32 $0x70, s3;
	s23 =	sand.u32 $0x1C00, s3;
	[sflag:s16] =	ssyncset.done $0x0  }
0x6c: {  	s22 =	sor.u32 s22, s23;
	[sflag:s16] =	ssyncadd.s32 $0xFFFFE000  }
0x6d: {  	v3 =	vld [tilespmem:s22+$0x180]  }
0x6e: {  	vm0 =	vlt.s32 v2, v0;
	v2 =	vld [tilespmem:$0x1FB10]  }
0x6f: {  	vm13 =	vlt.s32 v1, v0;
	v1 =	vld [tilespmem:s22+$0x0];
	_ =	sdelay $0x3  }
0x70: {  	s24 =	simm.s32 $0x2080;
	vm15 =	vlt.s32 v51, v0;
	vm14 =	vlt.s32 v2, v0  }
0x71: {  	s25 =	simm.s32 $0x0;
	s23 =	simm.s32 $0x10;
	s22 =	sand.u32 $0x3F0, s3;
	v5 =	vsel vm15, v1, v3;
	v4 =	vsel vm13, v1, v3;
	v2 =	vsel vm14, v1, v3  }
.LBB2_2:
0x72: {  	s26 =	sand.u32 $0x3F0, s23;
	[tilespmem:s24+$0x0] =	vst v5;
	v5 =	vsel vm0, v1, v3;
	v6 =	vsel vm11, v1, v3;
	v7 =	vsel vm12, v1, v3;
	s25 =	sadd.s32 $0x80, s25;
	s24 =	sadd.s32 $0x10, s24  }
0x73: {  	p0 =	sne.s32 s23, $0x3F0;
	v8 =	vsel vm8, v1, v3;
	v9 =	vsel vm10, v1, v3;
	v10 =	vsel vm9, v1, v3;
	s28 =	smov.u32 s23;
	s23 =	sadd.s32 $0x10, s23;
	[tilespmem:s22+$0x5C80] =	vst v4  }
0x74: {  	v11 =	vsel vm6, v1, v3;
	v12 =	vsel vm7, v1, v3;
	v4 =	vsel vm5, v1, v3;
	[tilespmem:s22+$0x5880] =	vst v7  }
0x75: {  	v13 =	vsel vm3, v1, v3;
	v14 =	vsel vm4, v1, v3;
	v7 =	vsel vm2, v1, v3;
	[tilespmem:s22+$0x5480] =	vst v6  }
0x76: {  	v1 =	vsel vm1, v1, v3;
	[tilespmem:s22+$0x5080] =	vst v10  }
0x77: {  	[tilespmem:s22+$0x4C80] =	vst v9  }
0x78: {  	[tilespmem:s22+$0x4880] =	vst v8  }
0x79: {  	[tilespmem:s22+$0x4480] =	vst v12  }
0x7a: {  	[tilespmem:s22+$0x4080] =	vst v11  }
0x7b: {  	[tilespmem:s22+$0x3C80] =	vst v4  }
0x7c: {  	[tilespmem:s22+$0x3880] =	vst v14  }
0x7d: {  	[tilespmem:s22+$0x3480] =	vst v13  }
0x7e: {  	[tilespmem:s22+$0x3080] =	vst v7  }
0x7f: {  	[tilespmem:s22+$0x2C80] =	vst v1  }
0x80: {  	s28 =	sand.u32 $0x70, s28;
	s29 =	sand.u32 $0x1C00, s25;
	[tilespmem:s22+$0x2480] =	vst v2  }
0x81: {  	s28 =	sor.u32 s28, s29;
	[tilespmem:s22+$0x2880] =	vst v5;
	s22 =	smov.u32 s26  }
0x82: {  	v1 =	vld [tilespmem:s28+$0x0]  }
0x83: {  	v3 =	vld [tilespmem:s28+$0x180]  }
.Ltmp0:
0x84: {  	(pc) =	sbr.rel @p0 .LBB2_2-.Ltmp0, $2  }
0x85: {  	_ =	sdelay $0x2  }
0x86: {  	v5 =	vsel vm15, v1, v3;
	v2 =	vsel vm14, v1, v3;
	v4 =	vsel vm13, v1, v3  }
0x87: {  	[tilespmem:s24+$0x0] =	vst v5  }
0x88: {  	v5 =	vsel vm12, v1, v3;
	[tilespmem:s22+$0x5C80] =	vst v4  }
0x89: {  	v4 =	vsel vm11, v1, v3;
	[tilespmem:s22+$0x5880] =	vst v5  }
0x8a: {  	v5 =	vsel vm9, v1, v3;
	[tilespmem:s22+$0x5480] =	vst v4  }
0x8b: {  	v4 =	vsel vm10, v1, v3;
	[tilespmem:s22+$0x5080] =	vst v5  }
0x8c: {  	v5 =	vsel vm8, v1, v3;
	[tilespmem:s22+$0x4C80] =	vst v4  }
0x8d: {  	v4 =	vsel vm7, v1, v3;
	[tilespmem:s22+$0x4880] =	vst v5  }
0x8e: {  	v5 =	vsel vm6, v1, v3;
	[tilespmem:s22+$0x4480] =	vst v4  }
0x8f: {  	v4 =	vsel vm5, v1, v3;
	[tilespmem:s22+$0x4080] =	vst v5  }
0x90: {  	v5 =	vsel vm4, v1, v3;
	[tilespmem:s22+$0x3C80] =	vst v4  }
0x91: {  	v4 =	vsel vm3, v1, v3;
	[tilespmem:s22+$0x3880] =	vst v5  }
0x92: {  	v5 =	vsel vm2, v1, v3;
	[tilespmem:s22+$0x3480] =	vst v4;
	v4 =	vsel vm1, v1, v3;
	v1 =	vsel vm0, v1, v3;
	v3 =	vld [tilespmem:$0x1FCB0];
	_ =	sdelay $0x4  }
0x93: {  	vm10 =	vlt.s32 v3, v0;
	v3 =	vld [tilespmem:$0x1FCA0];
	_ =	sdelay $0x4  }
0x94: {  	vm8 =	vlt.s32 v3, v0;
	v3 =	vld [tilespmem:$0x1FC90];
	_ =	sdelay $0x4  }
0x95: {  	vm7 =	vlt.s32 v3, v0;
	v3 =	vld [tilespmem:$0x1FC80];
	_ =	sdelay $0x4  }
0x96: {  	vm6 =	vlt.s32 v3, v0;
	v3 =	vld [tilespmem:$0x1FC70];
	_ =	sdelay $0x4  }
0x97: {  	vm5 =	vlt.s32 v3, v0;
	v3 =	vld [tilespmem:$0x1FC60];
	_ =	sdelay $0x4  }
0x98: {  	vm4 =	vlt.s32 v3, v0;
	v3 =	vld [tilespmem:$0x1FC50];
	_ =	sdelay $0x4  }
0x99: {  	vm3 =	vlt.s32 v3, v0;
	v3 =	vld [tilespmem:$0x1FC40];
	_ =	sdelay $0x4  }
0x9a: {  	vm2 =	vlt.s32 v3, v0;
	v3 =	vld [tilespmem:$0x1FC30]  }
0x9b: {  	[tilespmem:s22+$0x2480] =	vst v2;
	v2 =	vld [tilespmem:$0x1FCE0];
	_ =	sdelay $0x3  }
0x9c: {  	vm1 =	vlt.s32 v3, v0;
	v3 =	vld [tilespmem:$0x1FC20]  }
0x9d: {  	vm12 =	vlt.s32 v2, v0;
	v2 =	vld [tilespmem:$0x1FCD0];
	_ =	sdelay $0x2  }
0x9e: {  	[tilespmem:s22+$0x2880] =	vst v1;
	v1 =	vld [tilespmem:$0x1FCF0]  }
0x9f: {  	s23 =	simm.s32 $0x0;
	vm0 =	vlt.s32 v3, v0;
	v3 =	vld [tilespmem:$0x1FC10]  }
0xa0: {  	s30 =	sand.u32 $0x70, s23;
	s31 =	sand.u32 $0x1C00, s23;
	[tilespmem:s22+$0x3080] =	vst v5;
	vm11 =	vlt.s32 v2, v0;
	v2 =	vld [tilespmem:$0x1FCC0]  }
0xa1: {  	[tilespmem:s22+$0x2C80] =	vst v4;
	s22 =	sor.u32 s30, s31  }
0xa2: {  	[hbm4b:s5+s23] =	stream.linear.scatter [tilespmem:s17], [sflag:$0x1], $0x4000, $0x38;
	[tilespmem:$0xA080] =	vst v63  }
0xa3: {  	vm13 =	vlt.s32 v1, v0;
	v1 =	vld [tilespmem:s22+$0x0]  }
0xa4: {  	vm14 =	vlt.s32 v3, v0;
	v3 =	vld [tilespmem:$0x1FC00]  }
0xa5: {  	vm9 =	vlt.s32 v2, v0;
	v2 =	vld [tilespmem:s22+$0x180];
	_ =	sdelay $0x3  }
0xa6: {  	vm15 =	vlt.s32 v3, v0  }
0xa7: {  	s24 =	simm.s32 $0x6080;
	s25 =	simm.s32 $0x10;
	s22 =	sand.u32 $0x3F0, s23;
	v4 =	vsel vm13, v1, v2;
	v3 =	vsel vm14, v1, v2;
	v5 =	vsel vm15, v1, v2  }
.LBB2_4:
0xa8: {  	s26 =	sand.u32 $0x3F0, s25;
	[tilespmem:s24+$0x0] =	vst v5;
	v5 =	vsel vm0, v1, v2;
	v6 =	vsel vm11, v1, v2;
	v7 =	vsel vm12, v1, v2;
	s23 =	sadd.s32 $0x80, s23;
	s24 =	sadd.s32 $0x10, s24  }
0xa9: {  	p0 =	sne.s32 s25, $0x3F0;
	v8 =	vsel vm8, v1, v2;
	v9 =	vsel vm10, v1, v2;
	v10 =	vsel vm9, v1, v2;
	s28 =	smov.u32 s25;
	s25 =	sadd.s32 $0x10, s25;
	[tilespmem:s22+$0x9C80] =	vst v4  }
0xaa: {  	v11 =	vsel vm6, v1, v2;
	v12 =	vsel vm7, v1, v2;
	v4 =	vsel vm5, v1, v2;
	[tilespmem:s22+$0x9880] =	vst v7  }
0xab: {  	v13 =	vsel vm3, v1, v2;
	v14 =	vsel vm4, v1, v2;
	v7 =	vsel vm2, v1, v2;
	[tilespmem:s22+$0x9480] =	vst v6  }
0xac: {  	v1 =	vsel vm1, v1, v2;
	[tilespmem:s22+$0x9080] =	vst v10  }
0xad: {  	[tilespmem:s22+$0x8C80] =	vst v9  }
0xae: {  	[tilespmem:s22+$0x8880] =	vst v8  }
0xaf: {  	[tilespmem:s22+$0x8480] =	vst v12  }
0xb0: {  	[tilespmem:s22+$0x8080] =	vst v11  }
0xb1: {  	[tilespmem:s22+$0x7C80] =	vst v4  }
0xb2: {  	[tilespmem:s22+$0x7880] =	vst v14  }
0xb3: {  	[tilespmem:s22+$0x7480] =	vst v13  }
0xb4: {  	[tilespmem:s22+$0x7080] =	vst v7  }
0xb5: {  	[tilespmem:s22+$0x6C80] =	vst v1  }
0xb6: {  	s28 =	sand.u32 $0x70, s28;
	s29 =	sand.u32 $0x1C00, s23;
	[tilespmem:s22+$0x6480] =	vst v3  }
0xb7: {  	s28 =	sor.u32 s28, s29;
	[tilespmem:s22+$0x6880] =	vst v5;
	s22 =	smov.u32 s26  }
0xb8: {  	v1 =	vld [tilespmem:s28+$0x0]  }
0xb9: {  	v2 =	vld [tilespmem:s28+$0x180]  }
.Ltmp1:
0xba: {  	(pc) =	sbr.rel @p0 .LBB2_4-.Ltmp1, $2  }
0xbb: {  	_ =	sdelay $0x2  }
0xbc: {  	v5 =	vsel vm15, v1, v2;
	v3 =	vsel vm14, v1, v2;
	v4 =	vsel vm13, v1, v2  }
0xbd: {  	[tilespmem:s24+$0x0] =	vst v5  }
0xbe: {  	v5 =	vsel vm12, v1, v2;
	[tilespmem:s22+$0x9C80] =	vst v4  }
0xbf: {  	[tilespmem:s22+$0x9880] =	vst v5  }
0xc0: {  	v4 =	vsel vm11, v1, v2;
	[tilespmem:s22+$0x6480] =	vst v3  }
0xc1: {  	v5 =	vsel vm9, v1, v2;
	[tilespmem:s22+$0x9480] =	vst v4  }
0xc2: {  	v4 =	vsel vm10, v1, v2;
	[tilespmem:s22+$0x9080] =	vst v5  }
0xc3: {  	v5 =	vsel vm8, v1, v2;
	[tilespmem:s22+$0x8C80] =	vst v4  }
0xc4: {  	v4 =	vsel vm7, v1, v2;
	[tilespmem:s22+$0x8880] =	vst v5  }
0xc5: {  	v5 =	vsel vm6, v1, v2;
	[tilespmem:s22+$0x8480] =	vst v4  }
0xc6: {  	v4 =	vsel vm5, v1, v2;
	[tilespmem:s22+$0x8080] =	vst v5  }
0xc7: {  	v5 =	vsel vm4, v1, v2;
	[tilespmem:s22+$0x7C80] =	vst v4  }
0xc8: {  	v4 =	vsel vm3, v1, v2;
	[tilespmem:s22+$0x7880] =	vst v5  }
0xc9: {  	v5 =	vsel vm2, v1, v2;
	[tilespmem:s22+$0x7480] =	vst v4  }
0xca: {  	v4 =	vsel vm1, v1, v2;
	[tilespmem:s22+$0x7080] =	vst v5  }
0xcb: {  	v1 =	vsel vm0, v1, v2;
	[tilespmem:s22+$0x6C80] =	vst v4  }
0xcc: {  	s23 =	simm.s32 $0x0;
	[tilespmem:s22+$0x6880] =	vst v1  }
0xcd: {  	[hbm4b:s6+s23] =	stream.linear.scatter [tilespmem:s18], [sflag:$0x2], $0x4000, $0x38;
	[tilespmem:$0xA080] =	vst v63  }
0xce: {  	_ =	swait.ge [sflag:s19], $0x4000  }
0xcf: {  	v3 =	vld [tilespmem:$0x1FD60];
	_ =	sdelay $0x4  }
0xd0: {  	vm4 =	vlt.s32 v3, v0;
	v3 =	vld [tilespmem:$0x1FD50];
	_ =	sdelay $0x4  }
0xd1: {  	vm3 =	vlt.s32 v3, v0;
	v3 =	vld [tilespmem:$0x1FD40];
	_ =	sdelay $0x4  }
0xd2: {  	vm2 =	vlt.s32 v3, v0;
	v3 =	vld [tilespmem:$0x1FD90];
	_ =	sdelay $0x4  }
0xd3: {  	vm10 =	vlt.s32 v3, v0;
	v3 =	vld [tilespmem:$0x1FD80];
	_ =	sdelay $0x4  }
0xd4: {  	vm9 =	vlt.s32 v3, v0;
	v3 =	vld [tilespmem:$0x1FD70];
	_ =	sdelay $0x4  }
0xd5: {  	vm8 =	vlt.s32 v3, v0;
	v3 =	vld [tilespmem:$0x1FDD0];
	_ =	sdelay $0x4  }
0xd6: {  	vm11 =	vlt.s32 v3, v0;
	v3 =	vld [tilespmem:$0x1FD20];
	_ =	sdelay $0x4  }
0xd7: {  	vm1 =	vlt.s32 v3, v0;
	v3 =	vld [tilespmem:$0x1FD00]  }
0xd8: {  	v2 =	vld [tilespmem:$0x1FDB0];
	_ =	sdelay $0x3  }
0xd9: {  	vm13 =	vlt.s32 v3, v0;
	v3 =	vld [tilespmem:$0x1FDF0]  }
0xda: {  	vm6 =	vlt.s32 v2, v0;
	v2 =	vld [tilespmem:$0x1FDA0];
	_ =	sdelay $0x2  }
0xdb: {  	v1 =	vld [tilespmem:$0x1FDC0]  }
0xdc: {  	vm14 =	vlt.s32 v3, v0;
	v3 =	vld [tilespmem:$0x1FDE0]  }
0xdd: {  	vm5 =	vlt.s32 v2, v0;
	v2 =	vld [tilespmem:$0x1FD30]  }
0xde: {  	s30 =	sand.u32 $0x70, s23;
	s31 =	sand.u32 $0x1C00, s23;
	[sflag:s19] =	ssyncset.done $0x0  }
0xdf: {  	s22 =	sor.u32 s30, s31;
	[sflag:s19] =	ssyncadd.s32 $0xFFFFC000  }
0xe0: {  	vm7 =	vlt.s32 v1, v0;
	v1 =	vld [tilespmem:s22+$0x0]  }
0xe1: {  	vm12 =	vlt.s32 v3, v0;
	v3 =	vld [tilespmem:$0x1FD10]  }
0xe2: {  	vm0 =	vlt.s32 v2, v0;
	v2 =	vld [tilespmem:s22+$0x180];
	_ =	sdelay $0x3  }
0xe3: {  	vm15 =	vlt.s32 v3, v0  }
0xe4: {  	s24 =	simm.s32 $0x2080;
	s25 =	simm.s32 $0x10;
	s22 =	sand.u32 $0x3F0, s23;
	v5 =	vsel vm13, v1, v2;
	v4 =	vsel vm14, v1, v2;
	v3 =	vsel vm15, v1, v2  }
.LBB2_6:
0xe5: {  	s26 =	sand.u32 $0x3F0, s25;
	[tilespmem:s24+$0x0] =	vst v5;
	v5 =	vsel vm1, v1, v2;
	v6 =	vsel vm11, v1, v2;
	v7 =	vsel vm12, v1, v2;
	s23 =	sadd.s32 $0x80, s23;
	s24 =	sadd.s32 $0x10, s24  }
0xe6: {  	p0 =	sne.s32 s25, $0x3F0;
	v8 =	vsel vm5, v1, v2;
	v9 =	vsel vm6, v1, v2;
	v10 =	vsel vm7, v1, v2;
	s28 =	smov.u32 s25;
	s25 =	sadd.s32 $0x10, s25;
	[tilespmem:s22+$0x5C80] =	vst v4  }
0xe7: {  	v11 =	vsel vm9, v1, v2;
	v12 =	vsel vm10, v1, v2;
	v4 =	vsel vm8, v1, v2;
	[tilespmem:s22+$0x5880] =	vst v7  }
0xe8: {  	v13 =	vsel vm3, v1, v2;
	v14 =	vsel vm4, v1, v2;
	v7 =	vsel vm2, v1, v2;
	[tilespmem:s22+$0x5480] =	vst v6  }
0xe9: {  	v1 =	vsel vm0, v1, v2;
	[tilespmem:s22+$0x5080] =	vst v10  }
0xea: {  	[tilespmem:s22+$0x4C80] =	vst v9  }
0xeb: {  	[tilespmem:s22+$0x4880] =	vst v8  }
0xec: {  	[tilespmem:s22+$0x4480] =	vst v12  }
0xed: {  	[tilespmem:s22+$0x4080] =	vst v11  }
0xee: {  	[tilespmem:s22+$0x3C80] =	vst v4  }
0xef: {  	[tilespmem:s22+$0x3880] =	vst v14  }
0xf0: {  	[tilespmem:s22+$0x3480] =	vst v13  }
0xf1: {  	[tilespmem:s22+$0x3080] =	vst v7  }
0xf2: {  	[tilespmem:s22+$0x2C80] =	vst v1  }
0xf3: {  	s28 =	sand.u32 $0x70, s28;
	s29 =	sand.u32 $0x1C00, s23;
	[tilespmem:s22+$0x2480] =	vst v3  }
0xf4: {  	s28 =	sor.u32 s28, s29;
	[tilespmem:s22+$0x2880] =	vst v5;
	s22 =	smov.u32 s26  }
0xf5: {  	v1 =	vld [tilespmem:s28+$0x0]  }
0xf6: {  	v2 =	vld [tilespmem:s28+$0x180]  }
.Ltmp2:
0xf7: {  	(pc) =	sbr.rel @p0 .LBB2_6-.Ltmp2, $2  }
0xf8: {  	_ =	sdelay $0x2  }
0xf9: {  	v5 =	vsel vm13, v1, v2;
	v3 =	vsel vm15, v1, v2;
	v4 =	vsel vm14, v1, v2  }
0xfa: {  	[tilespmem:s24+$0x0] =	vst v5  }
0xfb: {  	v5 =	vsel vm12, v1, v2;
	[tilespmem:s22+$0x5C80] =	vst v4  }
0xfc: {  	[tilespmem:s22+$0x5880] =	vst v5  }
0xfd: {  	v4 =	vsel vm11, v1, v2;
	[tilespmem:s22+$0x2480] =	vst v3  }
0xfe: {  	v5 =	vsel vm7, v1, v2;
	[tilespmem:s22+$0x5480] =	vst v4  }
0xff: {  	v4 =	vsel vm6, v1, v2;
	[tilespmem:s22+$0x5080] =	vst v5  }
0x100: {  	v5 =	vsel vm5, v1, v2;
	[tilespmem:s22+$0x4C80] =	vst v4  }
0x101: {  	v4 =	vsel vm10, v1, v2;
	[tilespmem:s22+$0x4880] =	vst v5  }
0x102: {  	v5 =	vsel vm9, v1, v2;
	[tilespmem:s22+$0x4480] =	vst v4  }
0x103: {  	v4 =	vsel vm8, v1, v2;
	[tilespmem:s22+$0x4080] =	vst v5  }
0x104: {  	v5 =	vsel vm4, v1, v2;
	[tilespmem:s22+$0x3C80] =	vst v4  }
0x105: {  	v4 =	vsel vm3, v1, v2;
	[tilespmem:s22+$0x3880] =	vst v5  }
0x106: {  	v5 =	vsel vm2, v1, v2;
	[tilespmem:s22+$0x3480] =	vst v4  }
0x107: {  	v4 =	vsel vm0, v1, v2;
	[tilespmem:s22+$0x3080] =	vst v5  }
0x108: {  	v1 =	vsel vm1, v1, v2;
	[tilespmem:s22+$0x2C80] =	vst v4  }
0x109: {  	s23 =	simm.s32 $0x0;
	[tilespmem:s22+$0x2880] =	vst v1  }
0x10a: {  	[hbm4b:s7+s23] =	stream.linear.scatter [tilespmem:s17], [sflag:$0x1], $0x4000, $0x38;
	[tilespmem:$0xA080] =	vst v63  }
0x10b: {  	_ =	swait.ge [sflag:s20], $0x4000  }
0x10c: {  	v3 =	vld [tilespmem:$0x1FE60];
	_ =	sdelay $0x4  }
0x10d: {  	vm4 =	vlt.s32 v3, v0;
	v3 =	vld [tilespmem:$0x1FE50];
	_ =	sdelay $0x4  }
0x10e: {  	vm3 =	vlt.s32 v3, v0;
	v3 =	vld [tilespmem:$0x1FE40];
	_ =	sdelay $0x4  }
0x10f: {  	vm2 =	vlt.s32 v3, v0;
	v3 =	vld [tilespmem:$0x1FE90];
	_ =	sdelay $0x4  }
0x110: {  	vm10 =	vlt.s32 v3, v0;
	v3 =	vld [tilespmem:$0x1FE80];
	_ =	sdelay $0x4  }
0x111: {  	vm9 =	vlt.s32 v3, v0;
	v3 =	vld [tilespmem:$0x1FE70];
	_ =	sdelay $0x4  }
0x112: {  	vm8 =	vlt.s32 v3, v0;
	v3 =	vld [tilespmem:$0x1FED0];
	_ =	sdelay $0x4  }
0x113: {  	vm11 =	vlt.s32 v3, v0;
	v3 =	vld [tilespmem:$0x1FE20];
	_ =	sdelay $0x4  }
0x114: {  	vm1 =	vlt.s32 v3, v0;
	v3 =	vld [tilespmem:$0x1FE00]  }
0x115: {  	v2 =	vld [tilespmem:$0x1FEB0];
	_ =	sdelay $0x3  }
0x116: {  	vm13 =	vlt.s32 v3, v0;
	v3 =	vld [tilespmem:$0x1FEF0]  }
0x117: {  	vm6 =	vlt.s32 v2, v0;
	v2 =	vld [tilespmem:$0x1FEA0];
	_ =	sdelay $0x2  }
0x118: {  	v1 =	vld [tilespmem:$0x1FEC0]  }
0x119: {  	vm14 =	vlt.s32 v3, v0;
	v3 =	vld [tilespmem:$0x1FEE0]  }
0x11a: {  	vm5 =	vlt.s32 v2, v0;
	v2 =	vld [tilespmem:$0x1FE30]  }
0x11b: {  	s30 =	sand.u32 $0x70, s23;
	s31 =	sand.u32 $0x1C00, s23;
	[sflag:s20] =	ssyncset.done $0x0  }
0x11c: {  	s22 =	sor.u32 s30, s31;
	[sflag:s20] =	ssyncadd.s32 $0xFFFFC000  }
0x11d: {  	vm7 =	vlt.s32 v1, v0;
	v1 =	vld [tilespmem:s22+$0x0]  }
0x11e: {  	vm12 =	vlt.s32 v3, v0;
	v3 =	vld [tilespmem:$0x1FE10]  }
0x11f: {  	vm0 =	vlt.s32 v2, v0;
	v2 =	vld [tilespmem:s22+$0x180];
	_ =	sdelay $0x3  }
0x120: {  	vm15 =	vlt.s32 v3, v0  }
0x121: {  	s24 =	simm.s32 $0x6080;
	s25 =	simm.s32 $0x10;
	s22 =	sand.u32 $0x3F0, s23;
	v5 =	vsel vm13, v1, v2;
	v4 =	vsel vm14, v1, v2;
	v3 =	vsel vm15, v1, v2  }
.LBB2_8:
0x122: {  	s26 =	sand.u32 $0x3F0, s25;
	[tilespmem:s24+$0x0] =	vst v5;
	v5 =	vsel vm1, v1, v2;
	v6 =	vsel vm11, v1, v2;
	v7 =	vsel vm12, v1, v2;
	s23 =	sadd.s32 $0x80, s23;
	s24 =	sadd.s32 $0x10, s24  }
0x123: {  	p0 =	sne.s32 s25, $0x3F0;
	v8 =	vsel vm5, v1, v2;
	v9 =	vsel vm6, v1, v2;
	v10 =	vsel vm7, v1, v2;
	s28 =	smov.u32 s25;
	s25 =	sadd.s32 $0x10, s25;
	[tilespmem:s22+$0x9C80] =	vst v4  }
0x124: {  	v11 =	vsel vm9, v1, v2;
	v12 =	vsel vm10, v1, v2;
	v4 =	vsel vm8, v1, v2;
	[tilespmem:s22+$0x9880] =	vst v7  }
0x125: {  	v13 =	vsel vm3, v1, v2;
	v14 =	vsel vm4, v1, v2;
	v7 =	vsel vm2, v1, v2;
	[tilespmem:s22+$0x9480] =	vst v6  }
0x126: {  	v1 =	vsel vm0, v1, v2;
	[tilespmem:s22+$0x9080] =	vst v10  }
0x127: {  	[tilespmem:s22+$0x8C80] =	vst v9  }
0x128: {  	[tilespmem:s22+$0x8880] =	vst v8  }
0x129: {  	[tilespmem:s22+$0x8480] =	vst v12  }
0x12a: {  	[tilespmem:s22+$0x8080] =	vst v11  }
0x12b: {  	[tilespmem:s22+$0x7C80] =	vst v4  }
0x12c: {  	[tilespmem:s22+$0x7880] =	vst v14  }
0x12d: {  	[tilespmem:s22+$0x7480] =	vst v13  }
0x12e: {  	[tilespmem:s22+$0x7080] =	vst v7  }
0x12f: {  	[tilespmem:s22+$0x6C80] =	vst v1  }
0x130: {  	s28 =	sand.u32 $0x70, s28;
	s29 =	sand.u32 $0x1C00, s23;
	[tilespmem:s22+$0x6480] =	vst v3  }
0x131: {  	s28 =	sor.u32 s28, s29;
	[tilespmem:s22+$0x6880] =	vst v5;
	s22 =	smov.u32 s26  }
0x132: {  	v1 =	vld [tilespmem:s28+$0x0]  }
0x133: {  	v2 =	vld [tilespmem:s28+$0x180]  }
.Ltmp3:
0x134: {  	(pc) =	sbr.rel @p0 .LBB2_8-.Ltmp3, $2  }
0x135: {  	_ =	sdelay $0x2  }
0x136: {  	v5 =	vsel vm13, v1, v2;
	v3 =	vsel vm15, v1, v2;
	v4 =	vsel vm14, v1, v2  }
0x137: {  	[tilespmem:s24+$0x0] =	vst v5  }
0x138: {  	v5 =	vsel vm12, v1, v2;
	[tilespmem:s22+$0x9C80] =	vst v4  }
0x139: {  	[tilespmem:s22+$0x9880] =	vst v5  }
0x13a: {  	v4 =	vsel vm11, v1, v2;
	[tilespmem:s22+$0x6480] =	vst v3  }
0x13b: {  	v5 =	vsel vm7, v1, v2;
	[tilespmem:s22+$0x9480] =	vst v4  }
0x13c: {  	v4 =	vsel vm6, v1, v2;
	[tilespmem:s22+$0x9080] =	vst v5  }
0x13d: {  	v5 =	vsel vm5, v1, v2;
	[tilespmem:s22+$0x8C80] =	vst v4  }
0x13e: {  	v4 =	vsel vm10, v1, v2;
	[tilespmem:s22+$0x8880] =	vst v5  }
0x13f: {  	v5 =	vsel vm9, v1, v2;
	[tilespmem:s22+$0x8480] =	vst v4  }
0x140: {  	v4 =	vsel vm8, v1, v2;
	[tilespmem:s22+$0x8080] =	vst v5  }
0x141: {  	v5 =	vsel vm4, v1, v2;
	[tilespmem:s22+$0x7C80] =	vst v4  }
0x142: {  	v4 =	vsel vm3, v1, v2;
	[tilespmem:s22+$0x7880] =	vst v5  }
0x143: {  	v5 =	vsel vm2, v1, v2;
	[tilespmem:s22+$0x7480] =	vst v4  }
0x144: {  	v4 =	vsel vm0, v1, v2;
	[tilespmem:s22+$0x7080] =	vst v5  }
0x145: {  	v1 =	vsel vm1, v1, v2;
	[tilespmem:s22+$0x6C80] =	vst v4  }
0x146: {  	s23 =	simm.s32 $0x0;
	[tilespmem:s22+$0x6880] =	vst v1  }
0x147: {  	[hbm4b:s8+s23] =	stream.linear.scatter [tilespmem:s18], [sflag:$0x2], $0x4000, $0x38;
	[tilespmem:$0xA080] =	vst v63  }
0x148: {  	_ =	swait.ge [sflag:s19], $0x4000  }
0x149: {  	v3 =	vld [tilespmem:$0x1FF60];
	_ =	sdelay $0x4  }
0x14a: {  	vm4 =	vlt.s32 v3, v0;
	v3 =	vld [tilespmem:$0x1FF50];
	_ =	sdelay $0x4  }
0x14b: {  	vm3 =	vlt.s32 v3, v0;
	v3 =	vld [tilespmem:$0x1FF40];
	_ =	sdelay $0x4  }
0x14c: {  	vm2 =	vlt.s32 v3, v0;
	v3 =	vld [tilespmem:$0x1FF90];
	_ =	sdelay $0x4  }
0x14d: {  	vm10 =	vlt.s32 v3, v0;
	v3 =	vld [tilespmem:$0x1FF80];
	_ =	sdelay $0x4  }
0x14e: {  	vm9 =	vlt.s32 v3, v0;
	v3 =	vld [tilespmem:$0x1FF70];
	_ =	sdelay $0x4  }
0x14f: {  	vm8 =	vlt.s32 v3, v0;
	v3 =	vld [tilespmem:$0x1FFD0];
	_ =	sdelay $0x4  }
0x150: {  	vm11 =	vlt.s32 v3, v0;
	v3 =	vld [tilespmem:$0x1FF20];
	_ =	sdelay $0x4  }
0x151: {  	vm1 =	vlt.s32 v3, v0;
	v3 =	vld [tilespmem:$0x1FF00]  }
0x152: {  	v2 =	vld [tilespmem:$0x1FFB0];
	_ =	sdelay $0x3  }
0x153: {  	vm13 =	vlt.s32 v3, v0;
	v3 =	vld [tilespmem:$0x1FFF0]  }
0x154: {  	vm6 =	vlt.s32 v2, v0;
	v2 =	vld [tilespmem:$0x1FFA0];
	_ =	sdelay $0x2  }
0x155: {  	v1 =	vld [tilespmem:$0x1FFC0]  }
0x156: {  	vm14 =	vlt.s32 v3, v0;
	v3 =	vld [tilespmem:$0x1FFE0]  }
0x157: {  	vm5 =	vlt.s32 v2, v0;
	v2 =	vld [tilespmem:$0x1FF30]  }
0x158: {  	s30 =	sand.u32 $0x70, s23;
	s31 =	sand.u32 $0x1C00, s23;
	[sflag:s19] =	ssyncset.done $0x0  }
0x159: {  	s22 =	sor.u32 s30, s31;
	[sflag:s19] =	ssyncadd.s32 $0xFFFFC000  }
0x15a: {  	vm7 =	vlt.s32 v1, v0;
	v1 =	vld [tilespmem:s22+$0x0]  }
0x15b: {  	vm12 =	vlt.s32 v3, v0;
	v3 =	vld [tilespmem:$0x1FF10]  }
0x15c: {  	vm0 =	vlt.s32 v2, v0;
	v2 =	vld [tilespmem:s22+$0x180];
	_ =	sdelay $0x3  }
0x15d: {  	vm15 =	vlt.s32 v3, v0  }
0x15e: {  	s24 =	simm.s32 $0x2080;
	s25 =	simm.s32 $0x10;
	s22 =	sand.u32 $0x3F0, s23;
	v5 =	vsel vm13, v1, v2;
	v4 =	vsel vm14, v1, v2;
	v3 =	vsel vm15, v1, v2  }
.LBB2_10:
0x15f: {  	s26 =	sand.u32 $0x3F0, s25;
	[tilespmem:s24+$0x0] =	vst v5;
	v5 =	vsel vm1, v1, v2;
	v6 =	vsel vm11, v1, v2;
	v7 =	vsel vm12, v1, v2;
	s23 =	sadd.s32 $0x80, s23;
	s24 =	sadd.s32 $0x10, s24  }
0x160: {  	p0 =	sne.s32 s25, $0x3F0;
	v8 =	vsel vm5, v1, v2;
	v9 =	vsel vm6, v1, v2;
	v10 =	vsel vm7, v1, v2;
	s28 =	smov.u32 s25;
	s25 =	sadd.s32 $0x10, s25;
	[tilespmem:s22+$0x5C80] =	vst v4  }
0x161: {  	v11 =	vsel vm9, v1, v2;
	v12 =	vsel vm10, v1, v2;
	v4 =	vsel vm8, v1, v2;
	[tilespmem:s22+$0x5880] =	vst v7  }
0x162: {  	v13 =	vsel vm3, v1, v2;
	v14 =	vsel vm4, v1, v2;
	v7 =	vsel vm2, v1, v2;
	[tilespmem:s22+$0x5480] =	vst v6  }
0x163: {  	v1 =	vsel vm0, v1, v2;
	[tilespmem:s22+$0x5080] =	vst v10  }
0x164: {  	[tilespmem:s22+$0x4C80] =	vst v9  }
0x165: {  	[tilespmem:s22+$0x4880] =	vst v8  }
0x166: {  	[tilespmem:s22+$0x4480] =	vst v12  }
0x167: {  	[tilespmem:s22+$0x4080] =	vst v11  }
0x168: {  	[tilespmem:s22+$0x3C80] =	vst v4  }
0x169: {  	[tilespmem:s22+$0x3880] =	vst v14  }
0x16a: {  	[tilespmem:s22+$0x3480] =	vst v13  }
0x16b: {  	[tilespmem:s22+$0x3080] =	vst v7  }
0x16c: {  	[tilespmem:s22+$0x2C80] =	vst v1  }
0x16d: {  	s28 =	sand.u32 $0x70, s28;
	s29 =	sand.u32 $0x1C00, s23;
	[tilespmem:s22+$0x2480] =	vst v3  }
0x16e: {  	s28 =	sor.u32 s28, s29;
	[tilespmem:s22+$0x2880] =	vst v5;
	s22 =	smov.u32 s26  }
0x16f: {  	v1 =	vld [tilespmem:s28+$0x0]  }
0x170: {  	v2 =	vld [tilespmem:s28+$0x180]  }
.Ltmp4:
0x171: {  	(pc) =	sbr.rel @p0 .LBB2_10-.Ltmp4, $2  }
0x172: {  	_ =	sdelay $0x2  }
0x173: {  	v5 =	vsel vm13, v1, v2;
	v3 =	vsel vm15, v1, v2;
	v4 =	vsel vm14, v1, v2  }
0x174: {  	[tilespmem:s24+$0x0] =	vst v5  }
0x175: {  	v5 =	vsel vm12, v1, v2;
	[tilespmem:s22+$0x5C80] =	vst v4  }
0x176: {  	[tilespmem:s22+$0x5880] =	vst v5  }
0x177: {  	v4 =	vsel vm11, v1, v2;
	[tilespmem:s22+$0x2480] =	vst v3  }
0x178: {  	v5 =	vsel vm7, v1, v2;
	[tilespmem:s22+$0x5480] =	vst v4  }
0x179: {  	v4 =	vsel vm6, v1, v2;
	[tilespmem:s22+$0x5080] =	vst v5  }
0x17a: {  	v5 =	vsel vm5, v1, v2;
	[tilespmem:s22+$0x4C80] =	vst v4  }
0x17b: {  	v4 =	vsel vm10, v1, v2;
	[tilespmem:s22+$0x4880] =	vst v5  }
0x17c: {  	v5 =	vsel vm9, v1, v2;
	[tilespmem:s22+$0x4480] =	vst v4  }
0x17d: {  	v4 =	vsel vm8, v1, v2;
	[tilespmem:s22+$0x4080] =	vst v5  }
0x17e: {  	v5 =	vsel vm4, v1, v2;
	[tilespmem:s22+$0x3C80] =	vst v4  }
0x17f: {  	v4 =	vsel vm3, v1, v2;
	[tilespmem:s22+$0x3880] =	vst v5  }
0x180: {  	v5 =	vsel vm2, v1, v2;
	[tilespmem:s22+$0x3480] =	vst v4  }
0x181: {  	v4 =	vsel vm0, v1, v2;
	[tilespmem:s22+$0x3080] =	vst v5  }
0x182: {  	v1 =	vsel vm1, v1, v2;
	[tilespmem:s22+$0x2C80] =	vst v4  }
0x183: {  	s23 =	simm.s32 $0x0;
	[tilespmem:s22+$0x2880] =	vst v1  }
0x184: {  	[hbm4b:s9+s23] =	stream.linear.scatter [tilespmem:s17], [sflag:$0x1], $0x4000, $0x38;
	[tilespmem:$0xA080] =	vst v63  }
0x185: {  	_ =	swait.ge [sflag:s20], $0x4000  }
0x186: {  	s30 =	sand.u32 $0x70, s23;
	s31 =	sand.u32 $0x1C00, s23;
	[sflag:s20] =	ssyncset.done $0x0  }
0x187: {  	s22 =	sor.u32 s30, s31;
	[sflag:s20] =	ssyncadd.s32 $0xFFFFC000  }
0x188: {  	vm13 =	vlt.s32 v15, v0;
	v1 =	vld [tilespmem:s22+$0x0]  }
0x189: {  	vm14 =	vlt.s32 v30, v0;
	vm12 =	vlt.s32 v29, v0;
	vm15 =	vlt.s32 v16, v0;
	v2 =	vld [tilespmem:s22+$0x180]  }
0x18a: {  	vm7 =	vlt.s32 v27, v0;
	vm11 =	vlt.s32 v28, v0;
	vm6 =	vlt.s32 v26, v0  }
0x18b: {  	vm5 =	vlt.s32 v25, v0;
	vm10 =	vlt.s32 v24, v0;
	vm9 =	vlt.s32 v23, v0  }
0x18c: {  	vm4 =	vlt.s32 v21, v0;
	vm8 =	vlt.s32 v22, v0;
	vm3 =	vlt.s32 v20, v0  }
0x18d: {  	vm2 =	vlt.s32 v19, v0;
	vm0 =	vlt.s32 v18, v0;
	vm1 =	vlt.s32 v17, v0  }
0x18e: {  	s24 =	simm.s32 $0x6080;
	s25 =	simm.s32 $0x10;
	s22 =	sand.u32 $0x3F0, s23;
	v5 =	vsel vm13, v1, v2;
	v3 =	vsel vm15, v1, v2;
	v4 =	vsel vm14, v1, v2  }
.LBB2_12:
0x18f: {  	s26 =	sand.u32 $0x3F0, s25;
	[tilespmem:s24+$0x0] =	vst v5;
	v5 =	vsel vm1, v1, v2;
	v6 =	vsel vm11, v1, v2;
	v7 =	vsel vm12, v1, v2;
	s23 =	sadd.s32 $0x80, s23;
	s24 =	sadd.s32 $0x10, s24  }
0x190: {  	p0 =	sne.s32 s25, $0x3F0;
	v8 =	vsel vm5, v1, v2;
	v9 =	vsel vm6, v1, v2;
	v10 =	vsel vm7, v1, v2;
	s28 =	smov.u32 s25;
	s25 =	sadd.s32 $0x10, s25;
	[tilespmem:s22+$0x9C80] =	vst v4  }
0x191: {  	v11 =	vsel vm9, v1, v2;
	v12 =	vsel vm10, v1, v2;
	v4 =	vsel vm8, v1, v2;
	[tilespmem:s22+$0x9880] =	vst v7  }
0x192: {  	v13 =	vsel vm3, v1, v2;
	v14 =	vsel vm4, v1, v2;
	v7 =	vsel vm2, v1, v2;
	[tilespmem:s22+$0x9480] =	vst v6  }
0x193: {  	v1 =	vsel vm0, v1, v2;
	[tilespmem:s22+$0x9080] =	vst v10  }
0x194: {  	[tilespmem:s22+$0x8C80] =	vst v9  }
0x195: {  	[tilespmem:s22+$0x8880] =	vst v8  }
0x196: {  	[tilespmem:s22+$0x8480] =	vst v12  }
0x197: {  	[tilespmem:s22+$0x8080] =	vst v11  }
0x198: {  	[tilespmem:s22+$0x7C80] =	vst v4  }
0x199: {  	[tilespmem:s22+$0x7880] =	vst v14  }
0x19a: {  	[tilespmem:s22+$0x7480] =	vst v13  }
0x19b: {  	[tilespmem:s22+$0x7080] =	vst v7  }
0x19c: {  	[tilespmem:s22+$0x6C80] =	vst v1  }
0x19d: {  	s28 =	sand.u32 $0x70, s28;
	s29 =	sand.u32 $0x1C00, s23;
	[tilespmem:s22+$0x6480] =	vst v3  }
0x19e: {  	s28 =	sor.u32 s28, s29;
	[tilespmem:s22+$0x6880] =	vst v5;
	s22 =	smov.u32 s26  }
0x19f: {  	v1 =	vld [tilespmem:s28+$0x0]  }
0x1a0: {  	v2 =	vld [tilespmem:s28+$0x180]  }
.Ltmp5:
0x1a1: {  	(pc) =	sbr.rel @p0 .LBB2_12-.Ltmp5, $2  }
0x1a2: {  	_ =	sdelay $0x2  }
0x1a3: {  	v5 =	vsel vm13, v1, v2;
	v3 =	vsel vm15, v1, v2;
	v4 =	vsel vm14, v1, v2  }
0x1a4: {  	[tilespmem:s24+$0x0] =	vst v5  }
0x1a5: {  	v5 =	vsel vm12, v1, v2;
	[tilespmem:s22+$0x9C80] =	vst v4  }
0x1a6: {  	[tilespmem:s22+$0x9880] =	vst v5  }
0x1a7: {  	v4 =	vsel vm11, v1, v2;
	[tilespmem:s22+$0x6480] =	vst v3  }
0x1a8: {  	v5 =	vsel vm7, v1, v2;
	[tilespmem:s22+$0x9480] =	vst v4  }
0x1a9: {  	v4 =	vsel vm6, v1, v2;
	[tilespmem:s22+$0x9080] =	vst v5  }
0x1aa: {  	v5 =	vsel vm5, v1, v2;
	[tilespmem:s22+$0x8C80] =	vst v4  }
0x1ab: {  	v4 =	vsel vm10, v1, v2;
	[tilespmem:s22+$0x8880] =	vst v5  }
0x1ac: {  	v5 =	vsel vm9, v1, v2;
	[tilespmem:s22+$0x8480] =	vst v4  }
0x1ad: {  	v4 =	vsel vm8, v1, v2;
	[tilespmem:s22+$0x8080] =	vst v5  }
0x1ae: {  	v5 =	vsel vm4, v1, v2;
	[tilespmem:s22+$0x7C80] =	vst v4  }
0x1af: {  	v4 =	vsel vm3, v1, v2;
	[tilespmem:s22+$0x7880] =	vst v5  }
0x1b0: {  	v5 =	vsel vm2, v1, v2;
	[tilespmem:s22+$0x7480] =	vst v4  }
0x1b1: {  	v4 =	vsel vm0, v1, v2;
	[tilespmem:s22+$0x7080] =	vst v5  }
0x1b2: {  	v1 =	vsel vm1, v1, v2;
	[tilespmem:s22+$0x6C80] =	vst v4  }
0x1b3: {  	s23 =	simm.s32 $0x0;
	[tilespmem:s22+$0x6880] =	vst v1  }
0x1b4: {  	[hbm4b:s10+s23] =	stream.linear.scatter [tilespmem:s18], [sflag:$0x2], $0x4000, $0x38;
	[tilespmem:$0xA080] =	vst v63  }
0x1b5: {  	_ =	swait.ge [sflag:s19], $0x4000  }
0x1b6: {  	s30 =	sand.u32 $0x70, s23;
	s31 =	sand.u32 $0x1C00, s23;
	[sflag:s19] =	ssyncset.done $0x0  }
0x1b7: {  	s22 =	sor.u32 s30, s31;
	[sflag:s19] =	ssyncadd.s32 $0xFFFFC000  }
0x1b8: {  	vm13 =	vlt.s32 v33, v0;
	v1 =	vld [tilespmem:s22+$0x0]  }
0x1b9: {  	vm14 =	vlt.s32 v46, v0;
	vm12 =	vlt.s32 v45, v0;
	vm15 =	vlt.s32 v31, v0;
	v2 =	vld [tilespmem:s22+$0x180]  }
0x1ba: {  	vm7 =	vlt.s32 v43, v0;
	vm11 =	vlt.s32 v44, v0;
	vm6 =	vlt.s32 v42, v0  }
0x1bb: {  	vm5 =	vlt.s32 v41, v0;
	vm10 =	vlt.s32 v40, v0;
	vm9 =	vlt.s32 v39, v0  }
0x1bc: {  	vm4 =	vlt.s32 v37, v0;
	vm8 =	vlt.s32 v38, v0;
	vm3 =	vlt.s32 v36, v0  }
0x1bd: {  	vm2 =	vlt.s32 v35, v0;
	vm0 =	vlt.s32 v34, v0;
	vm1 =	vlt.s32 v32, v0  }
0x1be: {  	s24 =	simm.s32 $0x2080;
	s25 =	simm.s32 $0x10;
	s22 =	sand.u32 $0x3F0, s23;
	v5 =	vsel vm13, v1, v2;
	v3 =	vsel vm15, v1, v2;
	v4 =	vsel vm14, v1, v2  }
.LBB2_14:
0x1bf: {  	s26 =	sand.u32 $0x3F0, s25;
	[tilespmem:s24+$0x0] =	vst v5;
	v5 =	vsel vm1, v1, v2;
	v6 =	vsel vm11, v1, v2;
	v7 =	vsel vm12, v1, v2;
	s23 =	sadd.s32 $0x80, s23;
	s24 =	sadd.s32 $0x10, s24  }
0x1c0: {  	p0 =	sne.s32 s25, $0x3F0;
	v8 =	vsel vm5, v1, v2;
	v9 =	vsel vm6, v1, v2;
	v10 =	vsel vm7, v1, v2;
	s28 =	smov.u32 s25;
	s25 =	sadd.s32 $0x10, s25;
	[tilespmem:s22+$0x5C80] =	vst v4  }
0x1c1: {  	v11 =	vsel vm9, v1, v2;
	v12 =	vsel vm10, v1, v2;
	v4 =	vsel vm8, v1, v2;
	[tilespmem:s22+$0x5880] =	vst v7  }
0x1c2: {  	v13 =	vsel vm3, v1, v2;
	v14 =	vsel vm4, v1, v2;
	v7 =	vsel vm2, v1, v2;
	[tilespmem:s22+$0x5480] =	vst v6  }
0x1c3: {  	v1 =	vsel vm0, v1, v2;
	[tilespmem:s22+$0x5080] =	vst v10  }
0x1c4: {  	[tilespmem:s22+$0x4C80] =	vst v9  }
0x1c5: {  	[tilespmem:s22+$0x4880] =	vst v8  }
0x1c6: {  	[tilespmem:s22+$0x4480] =	vst v12  }
0x1c7: {  	[tilespmem:s22+$0x4080] =	vst v11  }
0x1c8: {  	[tilespmem:s22+$0x3C80] =	vst v4  }
0x1c9: {  	[tilespmem:s22+$0x3880] =	vst v14  }
0x1ca: {  	[tilespmem:s22+$0x3480] =	vst v13  }
0x1cb: {  	[tilespmem:s22+$0x3080] =	vst v7  }
0x1cc: {  	[tilespmem:s22+$0x2C80] =	vst v1  }
0x1cd: {  	s28 =	sand.u32 $0x70, s28;
	s29 =	sand.u32 $0x1C00, s23;
	[tilespmem:s22+$0x2480] =	vst v3  }
0x1ce: {  	s28 =	sor.u32 s28, s29;
	[tilespmem:s22+$0x2880] =	vst v5;
	s22 =	smov.u32 s26  }
0x1cf: {  	v1 =	vld [tilespmem:s28+$0x0]  }
0x1d0: {  	v2 =	vld [tilespmem:s28+$0x180]  }
.Ltmp6:
0x1d1: {  	(pc) =	sbr.rel @p0 .LBB2_14-.Ltmp6, $2  }
0x1d2: {  	_ =	sdelay $0x2  }
0x1d3: {  	v5 =	vsel vm13, v1, v2;
	v3 =	vsel vm15, v1, v2;
	v4 =	vsel vm14, v1, v2  }
0x1d4: {  	[tilespmem:s24+$0x0] =	vst v5  }
0x1d5: {  	v5 =	vsel vm12, v1, v2;
	[tilespmem:s22+$0x5C80] =	vst v4  }
0x1d6: {  	[tilespmem:s22+$0x5880] =	vst v5  }
0x1d7: {  	v4 =	vsel vm11, v1, v2;
	[tilespmem:s22+$0x2480] =	vst v3  }
0x1d8: {  	v5 =	vsel vm7, v1, v2;
	[tilespmem:s22+$0x5480] =	vst v4  }
0x1d9: {  	v4 =	vsel vm6, v1, v2;
	[tilespmem:s22+$0x5080] =	vst v5  }
0x1da: {  	v5 =	vsel vm5, v1, v2;
	[tilespmem:s22+$0x4C80] =	vst v4  }
0x1db: {  	v4 =	vsel vm10, v1, v2;
	[tilespmem:s22+$0x4880] =	vst v5  }
0x1dc: {  	v5 =	vsel vm9, v1, v2;
	[tilespmem:s22+$0x4480] =	vst v4  }
0x1dd: {  	v4 =	vsel vm8, v1, v2;
	[tilespmem:s22+$0x4080] =	vst v5  }
0x1de: {  	v5 =	vsel vm4, v1, v2;
	[tilespmem:s22+$0x3C80] =	vst v4  }
0x1df: {  	v4 =	vsel vm3, v1, v2;
	[tilespmem:s22+$0x3880] =	vst v5  }
0x1e0: {  	v5 =	vsel vm2, v1, v2;
	[tilespmem:s22+$0x3480] =	vst v4  }
0x1e1: {  	v4 =	vsel vm0, v1, v2;
	[tilespmem:s22+$0x3080] =	vst v5  }
0x1e2: {  	v1 =	vsel vm1, v1, v2;
	[tilespmem:s22+$0x2C80] =	vst v4  }
0x1e3: {  	s23 =	simm.s32 $0x0;
	[tilespmem:s22+$0x2880] =	vst v1  }
0x1e4: {  	[hbm4b:s11+s23] =	stream.linear.scatter [tilespmem:s17], [sflag:$0x1], $0x4000, $0x38;
	[tilespmem:$0xA080] =	vst v63  }
0x1e5: {  	_ =	swait.ge [sflag:s20], $0x4000  }
0x1e6: {  	s30 =	sand.u32 $0x70, s23;
	s31 =	sand.u32 $0x1C00, s23;
	[sflag:s20] =	ssyncset.done $0x0  }
0x1e7: {  	s22 =	sor.u32 s30, s31;
	[sflag:s20] =	ssyncadd.s32 $0xFFFFC000  }
0x1e8: {  	vm13 =	vlt.s32 v50, v0;
	v1 =	vld [tilespmem:s22+$0x0]  }
0x1e9: {  	vm14 =	vlt.s32 v63, v0;
	vm12 =	vlt.s32 v62, v0;
	vm15 =	vlt.s32 v47, v0;
	v2 =	vld [tilespmem:s22+$0x180]  }
0x1ea: {  	vm7 =	vlt.s32 v60, v0;
	vm11 =	vlt.s32 v61, v0;
	vm6 =	vlt.s32 v59, v0  }
0x1eb: {  	vm5 =	vlt.s32 v58, v0;
	vm10 =	vlt.s32 v57, v0;
	vm9 =	vlt.s32 v56, v0  }
0x1ec: {  	vm4 =	vlt.s32 v54, v0;
	vm8 =	vlt.s32 v55, v0;
	vm3 =	vlt.s32 v53, v0  }
0x1ed: {  	vm2 =	vlt.s32 v52, v0;
	vm0 =	vlt.s32 v49, v0;
	vm1 =	vlt.s32 v48, v0  }
0x1ee: {  	s24 =	simm.s32 $0x6080;
	s25 =	simm.s32 $0x10;
	s22 =	sand.u32 $0x3F0, s23;
	v4 =	vsel vm13, v1, v2;
	v0 =	vsel vm15, v1, v2;
	v3 =	vsel vm14, v1, v2  }
.LBB2_16:
0x1ef: {  	s26 =	sand.u32 $0x3F0, s25;
	[tilespmem:s24+$0x0] =	vst v4;
	v4 =	vsel vm1, v1, v2;
	v5 =	vsel vm11, v1, v2;
	v6 =	vsel vm12, v1, v2;
	s23 =	sadd.s32 $0x80, s23;
	s24 =	sadd.s32 $0x10, s24  }
0x1f0: {  	p0 =	sne.s32 s25, $0x3F0;
	v7 =	vsel vm5, v1, v2;
	v8 =	vsel vm6, v1, v2;
	v9 =	vsel vm7, v1, v2;
	s28 =	smov.u32 s25;
	s25 =	sadd.s32 $0x10, s25;
	[tilespmem:s22+$0x9C80] =	vst v3  }
0x1f1: {  	v10 =	vsel vm9, v1, v2;
	v11 =	vsel vm10, v1, v2;
	v3 =	vsel vm8, v1, v2;
	[tilespmem:s22+$0x9880] =	vst v6  }
0x1f2: {  	v12 =	vsel vm3, v1, v2;
	v13 =	vsel vm4, v1, v2;
	v6 =	vsel vm2, v1, v2;
	[tilespmem:s22+$0x9480] =	vst v5  }
0x1f3: {  	v1 =	vsel vm0, v1, v2;
	[tilespmem:s22+$0x9080] =	vst v9  }
0x1f4: {  	[tilespmem:s22+$0x8C80] =	vst v8  }
0x1f5: {  	[tilespmem:s22+$0x8880] =	vst v7  }
0x1f6: {  	[tilespmem:s22+$0x8480] =	vst v11  }
0x1f7: {  	[tilespmem:s22+$0x8080] =	vst v10  }
0x1f8: {  	[tilespmem:s22+$0x7C80] =	vst v3  }
0x1f9: {  	[tilespmem:s22+$0x7880] =	vst v13  }
0x1fa: {  	[tilespmem:s22+$0x7480] =	vst v12  }
0x1fb: {  	[tilespmem:s22+$0x7080] =	vst v6  }
0x1fc: {  	[tilespmem:s22+$0x6C80] =	vst v1  }
0x1fd: {  	s28 =	sand.u32 $0x70, s28;
	s29 =	sand.u32 $0x1C00, s23;
	[tilespmem:s22+$0x6480] =	vst v0  }
0x1fe: {  	s28 =	sor.u32 s28, s29;
	[tilespmem:s22+$0x6880] =	vst v4;
	s22 =	smov.u32 s26  }
0x1ff: {  	v1 =	vld [tilespmem:s28+$0x0]  }
0x200: {  	v2 =	vld [tilespmem:s28+$0x180]  }
.Ltmp7:
0x201: {  	(pc) =	sbr.rel @p0 .LBB2_16-.Ltmp7, $2  }
0x202: {  	_ =	sdelay $0x2  }
0x203: {  	v4 =	vsel vm13, v1, v2;
	v0 =	vsel vm15, v1, v2;
	v3 =	vsel vm14, v1, v2  }
0x204: {  	[tilespmem:s24+$0x0] =	vst v4  }
0x205: {  	v11 =	vsel vm12, v1, v2;
	[tilespmem:s22+$0x9C80] =	vst v3  }
0x206: {  	v8 =	vsel vm11, v1, v2;
	[tilespmem:s22+$0x9880] =	vst v11  }
0x207: {  	v9 =	vsel vm7, v1, v2;
	[tilespmem:s22+$0x9480] =	vst v8  }
0x208: {  	v10 =	vsel vm6, v1, v2;
	[tilespmem:s22+$0x9080] =	vst v9  }
0x209: {  	[tilespmem:s22+$0x8C80] =	vst v10  }
0x20a: {  	v11 =	vsel vm5, v1, v2;
	[tilespmem:s22+$0x6480] =	vst v0  }
0x20b: {  	v8 =	vsel vm10, v1, v2;
	[tilespmem:s22+$0x8880] =	vst v11  }
0x20c: {  	v9 =	vsel vm9, v1, v2;
	[tilespmem:s22+$0x8480] =	vst v8  }
0x20d: {  	v10 =	vsel vm8, v1, v2;
	[tilespmem:s22+$0x8080] =	vst v9  }
0x20e: {  	v11 =	vsel vm4, v1, v2;
	[tilespmem:s22+$0x7C80] =	vst v10  }
0x20f: {  	v8 =	vsel vm3, v1, v2;
	[tilespmem:s22+$0x7880] =	vst v11  }
0x210: {  	v9 =	vsel vm2, v1, v2;
	[tilespmem:s22+$0x7480] =	vst v8  }
0x211: {  	v10 =	vsel vm0, v1, v2;
	[tilespmem:s22+$0x7080] =	vst v9  }
0x212: {  	[tilespmem:s22+$0x6C80] =	vst v10;
	v11 =	vsel vm1, v1, v2  }
0x213: {  	s21 =	sadd.s32 $0x1, s21;
	[tilespmem:s22+$0x6880] =	vst v11  }
0x214: {  	[hbm4b:s12+s3] =	stream.linear.scatter [tilespmem:s18], [sflag:$0x2], $0x4000, $0x38;
	[tilespmem:$0xA080] =	vst v63  }
0x215: {  	p0 =	sne.s32 s21, s13;
	_ =	swait.ge [sflag:s19], $0x4000  }
.Ltmp8:
0x216: {  	[sflag:s19] =	ssyncset.done $0x0;
	(pc) =	sbr.rel @p0 .LBB2_1-.Ltmp8, $4  }
0x217: {  	[sflag:s19] =	ssyncadd.s32 $0xFFFFC000  }
0x218: {  	_ =	swait.ge [sflag:s20], $0x4000  }
0x219: {  	[sflag:s20] =	ssyncset.done $0x0  }
0x21a: {  	[sflag:s20] =	ssyncadd.s32 $0xFFFFC000  }
0x21b: {  	_ =	sfence.sel $0x180000  }
0x21c: {  	[bflag:$0x0] =	sbarrier.arrive $0xFFFF  }
0x21d: {  	p0 =	sne.s32 s2, $0x0;
	_ =	strace $0x90000047  }
0x21e: {  	s0 =	sadd.s32 @!p0 $0x100000, s0;
	[bflag:$0x2] =	sbarrier.arrive $0xFFFF  }
0x21f: {  	[sflag:s0] =	ssyncadd.tile.s32 @!p0 $0x1;
	_ =	shalt  }
.Lfunc_end2:
_tile_overlayer_lowered:
.L_overlay_start_2:
0x220: {  	(tag) =	ssettag $0x2  }
0x221: {  	s0 =	rddreg [dreg:$0x0];
	s2 =	stileid.u32  }
0x222: {  	s1 =	rddreg [dreg:$0x1];
	p0 =	sne.s32 s2, $0x0  }
0x223: {  	s3 =	rddreg [dreg:$0x2];
	[bflag:$0x3] =	sbarrier.arrive $0xFFFF;
	s2 =	simm.s32 @!p0 $0x1C04  }
0x224: {  	[timem:s3], [sflag:s2] =	dma.local @!p0 [hbm:s0], s1  }
0x225: {  	s0 =	simm.s32 @!p0 $0x4  }
0x226: {  	_ =	swait.ge @!p0 [sflag:s0], s1  }
0x227: {  	s1 =	ssub.s32 @!p0 $0x0, s1;
	[sflag:s0] =	ssyncset.done @!p0 $0x0  }
0x228: {  	[sflag:s0] =	ssyncadd.s32 @!p0 s1  }
0x229: {  	[bflag:$0x3] =	sbarrier.arrive $0xFFFF  }
0x22a: {  	_ =	shalt  }

</sc_bundles>
